<compile_context>
chip_gen: v7x
topology: tpu7x:2x2x1
jax: 0.10.2.dev20260603
libtpu: 0.0.44.dev20260713+nightly
codegen_flags: <defaults>
</compile_context>

<pallas_src>
import functools

import jax
import jax.numpy as jnp
from jax import lax
from jax.experimental import pallas as pl
from jax.experimental.pallas import tpu as pltpu
from jax.experimental.pallas import tpu_sc as plsc

N = 10000
E = 320000
IN_DIM = 128
HID = 256
OUT_DIM = 128
F = 128
FQ = 64
NQ = 4
NPASS = 2

NC = 2
NS = 16
NW = NC * NS

K = 128
NP = 10240
ROWS_PER_TILE = NP // NS
EPT_AGG = 20480
EP = NS * EPT_AGG
NB_AGG = EPT_AGG // K
EPT_DEG = EP // NW
NB_DEG = EPT_DEG // K
DEGW = 16

_MESH = plsc.VectorSubcoreMesh(core_axis_name="c", subcore_axis_name="s")
_SC_PARAMS = pltpu.CompilerParams(use_tc_tiling_on_sc=False)
_PREC = jax.lax.Precision.DEFAULT


def _elu(x):
    return jnp.where(x > 0, x, jnp.exp(jnp.minimum(x, 0.0)) - 1.0)


@functools.partial(
    pl.kernel,
    out_type=jax.ShapeDtypeStruct((NC * NP, DEGW), jnp.float32),
    mesh=_MESH,
    compiler_params=_SC_PARAMS,
    scratch_types=[
        pltpu.VMEM((NB_DEG, K), jnp.int32),
        pltpu.VMEM((K, DEGW), jnp.float32),
        pltpu.VMEM_SHARED((NP, DEGW), jnp.float32),
        [pltpu.SemaphoreType.DMA] * 8,
    ],
)
def _degree_kernel(dst_hbm, zeros_hbm, ones_hbm, out_hbm, dstv, ones_v,
                   deg_sp, deg_sem):
    cid = lax.axis_index("c")
    sid = lax.axis_index("s")
    wid = cid * NS + sid

    pltpu.sync_copy(zeros_hbm.at[pl.ds(sid * ROWS_PER_TILE, ROWS_PER_TILE)],
                    deg_sp.at[pl.ds(sid * ROWS_PER_TILE, ROWS_PER_TILE)])

    pltpu.sync_copy(dst_hbm.at[wid], dstv)
    pltpu.sync_copy(ones_hbm, ones_v)
    plsc.subcore_barrier()

    def fire8(i, _):
        base = 8 * i
        for r in range(8):
            pltpu.async_copy(ones_v, deg_sp.at[dstv.at[base + r]],
                             deg_sem[r], add=True)
        for r in range(8):
            pltpu.make_async_copy(ones_v, deg_sp.at[dstv.at[base + r]],
                                  deg_sem[r]).wait()
        return 0
    lax.fori_loop(0, NB_DEG // 8, fire8, 0)

    plsc.subcore_barrier()
    pltpu.sync_copy(deg_sp.at[pl.ds(sid * ROWS_PER_TILE, ROWS_PER_TILE)],
                    out_hbm.at[pl.ds(cid * NP + sid * ROWS_PER_TILE,
                                     ROWS_PER_TILE)])


@functools.partial(
    pl.kernel,
    out_type=jax.ShapeDtypeStruct((NQ * NP, FQ), jnp.float32),
    mesh=_MESH,
    compiler_params=_SC_PARAMS,
    scratch_types=[
        pltpu.VMEM((NB_AGG, K), jnp.int32),
        pltpu.VMEM((NB_AGG, K), jnp.int32),
        pltpu.VMEM((5, K, FQ), jnp.float32),
        pltpu.VMEM_SHARED((NP, FQ), jnp.float32),
        [pltpu.SemaphoreType.DMA] * 5,
        [pltpu.SemaphoreType.DMA] * 5,
    ],
)
def _aggregate_kernel(src_hbm, dst_hbm, g_hbm, zeros_hbm, out_hbm,
                      srcv, dstv, rows, acc_sp, sem_g, sem_s):
    cid = lax.axis_index("c")
    sid = lax.axis_index("s")

    pltpu.sync_copy(dst_hbm.at[sid], dstv)
    pltpu.sync_copy(src_hbm.at[sid], srcv)

    for p in range(NPASS):
        q = p * NC + cid

        pltpu.sync_copy(
            zeros_hbm.at[pl.ds(sid * ROWS_PER_TILE, ROWS_PER_TILE)],
            acc_sp.at[pl.ds(sid * ROWS_PER_TILE, ROWS_PER_TILE)])
        plsc.subcore_barrier()

        gq = g_hbm.at[q]
        for r in range(5):
            pltpu.async_copy(gq.at[srcv.at[r]], rows.at[r], sem_g[r])

        def quint(i, _):
            base = 5 * i
            for r in range(5):
                b = base + r
                pltpu.make_async_copy(gq.at[srcv.at[b]], rows.at[r],
                                      sem_g[r]).wait()
                pltpu.async_copy(rows.at[r], acc_sp.at[dstv.at[b]],
                                 sem_s[r], add=True)
            for r in range(5):
                b = base + r
                pltpu.make_async_copy(rows.at[r], acc_sp.at[dstv.at[b]],
                                      sem_s[r]).wait()

                @pl.when(b + 5 < NB_AGG)
                def _():
                    pltpu.async_copy(gq.at[srcv.at[b + 5]], rows.at[r],
                                     sem_g[r])

            return 0
        lax.fori_loop(0, NB_AGG // 5, quint, 0)

        plsc.subcore_barrier()
        pltpu.sync_copy(acc_sp.at[pl.ds(sid * ROWS_PER_TILE, ROWS_PER_TILE)],
                        out_hbm.at[pl.ds(q * NP + sid * ROWS_PER_TILE,
                                         ROWS_PER_TILE)])


NBLK = 1000
GRID = N // NBLK


def _mlp_body(x_ref, w1_ref, b1_ref, w2_ref, b2_ref, wg_ref, degp_ref, g_ref):
    x = x_ref[...]
    h = jnp.dot(x, w1_ref[...], precision=_PREC) + b1_ref[...]
    h = _elu(h)
    h = jnp.dot(h, w2_ref[...], precision=_PREC) + b2_ref[...]
    h = _elu(h)
    hg = jnp.dot(h, wg_ref[...], precision=_PREC)
    deg = jnp.sum(degp_ref[...], axis=(0, 2)) * (1.0 / DEGW) + 1.0
    dinv = jax.lax.rsqrt(deg)[:, None]
    g = hg * dinv
    for q in range(NQ):
        g_ref[q] = g[:, q * FQ:(q + 1) * FQ]


def _mlp_call(x, W1, b1r, W2, b2r, Wg, degp):
    return pl.pallas_call(
        _mlp_body,
        grid=(GRID,),
        in_specs=[
            pl.BlockSpec((NBLK, IN_DIM), lambda i: (i, 0)),
            pl.BlockSpec((IN_DIM, HID), lambda i: (0, 0)),
            pl.BlockSpec((1, HID), lambda i: (0, 0)),
            pl.BlockSpec((HID, HID), lambda i: (0, 0)),
            pl.BlockSpec((1, HID), lambda i: (0, 0)),
            pl.BlockSpec((HID, HID), lambda i: (0, 0)),
            pl.BlockSpec((NC, NBLK, DEGW), lambda i: (0, i, 0)),
        ],
        out_specs=pl.BlockSpec((NQ, NBLK, FQ), lambda i: (0, i, 0)),
        out_shape=jax.ShapeDtypeStruct((NQ, N, FQ), jnp.float32),
    )(x, W1, b1r, W2, b2r, Wg, degp)


def _head_body(acc_ref, g_ref, degp_ref, bg_ref, wf_ref, bf_ref, y_ref):
    deg = jnp.sum(degp_ref[...], axis=(0, 2)) * (1.0 / DEGW) + 1.0
    dinv = jax.lax.rsqrt(deg)[:, None]
    bg = bg_ref[...]
    parts = [
        _elu((g_ref[q] + acc_ref[q]) * dinv + bg[:, q * FQ:(q + 1) * FQ])
        for q in range(NQ)
    ]
    h = jnp.concatenate(parts, axis=1)
    y_ref[...] = jnp.dot(h, wf_ref[...], precision=_PREC) + bf_ref[...]


def _head_call(acc, g, degp, bgr, Wf, bfr):
    return pl.pallas_call(
        _head_body,
        grid=(GRID,),
        in_specs=[
            pl.BlockSpec((NQ, NBLK, FQ), lambda i: (0, i, 0)),
            pl.BlockSpec((NQ, NBLK, FQ), lambda i: (0, i, 0)),
            pl.BlockSpec((NC, NBLK, DEGW), lambda i: (0, i, 0)),
            pl.BlockSpec((1, HID), lambda i: (0, 0)),
            pl.BlockSpec((HID, OUT_DIM), lambda i: (0, 0)),
            pl.BlockSpec((1, OUT_DIM), lambda i: (0, 0)),
        ],
        out_specs=pl.BlockSpec((NBLK, OUT_DIM), lambda i: (i, 0)),
        out_shape=jax.ShapeDtypeStruct((N, OUT_DIM), jnp.float32),
    )(acc, g, degp, bgr, Wf, bfr)


def kernel(x, edge_index, W1, b1, W2, b2, Wg, bg, Wf, bf):
    ei = edge_index.astype(jnp.int32)
    src2 = ei[0].reshape(E // K, K)
    dst2 = ei[1].reshape(E // K, K)

    pad = EP - E
    pad_src = (jnp.arange(pad, dtype=jnp.int32) % N).reshape(pad // K, K)
    pad_dst = (N + jnp.arange(pad, dtype=jnp.int32) % (NP - N)).reshape(
        pad // K, K)
    srcp = jnp.concatenate([src2, pad_src])
    dstp = jnp.concatenate([dst2, pad_dst])

    src_agg = srcp.reshape(NS, NB_AGG, K)
    dst_agg = dstp.reshape(NS, NB_AGG, K)
    dst_deg = dstp.reshape(NW, NB_DEG, K)

    zeros_deg = jnp.zeros((NP, DEGW), jnp.float32)
    zeros_f = jnp.zeros((NP, FQ), jnp.float32)

    b1r = b1.reshape(1, HID)
    b2r = b2.reshape(1, HID)
    bgr = bg.reshape(1, HID)
    bfr = bf.reshape(1, OUT_DIM)

    ones_rows = jnp.ones((K, DEGW), jnp.float32)
    degp = _degree_kernel(dst_deg, zeros_deg, ones_rows).reshape(NC, NP, DEGW)

    g = _mlp_call(x, W1, b1r, W2, b2r, Wg, degp)
    acc = _aggregate_kernel(src_agg, dst_agg, g, zeros_f)
    y = _head_call(acc.reshape(NQ, NP, FQ), g, degp, bgr, Wf, bfr)
    return y

# --- scband reference (transcript-rebuilt; emitter-appended) ---
"""Pipeline reference for scband-separate-gnnmodel-72206990180723 (READ-ONLY COPY).

The authoritative reference and input builder live on the scoring server;
editing this copy changes nothing except your own understanding.
"""

import jax, jax.numpy as jnp
import numpy as np

N_NODES = 10000
N_EDGES = 320000
IN_DIM = 128
HID = 256
OUT_DIM = 128


def setup_inputs(seed: int = 0) -> dict:
    key = jax.random.key(seed)
    ks = jax.random.split(key, 12)
    x = jax.random.normal(ks[0], (N_NODES, IN_DIM), dtype=jnp.float32)
    edge_index = jax.random.randint(ks[1], (2, N_EDGES), 0, N_NODES, dtype=jnp.int64)
    def glorot(k, shape):
        lim = np.sqrt(6.0 / (shape[0] + shape[1]))
        return jax.random.uniform(k, shape, dtype=jnp.float32, minval=-lim, maxval=lim)
    W1 = glorot(ks[2], (IN_DIM, HID)); b1 = jnp.zeros((HID,), jnp.float32)
    W2 = glorot(ks[3], (HID, HID)); b2 = jnp.zeros((HID,), jnp.float32)
    Wg = glorot(ks[4], (HID, HID)); bg = jnp.zeros((HID,), jnp.float32)
    Wf = glorot(ks[5], (HID, OUT_DIM)); bf = jnp.zeros((OUT_DIM,), jnp.float32)
    return {"x": x, "edge_index": edge_index, "W1": W1, "b1": b1, "W2": W2, "b2": b2, "Wg": Wg, "bg": bg, "Wf": Wf, "bf": bf}


def gcn_conv(x, edge_index, Wg, bg, num_nodes):
    # GCNConv with self-loops and symmetric normalization (PyG semantics)
    loops = jnp.arange(num_nodes, dtype=edge_index.dtype)
    src = jnp.concatenate([edge_index[0], loops])
    dst = jnp.concatenate([edge_index[1], loops])
    h = x @ Wg
    ones = jnp.ones_like(dst, dtype=x.dtype)
    deg = jax.ops.segment_sum(ones, dst, num_segments=num_nodes)
    deg_inv_sqrt = jnp.where(deg > 0, deg ** -0.5, 0.0)
    norm = deg_inv_sqrt[src] * deg_inv_sqrt[dst]
    msg = h[src] * norm[:, None]
    out = jax.ops.segment_sum(msg, dst, num_segments=num_nodes)
    return out + bg


def reference(x, edge_index, W1, b1, W2, b2, Wg, bg, Wf, bf):
    # MLP (dropout = identity in eval mode)
    h = jax.nn.elu(x @ W1 + b1)
    h = jax.nn.elu(h @ W2 + b2)
    # GCN layer
    h = gcn_conv(h, edge_index, Wg, bg, x.shape[0])
    h = jax.nn.elu(h)
    # output projection
    return h @ Wf + bf

if __name__ == "__main__":
    import jax
    _d = setup_inputs()
    print(jax.jit(kernel)(*tuple(_d.values())))

</pallas_src>

<mosaic_0001>
#map = affine_map<(d0, d1) -> (0, 0, 0)>
#map1 = affine_map<(d0, d1) -> (0, 0)>
module attributes {stable_mosaic.version = 14 : i64} {
  func.func @_degree_kernel(%arg0: i32, %arg1: i32, %arg2: memref<32x80x128xi32, #tpu.memory_space<hbm>>, %arg3: memref<10240x16xf32, #tpu.memory_space<hbm>>, %arg4: memref<128x16xf32, #tpu.memory_space<hbm>>, %arg5: memref<20480x16xf32, #tpu.memory_space<hbm>>, %arg6: memref<80x128xi32, #tpu.memory_space<vmem>>, %arg7: memref<128x16xf32, #tpu.memory_space<vmem>>, %arg8: memref<10240x16xf32, #tpu.memory_space<vmem_shared>>, %arg9: memref<!tpu.dma_semaphore, #tpu.memory_space<semaphore_mem>>, %arg10: memref<!tpu.dma_semaphore, #tpu.memory_space<semaphore_mem>>, %arg11: memref<!tpu.dma_semaphore, #tpu.memory_space<semaphore_mem>>, %arg12: memref<!tpu.dma_semaphore, #tpu.memory_space<semaphore_mem>>, %arg13: memref<!tpu.dma_semaphore, #tpu.memory_space<semaphore_mem>>, %arg14: memref<!tpu.dma_semaphore, #tpu.memory_space<semaphore_mem>>, %arg15: memref<!tpu.dma_semaphore, #tpu.memory_space<semaphore_mem>>, %arg16: memref<!tpu.dma_semaphore, #tpu.memory_space<semaphore_mem>>) attributes {dimension_semantics = [#tpu.dimension_semantics<core_parallel>, #tpu.dimension_semantics<subcore_parallel>], iteration_bounds = array<i64: 2, 16>, scalar_prefetch = 0 : i64, scratch_operands = 11 : i64, tpu.core_type = #tpu.core_type<sc_vector_subcore>, window_params = [{transform_indices = #map}, {transform_indices = #map1}, {transform_indices = #map1}, {transform_indices = #map1}]} {
    %mul3A = arith.constant 16 : i32
    %mul3A_0 = arith.muli %arg0, %mul3A : i32
    %add3A = arith.addi %mul3A_0, %arg1 : i32
    %mul3A_1 = arith.constant 640 : i32
    %mul3A_2 = arith.muli %arg1, %mul3A_1 : i32
    %mul3A_3 = arith.constant 640 : i32
    %mul3A_4 = arith.muli %arg1, %mul3A_3 : i32
    "tpu.region"() ({
      %run_scoped3A = tpu.sem_alloc : memref<!tpu.dma_semaphore, #tpu.memory_space<semaphore_mem>>
      %dma_start3A = arith.constant 0 : i32
      %dma_start3A_19 = tpu.memref_slice %arg8[%mul3A_4, %dma_start3A] : memref<10240x16xf32, #tpu.memory_space<vmem_shared>> -> memref<640x16xf32, #tpu.memory_space<vmem_shared>>
      %dma_start3A_20 = arith.constant 0 : i32
      %dma_start3A_21 = tpu.memref_slice %arg3[%mul3A_2, %dma_start3A_20] : memref<10240x16xf32, #tpu.memory_space<hbm>> -> memref<640x16xf32, #tpu.memory_space<hbm>>
      tpu.enqueue_dma source(%dma_start3A_21 : memref<640x16xf32, #tpu.memory_space<hbm>>) target(%dma_start3A_19 : memref<640x16xf32, #tpu.memory_space<vmem_shared>>) target_semaphore(%run_scoped3A : memref<!tpu.dma_semaphore, #tpu.memory_space<semaphore_mem>>)
      %dma_wait3A = arith.constant 0 : i32
      %dma_wait3A_22 = tpu.memref_slice %arg8[%mul3A_4, %dma_wait3A] : memref<10240x16xf32, #tpu.memory_space<vmem_shared>> -> memref<640x16xf32, #tpu.memory_space<vmem_shared>>
      %dma_wait3A_23 = arith.constant 0 : i32
      %dma_wait3A_24 = tpu.memref_slice %arg3[%mul3A_2, %dma_wait3A_23] : memref<10240x16xf32, #tpu.memory_space<hbm>> -> memref<640x16xf32, #tpu.memory_space<hbm>>
      tpu.wait_dma2 semaphore(%run_scoped3A : memref<!tpu.dma_semaphore, #tpu.memory_space<semaphore_mem>>) src(%dma_wait3A_24 : memref<640x16xf32, #tpu.memory_space<hbm>>) dst(%dma_wait3A_22 : memref<640x16xf32, #tpu.memory_space<vmem_shared>>)
      tpu.yield
    }) : () -> ()
    "tpu.region"() ({
      %run_scoped3A = tpu.sem_alloc : memref<!tpu.dma_semaphore, #tpu.memory_space<semaphore_mem>>
      %dma_start3A = arith.constant 0 : i32
      %dma_start3A_19 = arith.constant 0 : i32
      %dma_start3A_20 = tpu.memref_slice %arg2[%add3A, %dma_start3A, %dma_start3A_19] : memref<32x80x128xi32, #tpu.memory_space<hbm>> -> memref<1x80x128xi32, #tpu.memory_space<hbm>>
      %dma_start3A_21 = tpu.memref_squeeze %dma_start3A_20 : memref<1x80x128xi32, #tpu.memory_space<hbm>> -> memref<80x128xi32, #tpu.memory_space<hbm>>
      %dma_start3A_22 = arith.constant 0 : i32
      %dma_start3A_23 = arith.constant 0 : i32
      %dma_start3A_24 = tpu.memref_slice %arg2[%add3A, %dma_start3A_22, %dma_start3A_23] : memref<32x80x128xi32, #tpu.memory_space<hbm>> -> memref<1x80x128xi32, #tpu.memory_space<hbm>>
      %dma_start3A_25 = tpu.memref_squeeze %dma_start3A_24 : memref<1x80x128xi32, #tpu.memory_space<hbm>> -> memref<80x128xi32, #tpu.memory_space<hbm>>
      tpu.enqueue_dma source(%dma_start3A_25 : memref<80x128xi32, #tpu.memory_space<hbm>>) target(%arg6 : memref<80x128xi32, #tpu.memory_space<vmem>>) target_semaphore(%run_scoped3A : memref<!tpu.dma_semaphore, #tpu.memory_space<semaphore_mem>>)
      %dma_wait3A = arith.constant 0 : i32
      %dma_wait3A_26 = arith.constant 0 : i32
      %dma_wait3A_27 = tpu.memref_slice %arg2[%add3A, %dma_wait3A, %dma_wait3A_26] : memref<32x80x128xi32, #tpu.memory_space<hbm>> -> memref<1x80x128xi32, #tpu.memory_space<hbm>>
      %dma_wait3A_28 = tpu.memref_squeeze %dma_wait3A_27 : memref<1x80x128xi32, #tpu.memory_space<hbm>> -> memref<80x128xi32, #tpu.memory_space<hbm>>
      %dma_wait3A_29 = arith.constant 0 : i32
      %dma_wait3A_30 = arith.constant 0 : i32
      %dma_wait3A_31 = tpu.memref_slice %arg2[%add3A, %dma_wait3A_29, %dma_wait3A_30] : memref<32x80x128xi32, #tpu.memory_space<hbm>> -> memref<1x80x128xi32, #tpu.memory_space<hbm>>
      %dma_wait3A_32 = tpu.memref_squeeze %dma_wait3A_31 : memref<1x80x128xi32, #tpu.memory_space<hbm>> -> memref<80x128xi32, #tpu.memory_space<hbm>>
      tpu.wait_dma2 semaphore(%run_scoped3A : memref<!tpu.dma_semaphore, #tpu.memory_space<semaphore_mem>>) src(%dma_wait3A_32 : memref<80x128xi32, #tpu.memory_space<hbm>>) dst(%arg6 : memref<80x128xi32, #tpu.memory_space<vmem>>)
      tpu.yield
    }) : () -> ()
    "tpu.region"() ({
      %run_scoped3A = tpu.sem_alloc : memref<!tpu.dma_semaphore, #tpu.memory_space<semaphore_mem>>
      tpu.enqueue_dma source(%arg4 : memref<128x16xf32, #tpu.memory_space<hbm>>) target(%arg7 : memref<128x16xf32, #tpu.memory_space<vmem>>) target_semaphore(%run_scoped3A : memref<!tpu.dma_semaphore, #tpu.memory_space<semaphore_mem>>)
      tpu.wait_dma2 semaphore(%run_scoped3A : memref<!tpu.dma_semaphore, #tpu.memory_space<semaphore_mem>>) src(%arg4 : memref<128x16xf32, #tpu.memory_space<hbm>>) dst(%arg7 : memref<128x16xf32, #tpu.memory_space<vmem>>)
      tpu.yield
    }) : () -> ()
    %barrier3A = arith.constant 0 : index
    tpu.barrier barrier_id(%barrier3A)
    %scan3A = arith.constant 0 : i32
    %scan3A_5 = arith.constant 0 : i32
    %scan3A_6 = arith.constant 10 : i32
    %scan3A_7 = arith.addi %scan3A_5, %scan3A_6 : i32
    %scan3A_8 = arith.constant 1 : i32
    %scan3A_9 = scf.for %scan3A_19 = %scan3A_5 to %scan3A_7 step %scan3A_8 iter_args(%scan3A_20 = %scan3A) -> (i32)  : i32 {
      %mul3A_21 = arith.constant 8 : i32
      %mul3A_22 = arith.muli %mul3A_21, %scan3A_19 : i32
      %add3A_23 = arith.constant 0 : i32
      %add3A_24 = arith.addi %mul3A_22, %add3A_23 : i32
      %dma_start3A = arith.constant 0 : i32
      %dma_start3A_25 = tpu.memref_slice %arg6[%add3A_24, %dma_start3A] : memref<80x128xi32, #tpu.memory_space<vmem>> -> memref<1x128xi32, #tpu.memory_space<vmem>>
      %dma_start3A_26 = tpu.memref_squeeze %dma_start3A_25 : memref<1x128xi32, #tpu.memory_space<vmem>> -> memref<128xi32, #tpu.memory_space<vmem>>
      %dma_start3A_27 = arith.constant 0 : i32
      %dma_start3A_28 = arith.constant 0 : i32
      %dma_start3A_29 = tpu.memref_slice %arg8[%dma_start3A_27, %dma_start3A_28] : memref<10240x16xf32, #tpu.memory_space<vmem_shared>> -> memref<10240x16xf32, #tpu.memory_space<vmem_shared>>
      tpu.enqueue_indirect_dma source(%arg7 : memref<128x16xf32, #tpu.memory_space<vmem>>) target(%dma_start3A_29 : memref<10240x16xf32, #tpu.memory_space<vmem_shared>>) offsets(%dma_start3A_26 : memref<128xi32, #tpu.memory_space<vmem>>) semaphore(%arg9 : memref<!tpu.dma_semaphore, #tpu.memory_space<semaphore_mem>>) {add = true}
      %add3A_30 = arith.constant 1 : i32
      %add3A_31 = arith.addi %mul3A_22, %add3A_30 : i32
      %dma_start3A_32 = arith.constant 0 : i32
      %dma_start3A_33 = tpu.memref_slice %arg6[%add3A_31, %dma_start3A_32] : memref<80x128xi32, #tpu.memory_space<vmem>> -> memref<1x128xi32, #tpu.memory_space<vmem>>
      %dma_start3A_34 = tpu.memref_squeeze %dma_start3A_33 : memref<1x128xi32, #tpu.memory_space<vmem>> -> memref<128xi32, #tpu.memory_space<vmem>>
      %dma_start3A_35 = arith.constant 0 : i32
      %dma_start3A_36 = arith.constant 0 : i32
      %dma_start3A_37 = tpu.memref_slice %arg8[%dma_start3A_35, %dma_start3A_36] : memref<10240x16xf32, #tpu.memory_space<vmem_shared>> -> memref<10240x16xf32, #tpu.memory_space<vmem_shared>>
      tpu.enqueue_indirect_dma source(%arg7 : memref<128x16xf32, #tpu.memory_space<vmem>>) target(%dma_start3A_37 : memref<10240x16xf32, #tpu.memory_space<vmem_shared>>) offsets(%dma_start3A_34 : memref<128xi32, #tpu.memory_space<vmem>>) semaphore(%arg10 : memref<!tpu.dma_semaphore, #tpu.memory_space<semaphore_mem>>) {add = true}
      %add3A_38 = arith.constant 2 : i32
      %add3A_39 = arith.addi %mul3A_22, %add3A_38 : i32
      %dma_start3A_40 = arith.constant 0 : i32
      %dma_start3A_41 = tpu.memref_slice %arg6[%add3A_39, %dma_start3A_40] : memref<80x128xi32, #tpu.memory_space<vmem>> -> memref<1x128xi32, #tpu.memory_space<vmem>>
      %dma_start3A_42 = tpu.memref_squeeze %dma_start3A_41 : memref<1x128xi32, #tpu.memory_space<vmem>> -> memref<128xi32, #tpu.memory_space<vmem>>
      %dma_start3A_43 = arith.constant 0 : i32
      %dma_start3A_44 = arith.constant 0 : i32
      %dma_start3A_45 = tpu.memref_slice %arg8[%dma_start3A_43, %dma_start3A_44] : memref<10240x16xf32, #tpu.memory_space<vmem_shared>> -> memref<10240x16xf32, #tpu.memory_space<vmem_shared>>
      tpu.enqueue_indirect_dma source(%arg7 : memref<128x16xf32, #tpu.memory_space<vmem>>) target(%dma_start3A_45 : memref<10240x16xf32, #tpu.memory_space<vmem_shared>>) offsets(%dma_start3A_42 : memref<128xi32, #tpu.memory_space<vmem>>) semaphore(%arg11 : memref<!tpu.dma_semaphore, #tpu.memory_space<semaphore_mem>>) {add = true}
      %add3A_46 = arith.constant 3 : i32
      %add3A_47 = arith.addi %mul3A_22, %add3A_46 : i32
      %dma_start3A_48 = arith.constant 0 : i32
      %dma_start3A_49 = tpu.memref_slice %arg6[%add3A_47, %dma_start3A_48] : memref<80x128xi32, #tpu.memory_space<vmem>> -> memref<1x128xi32, #tpu.memory_space<vmem>>
      %dma_start3A_50 = tpu.memref_squeeze %dma_start3A_49 : memref<1x128xi32, #tpu.memory_space<vmem>> -> memref<128xi32, #tpu.memory_space<vmem>>
      %dma_start3A_51 = arith.constant 0 : i32
      %dma_start3A_52 = arith.constant 0 : i32
      %dma_start3A_53 = tpu.memref_slice %arg8[%dma_start3A_51, %dma_start3A_52] : memref<10240x16xf32, #tpu.memory_space<vmem_shared>> -> memref<10240x16xf32, #tpu.memory_space<vmem_shared>>
      tpu.enqueue_indirect_dma source(%arg7 : memref<128x16xf32, #tpu.memory_space<vmem>>) target(%dma_start3A_53 : memref<10240x16xf32, #tpu.memory_space<vmem_shared>>) offsets(%dma_start3A_50 : memref<128xi32, #tpu.memory_space<vmem>>) semaphore(%arg12 : memref<!tpu.dma_semaphore, #tpu.memory_space<semaphore_mem>>) {add = true}
      %add3A_54 = arith.constant 4 : i32
      %add3A_55 = arith.addi %mul3A_22, %add3A_54 : i32
      %dma_start3A_56 = arith.constant 0 : i32
      %dma_start3A_57 = tpu.memref_slice %arg6[%add3A_55, %dma_start3A_56] : memref<80x128xi32, #tpu.memory_space<vmem>> -> memref<1x128xi32, #tpu.memory_space<vmem>>
      %dma_start3A_58 = tpu.memref_squeeze %dma_start3A_57 : memref<1x128xi32, #tpu.memory_space<vmem>> -> memref<128xi32, #tpu.memory_space<vmem>>
      %dma_start3A_59 = arith.constant 0 : i32
      %dma_start3A_60 = arith.constant 0 : i32
      %dma_start3A_61 = tpu.memref_slice %arg8[%dma_start3A_59, %dma_start3A_60] : memref<10240x16xf32, #tpu.memory_space<vmem_shared>> -> memref<10240x16xf32, #tpu.memory_space<vmem_shared>>
      tpu.enqueue_indirect_dma source(%arg7 : memref<128x16xf32, #tpu.memory_space<vmem>>) target(%dma_start3A_61 : memref<10240x16xf32, #tpu.memory_space<vmem_shared>>) offsets(%dma_start3A_58 : memref<128xi32, #tpu.memory_space<vmem>>) semaphore(%arg13 : memref<!tpu.dma_semaphore, #tpu.memory_space<semaphore_mem>>) {add = true}
      %add3A_62 = arith.constant 5 : i32
      %add3A_63 = arith.addi %mul3A_22, %add3A_62 : i32
      %dma_start3A_64 = arith.constant 0 : i32
      %dma_start3A_65 = tpu.memref_slice %arg6[%add3A_63, %dma_start3A_64] : memref<80x128xi32, #tpu.memory_space<vmem>> -> memref<1x128xi32, #tpu.memory_space<vmem>>
      %dma_start3A_66 = tpu.memref_squeeze %dma_start3A_65 : memref<1x128xi32, #tpu.memory_space<vmem>> -> memref<128xi32, #tpu.memory_space<vmem>>
      %dma_start3A_67 = arith.constant 0 : i32
      %dma_start3A_68 = arith.constant 0 : i32
      %dma_start3A_69 = tpu.memref_slice %arg8[%dma_start3A_67, %dma_start3A_68] : memref<10240x16xf32, #tpu.memory_space<vmem_shared>> -> memref<10240x16xf32, #tpu.memory_space<vmem_shared>>
      tpu.enqueue_indirect_dma source(%arg7 : memref<128x16xf32, #tpu.memory_space<vmem>>) target(%dma_start3A_69 : memref<10240x16xf32, #tpu.memory_space<vmem_shared>>) offsets(%dma_start3A_66 : memref<128xi32, #tpu.memory_space<vmem>>) semaphore(%arg14 : memref<!tpu.dma_semaphore, #tpu.memory_space<semaphore_mem>>) {add = true}
      %add3A_70 = arith.constant 6 : i32
      %add3A_71 = arith.addi %mul3A_22, %add3A_70 : i32
      %dma_start3A_72 = arith.constant 0 : i32
      %dma_start3A_73 = tpu.memref_slice %arg6[%add3A_71, %dma_start3A_72] : memref<80x128xi32, #tpu.memory_space<vmem>> -> memref<1x128xi32, #tpu.memory_space<vmem>>
      %dma_start3A_74 = tpu.memref_squeeze %dma_start3A_73 : memref<1x128xi32, #tpu.memory_space<vmem>> -> memref<128xi32, #tpu.memory_space<vmem>>
      %dma_start3A_75 = arith.constant 0 : i32
      %dma_start3A_76 = arith.constant 0 : i32
      %dma_start3A_77 = tpu.memref_slice %arg8[%dma_start3A_75, %dma_start3A_76] : memref<10240x16xf32, #tpu.memory_space<vmem_shared>> -> memref<10240x16xf32, #tpu.memory_space<vmem_shared>>
      tpu.enqueue_indirect_dma source(%arg7 : memref<128x16xf32, #tpu.memory_space<vmem>>) target(%dma_start3A_77 : memref<10240x16xf32, #tpu.memory_space<vmem_shared>>) offsets(%dma_start3A_74 : memref<128xi32, #tpu.memory_space<vmem>>) semaphore(%arg15 : memref<!tpu.dma_semaphore, #tpu.memory_space<semaphore_mem>>) {add = true}
      %add3A_78 = arith.constant 7 : i32
      %add3A_79 = arith.addi %mul3A_22, %add3A_78 : i32
      %dma_start3A_80 = arith.constant 0 : i32
      %dma_start3A_81 = tpu.memref_slice %arg6[%add3A_79, %dma_start3A_80] : memref<80x128xi32, #tpu.memory_space<vmem>> -> memref<1x128xi32, #tpu.memory_space<vmem>>
      %dma_start3A_82 = tpu.memref_squeeze %dma_start3A_81 : memref<1x128xi32, #tpu.memory_space<vmem>> -> memref<128xi32, #tpu.memory_space<vmem>>
      %dma_start3A_83 = arith.constant 0 : i32
      %dma_start3A_84 = arith.constant 0 : i32
      %dma_start3A_85 = tpu.memref_slice %arg8[%dma_start3A_83, %dma_start3A_84] : memref<10240x16xf32, #tpu.memory_space<vmem_shared>> -> memref<10240x16xf32, #tpu.memory_space<vmem_shared>>
      tpu.enqueue_indirect_dma source(%arg7 : memref<128x16xf32, #tpu.memory_space<vmem>>) target(%dma_start3A_85 : memref<10240x16xf32, #tpu.memory_space<vmem_shared>>) offsets(%dma_start3A_82 : memref<128xi32, #tpu.memory_space<vmem>>) semaphore(%arg16 : memref<!tpu.dma_semaphore, #tpu.memory_space<semaphore_mem>>) {add = true}
      %add3A_86 = arith.constant 0 : i32
      %add3A_87 = arith.addi %mul3A_22, %add3A_86 : i32
      %dma_wait3A = arith.constant 0 : i32
      %dma_wait3A_88 = tpu.memref_slice %arg6[%add3A_87, %dma_wait3A] : memref<80x128xi32, #tpu.memory_space<vmem>> -> memref<1x128xi32, #tpu.memory_space<vmem>>
      %dma_wait3A_89 = tpu.memref_squeeze %dma_wait3A_88 : memref<1x128xi32, #tpu.memory_space<vmem>> -> memref<128xi32, #tpu.memory_space<vmem>>
      %dma_wait3A_90 = arith.constant 0 : i32
      %dma_wait3A_91 = arith.constant 0 : i32
      %dma_wait3A_92 = tpu.memref_slice %arg8[%dma_wait3A_90, %dma_wait3A_91] : memref<10240x16xf32, #tpu.memory_space<vmem_shared>> -> memref<10240x16xf32, #tpu.memory_space<vmem_shared>>
      tpu.wait_indirect_dma semaphore(%arg9 : memref<!tpu.dma_semaphore, #tpu.memory_space<semaphore_mem>>) src(%arg7 : memref<128x16xf32, #tpu.memory_space<vmem>>) dst(%dma_wait3A_92 : memref<10240x16xf32, #tpu.memory_space<vmem_shared>>)
      %add3A_93 = arith.constant 1 : i32
      %add3A_94 = arith.addi %mul3A_22, %add3A_93 : i32
      %dma_wait3A_95 = arith.constant 0 : i32
      %dma_wait3A_96 = tpu.memref_slice %arg6[%add3A_94, %dma_wait3A_95] : memref<80x128xi32, #tpu.memory_space<vmem>> -> memref<1x128xi32, #tpu.memory_space<vmem>>
      %dma_wait3A_97 = tpu.memref_squeeze %dma_wait3A_96 : memref<1x128xi32, #tpu.memory_space<vmem>> -> memref<128xi32, #tpu.memory_space<vmem>>
      %dma_wait3A_98 = arith.constant 0 : i32
      %dma_wait3A_99 = arith.constant 0 : i32
      %dma_wait3A_100 = tpu.memref_slice %arg8[%dma_wait3A_98, %dma_wait3A_99] : memref<10240x16xf32, #tpu.memory_space<vmem_shared>> -> memref<10240x16xf32, #tpu.memory_space<vmem_shared>>
      tpu.wait_indirect_dma semaphore(%arg10 : memref<!tpu.dma_semaphore, #tpu.memory_space<semaphore_mem>>) src(%arg7 : memref<128x16xf32, #tpu.memory_space<vmem>>) dst(%dma_wait3A_100 : memref<10240x16xf32, #tpu.memory_space<vmem_shared>>)
      %add3A_101 = arith.constant 2 : i32
      %add3A_102 = arith.addi %mul3A_22, %add3A_101 : i32
      %dma_wait3A_103 = arith.constant 0 : i32
      %dma_wait3A_104 = tpu.memref_slice %arg6[%add3A_102, %dma_wait3A_103] : memref<80x128xi32, #tpu.memory_space<vmem>> -> memref<1x128xi32, #tpu.memory_space<vmem>>
      %dma_wait3A_105 = tpu.memref_squeeze %dma_wait3A_104 : memref<1x128xi32, #tpu.memory_space<vmem>> -> memref<128xi32, #tpu.memory_space<vmem>>
      %dma_wait3A_106 = arith.constant 0 : i32
      %dma_wait3A_107 = arith.constant 0 : i32
      %dma_wait3A_108 = tpu.memref_slice %arg8[%dma_wait3A_106, %dma_wait3A_107] : memref<10240x16xf32, #tpu.memory_space<vmem_shared>> -> memref<10240x16xf32, #tpu.memory_space<vmem_shared>>
      tpu.wait_indirect_dma semaphore(%arg11 : memref<!tpu.dma_semaphore, #tpu.memory_space<semaphore_mem>>) src(%arg7 : memref<128x16xf32, #tpu.memory_space<vmem>>) dst(%dma_wait3A_108 : memref<10240x16xf32, #tpu.memory_space<vmem_shared>>)
      %add3A_109 = arith.constant 3 : i32
      %add3A_110 = arith.addi %mul3A_22, %add3A_109 : i32
      %dma_wait3A_111 = arith.constant 0 : i32
      %dma_wait3A_112 = tpu.memref_slice %arg6[%add3A_110, %dma_wait3A_111] : memref<80x128xi32, #tpu.memory_space<vmem>> -> memref<1x128xi32, #tpu.memory_space<vmem>>
      %dma_wait3A_113 = tpu.memref_squeeze %dma_wait3A_112 : memref<1x128xi32, #tpu.memory_space<vmem>> -> memref<128xi32, #tpu.memory_space<vmem>>
      %dma_wait3A_114 = arith.constant 0 : i32
      %dma_wait3A_115 = arith.constant 0 : i32
      %dma_wait3A_116 = tpu.memref_slice %arg8[%dma_wait3A_114, %dma_wait3A_115] : memref<10240x16xf32, #tpu.memory_space<vmem_shared>> -> memref<10240x16xf32, #tpu.memory_space<vmem_shared>>
      tpu.wait_indirect_dma semaphore(%arg12 : memref<!tpu.dma_semaphore, #tpu.memory_space<semaphore_mem>>) src(%arg7 : memref<128x16xf32, #tpu.memory_space<vmem>>) dst(%dma_wait3A_116 : memref<10240x16xf32, #tpu.memory_space<vmem_shared>>)
      %add3A_117 = arith.constant 4 : i32
      %add3A_118 = arith.addi %mul3A_22, %add3A_117 : i32
      %dma_wait3A_119 = arith.constant 0 : i32
      %dma_wait3A_120 = tpu.memref_slice %arg6[%add3A_118, %dma_wait3A_119] : memref<80x128xi32, #tpu.memory_space<vmem>> -> memref<1x128xi32, #tpu.memory_space<vmem>>
      %dma_wait3A_121 = tpu.memref_squeeze %dma_wait3A_120 : memref<1x128xi32, #tpu.memory_space<vmem>> -> memref<128xi32, #tpu.memory_space<vmem>>
      %dma_wait3A_122 = arith.constant 0 : i32
      %dma_wait3A_123 = arith.constant 0 : i32
      %dma_wait3A_124 = tpu.memref_slice %arg8[%dma_wait3A_122, %dma_wait3A_123] : memref<10240x16xf32, #tpu.memory_space<vmem_shared>> -> memref<10240x16xf32, #tpu.memory_space<vmem_shared>>
      tpu.wait_indirect_dma semaphore(%arg13 : memref<!tpu.dma_semaphore, #tpu.memory_space<semaphore_mem>>) src(%arg7 : memref<128x16xf32, #tpu.memory_space<vmem>>) dst(%dma_wait3A_124 : memref<10240x16xf32, #tpu.memory_space<vmem_shared>>)
      %add3A_125 = arith.constant 5 : i32
      %add3A_126 = arith.addi %mul3A_22, %add3A_125 : i32
      %dma_wait3A_127 = arith.constant 0 : i32
      %dma_wait3A_128 = tpu.memref_slice %arg6[%add3A_126, %dma_wait3A_127] : memref<80x128xi32, #tpu.memory_space<vmem>> -> memref<1x128xi32, #tpu.memory_space<vmem>>
      %dma_wait3A_129 = tpu.memref_squeeze %dma_wait3A_128 : memref<1x128xi32, #tpu.memory_space<vmem>> -> memref<128xi32, #tpu.memory_space<vmem>>
      %dma_wait3A_130 = arith.constant 0 : i32
      %dma_wait3A_131 = arith.constant 0 : i32
      %dma_wait3A_132 = tpu.memref_slice %arg8[%dma_wait3A_130, %dma_wait3A_131] : memref<10240x16xf32, #tpu.memory_space<vmem_shared>> -> memref<10240x16xf32, #tpu.memory_space<vmem_shared>>
      tpu.wait_indirect_dma semaphore(%arg14 : memref<!tpu.dma_semaphore, #tpu.memory_space<semaphore_mem>>) src(%arg7 : memref<128x16xf32, #tpu.memory_space<vmem>>) dst(%dma_wait3A_132 : memref<10240x16xf32, #tpu.memory_space<vmem_shared>>)
      %add3A_133 = arith.constant 6 : i32
      %add3A_134 = arith.addi %mul3A_22, %add3A_133 : i32
      %dma_wait3A_135 = arith.constant 0 : i32
      %dma_wait3A_136 = tpu.memref_slice %arg6[%add3A_134, %dma_wait3A_135] : memref<80x128xi32, #tpu.memory_space<vmem>> -> memref<1x128xi32, #tpu.memory_space<vmem>>
      %dma_wait3A_137 = tpu.memref_squeeze %dma_wait3A_136 : memref<1x128xi32, #tpu.memory_space<vmem>> -> memref<128xi32, #tpu.memory_space<vmem>>
      %dma_wait3A_138 = arith.constant 0 : i32
      %dma_wait3A_139 = arith.constant 0 : i32
      %dma_wait3A_140 = tpu.memref_slice %arg8[%dma_wait3A_138, %dma_wait3A_139] : memref<10240x16xf32, #tpu.memory_space<vmem_shared>> -> memref<10240x16xf32, #tpu.memory_space<vmem_shared>>
      tpu.wait_indirect_dma semaphore(%arg15 : memref<!tpu.dma_semaphore, #tpu.memory_space<semaphore_mem>>) src(%arg7 : memref<128x16xf32, #tpu.memory_space<vmem>>) dst(%dma_wait3A_140 : memref<10240x16xf32, #tpu.memory_space<vmem_shared>>)
      %add3A_141 = arith.constant 7 : i32
      %add3A_142 = arith.addi %mul3A_22, %add3A_141 : i32
      %dma_wait3A_143 = arith.constant 0 : i32
      %dma_wait3A_144 = tpu.memref_slice %arg6[%add3A_142, %dma_wait3A_143] : memref<80x128xi32, #tpu.memory_space<vmem>> -> memref<1x128xi32, #tpu.memory_space<vmem>>
      %dma_wait3A_145 = tpu.memref_squeeze %dma_wait3A_144 : memref<1x128xi32, #tpu.memory_space<vmem>> -> memref<128xi32, #tpu.memory_space<vmem>>
      %dma_wait3A_146 = arith.constant 0 : i32
      %dma_wait3A_147 = arith.constant 0 : i32
      %dma_wait3A_148 = tpu.memref_slice %arg8[%dma_wait3A_146, %dma_wait3A_147] : memref<10240x16xf32, #tpu.memory_space<vmem_shared>> -> memref<10240x16xf32, #tpu.memory_space<vmem_shared>>
      tpu.wait_indirect_dma semaphore(%arg16 : memref<!tpu.dma_semaphore, #tpu.memory_space<semaphore_mem>>) src(%arg7 : memref<128x16xf32, #tpu.memory_space<vmem>>) dst(%dma_wait3A_148 : memref<10240x16xf32, #tpu.memory_space<vmem_shared>>)
      %scan3A_149 = arith.constant 0 : i32
      scf.yield %scan3A_149 : i32
    }
    %scan3A_10 = arith.constant 10 : i32
    %barrier3A_11 = arith.constant 0 : index
    tpu.barrier barrier_id(%barrier3A_11)
    %mul3A_12 = arith.constant 640 : i32
    %mul3A_13 = arith.muli %arg1, %mul3A_12 : i32
    %mul3A_14 = arith.constant 10240 : i32
    %mul3A_15 = arith.muli %arg0, %mul3A_14 : i32
    %mul3A_16 = arith.constant 640 : i32
    %mul3A_17 = arith.muli %arg1, %mul3A_16 : i32
    %add3A_18 = arith.addi %mul3A_15, %mul3A_17 : i32
    "tpu.region"() ({
      %run_scoped3A = tpu.sem_alloc : memref<!tpu.dma_semaphore, #tpu.memory_space<semaphore_mem>>
      %dma_start3A = arith.constant 0 : i32
      %dma_start3A_19 = tpu.memref_slice %arg5[%add3A_18, %dma_start3A] : memref<20480x16xf32, #tpu.memory_space<hbm>> -> memref<640x16xf32, #tpu.memory_space<hbm>>
      %dma_start3A_20 = arith.constant 0 : i32
      %dma_start3A_21 = tpu.memref_slice %arg8[%mul3A_13, %dma_start3A_20] : memref<10240x16xf32, #tpu.memory_space<vmem_shared>> -> memref<640x16xf32, #tpu.memory_space<vmem_shared>>
      tpu.enqueue_dma source(%dma_start3A_21 : memref<640x16xf32, #tpu.memory_space<vmem_shared>>) target(%dma_start3A_19 : memref<640x16xf32, #tpu.memory_space<hbm>>) target_semaphore(%run_scoped3A : memref<!tpu.dma_semaphore, #tpu.memory_space<semaphore_mem>>)
      %dma_wait3A = arith.constant 0 : i32
      %dma_wait3A_22 = tpu.memref_slice %arg5[%add3A_18, %dma_wait3A] : memref<20480x16xf32, #tpu.memory_space<hbm>> -> memref<640x16xf32, #tpu.memory_space<hbm>>
      %dma_wait3A_23 = arith.constant 0 : i32
      %dma_wait3A_24 = tpu.memref_slice %arg8[%mul3A_13, %dma_wait3A_23] : memref<10240x16xf32, #tpu.memory_space<vmem_shared>> -> memref<640x16xf32, #tpu.memory_space<vmem_shared>>
      tpu.wait_dma2 semaphore(%run_scoped3A : memref<!tpu.dma_semaphore, #tpu.memory_space<semaphore_mem>>) src(%dma_wait3A_24 : memref<640x16xf32, #tpu.memory_space<vmem_shared>>) dst(%dma_wait3A_22 : memref<640x16xf32, #tpu.memory_space<hbm>>)
      tpu.yield
    }) : () -> ()
    return
  }
}

#map = affine_map<(d0, d1) -> (0, 0, 0)>
#map1 = affine_map<(d0, d1) -> (0, 0)>
module attributes {stable_mosaic.version = 14 : i64} {
  func.func @_aggregate_kernel(%arg0: i32, %arg1: i32, %arg2: memref<16x160x128xi32, #tpu.memory_space<hbm>>, %arg3: memref<16x160x128xi32, #tpu.memory_space<hbm>>, %arg4: memref<4x10000x64xf32, #tpu.memory_space<hbm>>, %arg5: memref<10240x64xf32, #tpu.memory_space<hbm>>, %arg6: memref<40960x64xf32, #tpu.memory_space<hbm>>, %arg7: memref<160x128xi32, #tpu.memory_space<vmem>>, %arg8: memref<160x128xi32, #tpu.memory_space<vmem>>, %arg9: memref<5x128x64xf32, #tpu.memory_space<vmem>>, %arg10: memref<10240x64xf32, #tpu.memory_space<vmem_shared>>, %arg11: memref<!tpu.dma_semaphore, #tpu.memory_space<semaphore_mem>>, %arg12: memref<!tpu.dma_semaphore, #tpu.memory_space<semaphore_mem>>, %arg13: memref<!tpu.dma_semaphore, #tpu.memory_space<semaphore_mem>>, %arg14: memref<!tpu.dma_semaphore, #tpu.memory_space<semaphore_mem>>, %arg15: memref<!tpu.dma_semaphore, #tpu.memory_space<semaphore_mem>>, %arg16: memref<!tpu.dma_semaphore, #tpu.memory_space<semaphore_mem>>, %arg17: memref<!tpu.dma_semaphore, #tpu.memory_space<semaphore_mem>>, %arg18: memref<!tpu.dma_semaphore, #tpu.memory_space<semaphore_mem>>, %arg19: memref<!tpu.dma_semaphore, #tpu.memory_space<semaphore_mem>>, %arg20: memref<!tpu.dma_semaphore, #tpu.memory_space<semaphore_mem>>) attributes {dimension_semantics = [#tpu.dimension_semantics<core_parallel>, #tpu.dimension_semantics<subcore_parallel>], iteration_bounds = array<i64: 2, 16>, scalar_prefetch = 0 : i64, scratch_operands = 14 : i64, tpu.core_type = #tpu.core_type<sc_vector_subcore>, window_params = [{transform_indices = #map}, {transform_indices = #map}, {transform_indices = #map}, {transform_indices = #map1}, {transform_indices = #map1}]} {
    "tpu.region"() ({
      %run_scoped3A = tpu.sem_alloc : memref<!tpu.dma_semaphore, #tpu.memory_space<semaphore_mem>>
      %dma_start3A_199 = arith.constant 0 : i32
      %dma_start3A_200 = arith.constant 0 : i32
      %dma_start3A_201 = tpu.memref_slice %arg3[%arg1, %dma_start3A_199, %dma_start3A_200] : memref<16x160x128xi32, #tpu.memory_space<hbm>> -> memref<1x160x128xi32, #tpu.memory_space<hbm>>
      %dma_start3A_202 = tpu.memref_squeeze %dma_start3A_201 : memref<1x160x128xi32, #tpu.memory_space<hbm>> -> memref<160x128xi32, #tpu.memory_space<hbm>>
      %dma_start3A_203 = arith.constant 0 : i32
      %dma_start3A_204 = arith.constant 0 : i32
      %dma_start3A_205 = tpu.memref_slice %arg3[%arg1, %dma_start3A_203, %dma_start3A_204] : memref<16x160x128xi32, #tpu.memory_space<hbm>> -> memref<1x160x128xi32, #tpu.memory_space<hbm>>
      %dma_start3A_206 = tpu.memref_squeeze %dma_start3A_205 : memref<1x160x128xi32, #tpu.memory_space<hbm>> -> memref<160x128xi32, #tpu.memory_space<hbm>>
      tpu.enqueue_dma source(%dma_start3A_206 : memref<160x128xi32, #tpu.memory_space<hbm>>) target(%arg8 : memref<160x128xi32, #tpu.memory_space<vmem>>) target_semaphore(%run_scoped3A : memref<!tpu.dma_semaphore, #tpu.memory_space<semaphore_mem>>)
      %dma_wait3A = arith.constant 0 : i32
      %dma_wait3A_207 = arith.constant 0 : i32
      %dma_wait3A_208 = tpu.memref_slice %arg3[%arg1, %dma_wait3A, %dma_wait3A_207] : memref<16x160x128xi32, #tpu.memory_space<hbm>> -> memref<1x160x128xi32, #tpu.memory_space<hbm>>
      %dma_wait3A_209 = tpu.memref_squeeze %dma_wait3A_208 : memref<1x160x128xi32, #tpu.memory_space<hbm>> -> memref<160x128xi32, #tpu.memory_space<hbm>>
      %dma_wait3A_210 = arith.constant 0 : i32
      %dma_wait3A_211 = arith.constant 0 : i32
      %dma_wait3A_212 = tpu.memref_slice %arg3[%arg1, %dma_wait3A_210, %dma_wait3A_211] : memref<16x160x128xi32, #tpu.memory_space<hbm>> -> memref<1x160x128xi32, #tpu.memory_space<hbm>>
      %dma_wait3A_213 = tpu.memref_squeeze %dma_wait3A_212 : memref<1x160x128xi32, #tpu.memory_space<hbm>> -> memref<160x128xi32, #tpu.memory_space<hbm>>
      tpu.wait_dma2 semaphore(%run_scoped3A : memref<!tpu.dma_semaphore, #tpu.memory_space<semaphore_mem>>) src(%dma_wait3A_213 : memref<160x128xi32, #tpu.memory_space<hbm>>) dst(%arg8 : memref<160x128xi32, #tpu.memory_space<vmem>>)
      tpu.yield
    }) : () -> ()
    "tpu.region"() ({
      %run_scoped3A = tpu.sem_alloc : memref<!tpu.dma_semaphore, #tpu.memory_space<semaphore_mem>>
      %dma_start3A_199 = arith.constant 0 : i32
      %dma_start3A_200 = arith.constant 0 : i32
      %dma_start3A_201 = tpu.memref_slice %arg2[%arg1, %dma_start3A_199, %dma_start3A_200] : memref<16x160x128xi32, #tpu.memory_space<hbm>> -> memref<1x160x128xi32, #tpu.memory_space<hbm>>
      %dma_start3A_202 = tpu.memref_squeeze %dma_start3A_201 : memref<1x160x128xi32, #tpu.memory_space<hbm>> -> memref<160x128xi32, #tpu.memory_space<hbm>>
      %dma_start3A_203 = arith.constant 0 : i32
      %dma_start3A_204 = arith.constant 0 : i32
      %dma_start3A_205 = tpu.memref_slice %arg2[%arg1, %dma_start3A_203, %dma_start3A_204] : memref<16x160x128xi32, #tpu.memory_space<hbm>> -> memref<1x160x128xi32, #tpu.memory_space<hbm>>
      %dma_start3A_206 = tpu.memref_squeeze %dma_start3A_205 : memref<1x160x128xi32, #tpu.memory_space<hbm>> -> memref<160x128xi32, #tpu.memory_space<hbm>>
      tpu.enqueue_dma source(%dma_start3A_206 : memref<160x128xi32, #tpu.memory_space<hbm>>) target(%arg7 : memref<160x128xi32, #tpu.memory_space<vmem>>) target_semaphore(%run_scoped3A : memref<!tpu.dma_semaphore, #tpu.memory_space<semaphore_mem>>)
      %dma_wait3A = arith.constant 0 : i32
      %dma_wait3A_207 = arith.constant 0 : i32
      %dma_wait3A_208 = tpu.memref_slice %arg2[%arg1, %dma_wait3A, %dma_wait3A_207] : memref<16x160x128xi32, #tpu.memory_space<hbm>> -> memref<1x160x128xi32, #tpu.memory_space<hbm>>
      %dma_wait3A_209 = tpu.memref_squeeze %dma_wait3A_208 : memref<1x160x128xi32, #tpu.memory_space<hbm>> -> memref<160x128xi32, #tpu.memory_space<hbm>>
      %dma_wait3A_210 = arith.constant 0 : i32
      %dma_wait3A_211 = arith.constant 0 : i32
      %dma_wait3A_212 = tpu.memref_slice %arg2[%arg1, %dma_wait3A_210, %dma_wait3A_211] : memref<16x160x128xi32, #tpu.memory_space<hbm>> -> memref<1x160x128xi32, #tpu.memory_space<hbm>>
      %dma_wait3A_213 = tpu.memref_squeeze %dma_wait3A_212 : memref<1x160x128xi32, #tpu.memory_space<hbm>> -> memref<160x128xi32, #tpu.memory_space<hbm>>
      tpu.wait_dma2 semaphore(%run_scoped3A : memref<!tpu.dma_semaphore, #tpu.memory_space<semaphore_mem>>) src(%dma_wait3A_213 : memref<160x128xi32, #tpu.memory_space<hbm>>) dst(%arg7 : memref<160x128xi32, #tpu.memory_space<vmem>>)
      tpu.yield
    }) : () -> ()
    %add3A = arith.constant 0 : i32
    %add3A_0 = arith.addi %add3A, %arg0 : i32
    %mul3A = arith.constant 640 : i32
    %mul3A_1 = arith.muli %arg1, %mul3A : i32
    %mul3A_2 = arith.constant 640 : i32
    %mul3A_3 = arith.muli %arg1, %mul3A_2 : i32
    "tpu.region"() ({
      %run_scoped3A = tpu.sem_alloc : memref<!tpu.dma_semaphore, #tpu.memory_space<semaphore_mem>>
      %dma_start3A_199 = arith.constant 0 : i32
      %dma_start3A_200 = tpu.memref_slice %arg10[%mul3A_3, %dma_start3A_199] : memref<10240x64xf32, #tpu.memory_space<vmem_shared>> -> memref<640x64xf32, #tpu.memory_space<vmem_shared>>
      %dma_start3A_201 = arith.constant 0 : i32
      %dma_start3A_202 = tpu.memref_slice %arg5[%mul3A_1, %dma_start3A_201] : memref<10240x64xf32, #tpu.memory_space<hbm>> -> memref<640x64xf32, #tpu.memory_space<hbm>>
      tpu.enqueue_dma source(%dma_start3A_202 : memref<640x64xf32, #tpu.memory_space<hbm>>) target(%dma_start3A_200 : memref<640x64xf32, #tpu.memory_space<vmem_shared>>) target_semaphore(%run_scoped3A : memref<!tpu.dma_semaphore, #tpu.memory_space<semaphore_mem>>)
      %dma_wait3A = arith.constant 0 : i32
      %dma_wait3A_203 = tpu.memref_slice %arg10[%mul3A_3, %dma_wait3A] : memref<10240x64xf32, #tpu.memory_space<vmem_shared>> -> memref<640x64xf32, #tpu.memory_space<vmem_shared>>
      %dma_wait3A_204 = arith.constant 0 : i32
      %dma_wait3A_205 = tpu.memref_slice %arg5[%mul3A_1, %dma_wait3A_204] : memref<10240x64xf32, #tpu.memory_space<hbm>> -> memref<640x64xf32, #tpu.memory_space<hbm>>
      tpu.wait_dma2 semaphore(%run_scoped3A : memref<!tpu.dma_semaphore, #tpu.memory_space<semaphore_mem>>) src(%dma_wait3A_205 : memref<640x64xf32, #tpu.memory_space<hbm>>) dst(%dma_wait3A_203 : memref<640x64xf32, #tpu.memory_space<vmem_shared>>)
      tpu.yield
    }) : () -> ()
    %barrier3A = arith.constant 0 : index
    tpu.barrier barrier_id(%barrier3A)
    %dma_start3A = arith.constant 0 : i32
    %dma_start3A_4 = arith.constant 0 : i32
    %dma_start3A_5 = arith.constant 0 : i32
    %dma_start3A_6 = arith.constant 0 : i32
    %dma_start3A_7 = tpu.memref_slice %arg9[%dma_start3A_4, %dma_start3A_5, %dma_start3A_6] : memref<5x128x64xf32, #tpu.memory_space<vmem>> -> memref<1x128x64xf32, #tpu.memory_space<vmem>>
    %dma_start3A_8 = tpu.memref_squeeze %dma_start3A_7 : memref<1x128x64xf32, #tpu.memory_space<vmem>> -> memref<128x64xf32, #tpu.memory_space<vmem>>
    %dma_start3A_9 = arith.constant 0 : i32
    %dma_start3A_10 = tpu.memref_slice %arg7[%dma_start3A, %dma_start3A_9] : memref<160x128xi32, #tpu.memory_space<vmem>> -> memref<1x128xi32, #tpu.memory_space<vmem>>
    %dma_start3A_11 = tpu.memref_squeeze %dma_start3A_10 : memref<1x128xi32, #tpu.memory_space<vmem>> -> memref<128xi32, #tpu.memory_space<vmem>>
    %dma_start3A_12 = arith.constant 0 : i32
    %dma_start3A_13 = arith.constant 0 : i32
    %dma_start3A_14 = tpu.memref_slice %arg4[%add3A_0, %dma_start3A_12, %dma_start3A_13] : memref<4x10000x64xf32, #tpu.memory_space<hbm>> -> memref<1x10000x64xf32, #tpu.memory_space<hbm>>
    %dma_start3A_15 = tpu.memref_squeeze %dma_start3A_14 : memref<1x10000x64xf32, #tpu.memory_space<hbm>> -> memref<10000x64xf32, #tpu.memory_space<hbm>>
    %dma_start3A_16 = arith.constant 0 : i32
    %dma_start3A_17 = arith.constant 0 : i32
    %dma_start3A_18 = tpu.memref_slice %dma_start3A_15[%dma_start3A_16, %dma_start3A_17] : memref<10000x64xf32, #tpu.memory_space<hbm>> -> memref<10000x64xf32, #tpu.memory_space<hbm>>
    tpu.enqueue_indirect_dma source(%dma_start3A_18 : memref<10000x64xf32, #tpu.memory_space<hbm>>) target(%dma_start3A_8 : memref<128x64xf32, #tpu.memory_space<vmem>>) offsets(%dma_start3A_11 : memref<128xi32, #tpu.memory_space<vmem>>) semaphore(%arg11 : memref<!tpu.dma_semaphore, #tpu.memory_space<semaphore_mem>>)
    %dma_start3A_19 = arith.constant 1 : i32
    %dma_start3A_20 = arith.constant 1 : i32
    %dma_start3A_21 = arith.constant 0 : i32
    %dma_start3A_22 = arith.constant 0 : i32
    %dma_start3A_23 = tpu.memref_slice %arg9[%dma_start3A_20, %dma_start3A_21, %dma_start3A_22] : memref<5x128x64xf32, #tpu.memory_space<vmem>> -> memref<1x128x64xf32, #tpu.memory_space<vmem>>
    %dma_start3A_24 = tpu.memref_squeeze %dma_start3A_23 : memref<1x128x64xf32, #tpu.memory_space<vmem>> -> memref<128x64xf32, #tpu.memory_space<vmem>>
    %dma_start3A_25 = arith.constant 0 : i32
    %dma_start3A_26 = tpu.memref_slice %arg7[%dma_start3A_19, %dma_start3A_25] : memref<160x128xi32, #tpu.memory_space<vmem>> -> memref<1x128xi32, #tpu.memory_space<vmem>>
    %dma_start3A_27 = tpu.memref_squeeze %dma_start3A_26 : memref<1x128xi32, #tpu.memory_space<vmem>> -> memref<128xi32, #tpu.memory_space<vmem>>
    %dma_start3A_28 = arith.constant 0 : i32
    %dma_start3A_29 = arith.constant 0 : i32
    %dma_start3A_30 = tpu.memref_slice %arg4[%add3A_0, %dma_start3A_28, %dma_start3A_29] : memref<4x10000x64xf32, #tpu.memory_space<hbm>> -> memref<1x10000x64xf32, #tpu.memory_space<hbm>>
    %dma_start3A_31 = tpu.memref_squeeze %dma_start3A_30 : memref<1x10000x64xf32, #tpu.memory_space<hbm>> -> memref<10000x64xf32, #tpu.memory_space<hbm>>
    %dma_start3A_32 = arith.constant 0 : i32
    %dma_start3A_33 = arith.constant 0 : i32
    %dma_start3A_34 = tpu.memref_slice %dma_start3A_31[%dma_start3A_32, %dma_start3A_33] : memref<10000x64xf32, #tpu.memory_space<hbm>> -> memref<10000x64xf32, #tpu.memory_space<hbm>>
    tpu.enqueue_indirect_dma source(%dma_start3A_34 : memref<10000x64xf32, #tpu.memory_space<hbm>>) target(%dma_start3A_24 : memref<128x64xf32, #tpu.memory_space<vmem>>) offsets(%dma_start3A_27 : memref<128xi32, #tpu.memory_space<vmem>>) semaphore(%arg12 : memref<!tpu.dma_semaphore, #tpu.memory_space<semaphore_mem>>)
    %dma_start3A_35 = arith.constant 2 : i32
    %dma_start3A_36 = arith.constant 2 : i32
    %dma_start3A_37 = arith.constant 0 : i32
    %dma_start3A_38 = arith.constant 0 : i32
    %dma_start3A_39 = tpu.memref_slice %arg9[%dma_start3A_36, %dma_start3A_37, %dma_start3A_38] : memref<5x128x64xf32, #tpu.memory_space<vmem>> -> memref<1x128x64xf32, #tpu.memory_space<vmem>>
    %dma_start3A_40 = tpu.memref_squeeze %dma_start3A_39 : memref<1x128x64xf32, #tpu.memory_space<vmem>> -> memref<128x64xf32, #tpu.memory_space<vmem>>
    %dma_start3A_41 = arith.constant 0 : i32
    %dma_start3A_42 = tpu.memref_slice %arg7[%dma_start3A_35, %dma_start3A_41] : memref<160x128xi32, #tpu.memory_space<vmem>> -> memref<1x128xi32, #tpu.memory_space<vmem>>
    %dma_start3A_43 = tpu.memref_squeeze %dma_start3A_42 : memref<1x128xi32, #tpu.memory_space<vmem>> -> memref<128xi32, #tpu.memory_space<vmem>>
    %dma_start3A_44 = arith.constant 0 : i32
    %dma_start3A_45 = arith.constant 0 : i32
    %dma_start3A_46 = tpu.memref_slice %arg4[%add3A_0, %dma_start3A_44, %dma_start3A_45] : memref<4x10000x64xf32, #tpu.memory_space<hbm>> -> memref<1x10000x64xf32, #tpu.memory_space<hbm>>
    %dma_start3A_47 = tpu.memref_squeeze %dma_start3A_46 : memref<1x10000x64xf32, #tpu.memory_space<hbm>> -> memref<10000x64xf32, #tpu.memory_space<hbm>>
    %dma_start3A_48 = arith.constant 0 : i32
    %dma_start3A_49 = arith.constant 0 : i32
    %dma_start3A_50 = tpu.memref_slice %dma_start3A_47[%dma_start3A_48, %dma_start3A_49] : memref<10000x64xf32, #tpu.memory_space<hbm>> -> memref<10000x64xf32, #tpu.memory_space<hbm>>
    tpu.enqueue_indirect_dma source(%dma_start3A_50 : memref<10000x64xf32, #tpu.memory_space<hbm>>) target(%dma_start3A_40 : memref<128x64xf32, #tpu.memory_space<vmem>>) offsets(%dma_start3A_43 : memref<128xi32, #tpu.memory_space<vmem>>) semaphore(%arg13 : memref<!tpu.dma_semaphore, #tpu.memory_space<semaphore_mem>>)
    %dma_start3A_51 = arith.constant 3 : i32
    %dma_start3A_52 = arith.constant 3 : i32
    %dma_start3A_53 = arith.constant 0 : i32
    %dma_start3A_54 = arith.constant 0 : i32
    %dma_start3A_55 = tpu.memref_slice %arg9[%dma_start3A_52, %dma_start3A_53, %dma_start3A_54] : memref<5x128x64xf32, #tpu.memory_space<vmem>> -> memref<1x128x64xf32, #tpu.memory_space<vmem>>
    %dma_start3A_56 = tpu.memref_squeeze %dma_start3A_55 : memref<1x128x64xf32, #tpu.memory_space<vmem>> -> memref<128x64xf32, #tpu.memory_space<vmem>>
    %dma_start3A_57 = arith.constant 0 : i32
    %dma_start3A_58 = tpu.memref_slice %arg7[%dma_start3A_51, %dma_start3A_57] : memref<160x128xi32, #tpu.memory_space<vmem>> -> memref<1x128xi32, #tpu.memory_space<vmem>>
    %dma_start3A_59 = tpu.memref_squeeze %dma_start3A_58 : memref<1x128xi32, #tpu.memory_space<vmem>> -> memref<128xi32, #tpu.memory_space<vmem>>
    %dma_start3A_60 = arith.constant 0 : i32
    %dma_start3A_61 = arith.constant 0 : i32
    %dma_start3A_62 = tpu.memref_slice %arg4[%add3A_0, %dma_start3A_60, %dma_start3A_61] : memref<4x10000x64xf32, #tpu.memory_space<hbm>> -> memref<1x10000x64xf32, #tpu.memory_space<hbm>>
    %dma_start3A_63 = tpu.memref_squeeze %dma_start3A_62 : memref<1x10000x64xf32, #tpu.memory_space<hbm>> -> memref<10000x64xf32, #tpu.memory_space<hbm>>
    %dma_start3A_64 = arith.constant 0 : i32
    %dma_start3A_65 = arith.constant 0 : i32
    %dma_start3A_66 = tpu.memref_slice %dma_start3A_63[%dma_start3A_64, %dma_start3A_65] : memref<10000x64xf32, #tpu.memory_space<hbm>> -> memref<10000x64xf32, #tpu.memory_space<hbm>>
    tpu.enqueue_indirect_dma source(%dma_start3A_66 : memref<10000x64xf32, #tpu.memory_space<hbm>>) target(%dma_start3A_56 : memref<128x64xf32, #tpu.memory_space<vmem>>) offsets(%dma_start3A_59 : memref<128xi32, #tpu.memory_space<vmem>>) semaphore(%arg14 : memref<!tpu.dma_semaphore, #tpu.memory_space<semaphore_mem>>)
    %dma_start3A_67 = arith.constant 4 : i32
    %dma_start3A_68 = arith.constant 4 : i32
    %dma_start3A_69 = arith.constant 0 : i32
    %dma_start3A_70 = arith.constant 0 : i32
    %dma_start3A_71 = tpu.memref_slice %arg9[%dma_start3A_68, %dma_start3A_69, %dma_start3A_70] : memref<5x128x64xf32, #tpu.memory_space<vmem>> -> memref<1x128x64xf32, #tpu.memory_space<vmem>>
    %dma_start3A_72 = tpu.memref_squeeze %dma_start3A_71 : memref<1x128x64xf32, #tpu.memory_space<vmem>> -> memref<128x64xf32, #tpu.memory_space<vmem>>
    %dma_start3A_73 = arith.constant 0 : i32
    %dma_start3A_74 = tpu.memref_slice %arg7[%dma_start3A_67, %dma_start3A_73] : memref<160x128xi32, #tpu.memory_space<vmem>> -> memref<1x128xi32, #tpu.memory_space<vmem>>
    %dma_start3A_75 = tpu.memref_squeeze %dma_start3A_74 : memref<1x128xi32, #tpu.memory_space<vmem>> -> memref<128xi32, #tpu.memory_space<vmem>>
    %dma_start3A_76 = arith.constant 0 : i32
    %dma_start3A_77 = arith.constant 0 : i32
    %dma_start3A_78 = tpu.memref_slice %arg4[%add3A_0, %dma_start3A_76, %dma_start3A_77] : memref<4x10000x64xf32, #tpu.memory_space<hbm>> -> memref<1x10000x64xf32, #tpu.memory_space<hbm>>
    %dma_start3A_79 = tpu.memref_squeeze %dma_start3A_78 : memref<1x10000x64xf32, #tpu.memory_space<hbm>> -> memref<10000x64xf32, #tpu.memory_space<hbm>>
    %dma_start3A_80 = arith.constant 0 : i32
    %dma_start3A_81 = arith.constant 0 : i32
    %dma_start3A_82 = tpu.memref_slice %dma_start3A_79[%dma_start3A_80, %dma_start3A_81] : memref<10000x64xf32, #tpu.memory_space<hbm>> -> memref<10000x64xf32, #tpu.memory_space<hbm>>
    tpu.enqueue_indirect_dma source(%dma_start3A_82 : memref<10000x64xf32, #tpu.memory_space<hbm>>) target(%dma_start3A_72 : memref<128x64xf32, #tpu.memory_space<vmem>>) offsets(%dma_start3A_75 : memref<128xi32, #tpu.memory_space<vmem>>) semaphore(%arg15 : memref<!tpu.dma_semaphore, #tpu.memory_space<semaphore_mem>>)
    %scan3A = arith.constant 0 : i32
    %scan3A_83 = arith.constant 0 : i32
    %scan3A_84 = arith.constant 32 : i32
    %scan3A_85 = arith.addi %scan3A_83, %scan3A_84 : i32
    %scan3A_86 = arith.constant 1 : i32
    %scan3A_87 = scf.for %scan3A_199 = %scan3A_83 to %scan3A_85 step %scan3A_86 iter_args(%scan3A_200 = %scan3A) -> (i32)  : i32 {
      %mul3A_201 = arith.constant 5 : i32
      %mul3A_202 = arith.muli %mul3A_201, %scan3A_199 : i32
      %add3A_203 = arith.constant 0 : i32
      %add3A_204 = arith.addi %mul3A_202, %add3A_203 : i32
      %dma_wait3A = arith.constant 0 : i32
      %dma_wait3A_205 = arith.constant 0 : i32
      %dma_wait3A_206 = arith.constant 0 : i32
      %dma_wait3A_207 = tpu.memref_slice %arg9[%dma_wait3A, %dma_wait3A_205, %dma_wait3A_206] : memref<5x128x64xf32, #tpu.memory_space<vmem>> -> memref<1x128x64xf32, #tpu.memory_space<vmem>>
      %dma_wait3A_208 = tpu.memref_squeeze %dma_wait3A_207 : memref<1x128x64xf32, #tpu.memory_space<vmem>> -> memref<128x64xf32, #tpu.memory_space<vmem>>
      %dma_wait3A_209 = arith.constant 0 : i32
      %dma_wait3A_210 = tpu.memref_slice %arg7[%add3A_204, %dma_wait3A_209] : memref<160x128xi32, #tpu.memory_space<vmem>> -> memref<1x128xi32, #tpu.memory_space<vmem>>
      %dma_wait3A_211 = tpu.memref_squeeze %dma_wait3A_210 : memref<1x128xi32, #tpu.memory_space<vmem>> -> memref<128xi32, #tpu.memory_space<vmem>>
      %dma_wait3A_212 = arith.constant 0 : i32
      %dma_wait3A_213 = arith.constant 0 : i32
      %dma_wait3A_214 = tpu.memref_slice %arg4[%add3A_0, %dma_wait3A_212, %dma_wait3A_213] : memref<4x10000x64xf32, #tpu.memory_space<hbm>> -> memref<1x10000x64xf32, #tpu.memory_space<hbm>>
      %dma_wait3A_215 = tpu.memref_squeeze %dma_wait3A_214 : memref<1x10000x64xf32, #tpu.memory_space<hbm>> -> memref<10000x64xf32, #tpu.memory_space<hbm>>
      %dma_wait3A_216 = arith.constant 0 : i32
      %dma_wait3A_217 = arith.constant 0 : i32
      %dma_wait3A_218 = tpu.memref_slice %dma_wait3A_215[%dma_wait3A_216, %dma_wait3A_217] : memref<10000x64xf32, #tpu.memory_space<hbm>> -> memref<10000x64xf32, #tpu.memory_space<hbm>>
      tpu.wait_indirect_dma semaphore(%arg11 : memref<!tpu.dma_semaphore, #tpu.memory_space<semaphore_mem>>) src(%dma_wait3A_218 : memref<10000x64xf32, #tpu.memory_space<hbm>>) dst(%dma_wait3A_208 : memref<128x64xf32, #tpu.memory_space<vmem>>)
      %dma_start3A_219 = arith.constant 0 : i32
      %dma_start3A_220 = arith.constant 0 : i32
      %dma_start3A_221 = arith.constant 0 : i32
      %dma_start3A_222 = tpu.memref_slice %arg9[%dma_start3A_219, %dma_start3A_220, %dma_start3A_221] : memref<5x128x64xf32, #tpu.memory_space<vmem>> -> memref<1x128x64xf32, #tpu.memory_space<vmem>>
      %dma_start3A_223 = tpu.memref_squeeze %dma_start3A_222 : memref<1x128x64xf32, #tpu.memory_space<vmem>> -> memref<128x64xf32, #tpu.memory_space<vmem>>
      %dma_start3A_224 = arith.constant 0 : i32
      %dma_start3A_225 = tpu.memref_slice %arg8[%add3A_204, %dma_start3A_224] : memref<160x128xi32, #tpu.memory_space<vmem>> -> memref<1x128xi32, #tpu.memory_space<vmem>>
      %dma_start3A_226 = tpu.memref_squeeze %dma_start3A_225 : memref<1x128xi32, #tpu.memory_space<vmem>> -> memref<128xi32, #tpu.memory_space<vmem>>
      %dma_start3A_227 = arith.constant 0 : i32
      %dma_start3A_228 = arith.constant 0 : i32
      %dma_start3A_229 = tpu.memref_slice %arg10[%dma_start3A_227, %dma_start3A_228] : memref<10240x64xf32, #tpu.memory_space<vmem_shared>> -> memref<10240x64xf32, #tpu.memory_space<vmem_shared>>
      tpu.enqueue_indirect_dma source(%dma_start3A_223 : memref<128x64xf32, #tpu.memory_space<vmem>>) target(%dma_start3A_229 : memref<10240x64xf32, #tpu.memory_space<vmem_shared>>) offsets(%dma_start3A_226 : memref<128xi32, #tpu.memory_space<vmem>>) semaphore(%arg16 : memref<!tpu.dma_semaphore, #tpu.memory_space<semaphore_mem>>) {add = true}
      %add3A_230 = arith.constant 1 : i32
      %add3A_231 = arith.addi %mul3A_202, %add3A_230 : i32
      %dma_wait3A_232 = arith.constant 1 : i32
      %dma_wait3A_233 = arith.constant 0 : i32
      %dma_wait3A_234 = arith.constant 0 : i32
      %dma_wait3A_235 = tpu.memref_slice %arg9[%dma_wait3A_232, %dma_wait3A_233, %dma_wait3A_234] : memref<5x128x64xf32, #tpu.memory_space<vmem>> -> memref<1x128x64xf32, #tpu.memory_space<vmem>>
      %dma_wait3A_236 = tpu.memref_squeeze %dma_wait3A_235 : memref<1x128x64xf32, #tpu.memory_space<vmem>> -> memref<128x64xf32, #tpu.memory_space<vmem>>
      %dma_wait3A_237 = arith.constant 0 : i32
      %dma_wait3A_238 = tpu.memref_slice %arg7[%add3A_231, %dma_wait3A_237] : memref<160x128xi32, #tpu.memory_space<vmem>> -> memref<1x128xi32, #tpu.memory_space<vmem>>
      %dma_wait3A_239 = tpu.memref_squeeze %dma_wait3A_238 : memref<1x128xi32, #tpu.memory_space<vmem>> -> memref<128xi32, #tpu.memory_space<vmem>>
      %dma_wait3A_240 = arith.constant 0 : i32
      %dma_wait3A_241 = arith.constant 0 : i32
      %dma_wait3A_242 = tpu.memref_slice %arg4[%add3A_0, %dma_wait3A_240, %dma_wait3A_241] : memref<4x10000x64xf32, #tpu.memory_space<hbm>> -> memref<1x10000x64xf32, #tpu.memory_space<hbm>>
      %dma_wait3A_243 = tpu.memref_squeeze %dma_wait3A_242 : memref<1x10000x64xf32, #tpu.memory_space<hbm>> -> memref<10000x64xf32, #tpu.memory_space<hbm>>
      %dma_wait3A_244 = arith.constant 0 : i32
      %dma_wait3A_245 = arith.constant 0 : i32
      %dma_wait3A_246 = tpu.memref_slice %dma_wait3A_243[%dma_wait3A_244, %dma_wait3A_245] : memref<10000x64xf32, #tpu.memory_space<hbm>> -> memref<10000x64xf32, #tpu.memory_space<hbm>>
      tpu.wait_indirect_dma semaphore(%arg12 : memref<!tpu.dma_semaphore, #tpu.memory_space<semaphore_mem>>) src(%dma_wait3A_246 : memref<10000x64xf32, #tpu.memory_space<hbm>>) dst(%dma_wait3A_236 : memref<128x64xf32, #tpu.memory_space<vmem>>)
      %dma_start3A_247 = arith.constant 1 : i32
      %dma_start3A_248 = arith.constant 0 : i32
      %dma_start3A_249 = arith.constant 0 : i32
      %dma_start3A_250 = tpu.memref_slice %arg9[%dma_start3A_247, %dma_start3A_248, %dma_start3A_249] : memref<5x128x64xf32, #tpu.memory_space<vmem>> -> memref<1x128x64xf32, #tpu.memory_space<vmem>>
      %dma_start3A_251 = tpu.memref_squeeze %dma_start3A_250 : memref<1x128x64xf32, #tpu.memory_space<vmem>> -> memref<128x64xf32, #tpu.memory_space<vmem>>
      %dma_start3A_252 = arith.constant 0 : i32
      %dma_start3A_253 = tpu.memref_slice %arg8[%add3A_231, %dma_start3A_252] : memref<160x128xi32, #tpu.memory_space<vmem>> -> memref<1x128xi32, #tpu.memory_space<vmem>>
      %dma_start3A_254 = tpu.memref_squeeze %dma_start3A_253 : memref<1x128xi32, #tpu.memory_space<vmem>> -> memref<128xi32, #tpu.memory_space<vmem>>
      %dma_start3A_255 = arith.constant 0 : i32
      %dma_start3A_256 = arith.constant 0 : i32
      %dma_start3A_257 = tpu.memref_slice %arg10[%dma_start3A_255, %dma_start3A_256] : memref<10240x64xf32, #tpu.memory_space<vmem_shared>> -> memref<10240x64xf32, #tpu.memory_space<vmem_shared>>
      tpu.enqueue_indirect_dma source(%dma_start3A_251 : memref<128x64xf32, #tpu.memory_space<vmem>>) target(%dma_start3A_257 : memref<10240x64xf32, #tpu.memory_space<vmem_shared>>) offsets(%dma_start3A_254 : memref<128xi32, #tpu.memory_space<vmem>>) semaphore(%arg17 : memref<!tpu.dma_semaphore, #tpu.memory_space<semaphore_mem>>) {add = true}
      %add3A_258 = arith.constant 2 : i32
      %add3A_259 = arith.addi %mul3A_202, %add3A_258 : i32
      %dma_wait3A_260 = arith.constant 2 : i32
      %dma_wait3A_261 = arith.constant 0 : i32
      %dma_wait3A_262 = arith.constant 0 : i32
      %dma_wait3A_263 = tpu.memref_slice %arg9[%dma_wait3A_260, %dma_wait3A_261, %dma_wait3A_262] : memref<5x128x64xf32, #tpu.memory_space<vmem>> -> memref<1x128x64xf32, #tpu.memory_space<vmem>>
      %dma_wait3A_264 = tpu.memref_squeeze %dma_wait3A_263 : memref<1x128x64xf32, #tpu.memory_space<vmem>> -> memref<128x64xf32, #tpu.memory_space<vmem>>
      %dma_wait3A_265 = arith.constant 0 : i32
      %dma_wait3A_266 = tpu.memref_slice %arg7[%add3A_259, %dma_wait3A_265] : memref<160x128xi32, #tpu.memory_space<vmem>> -> memref<1x128xi32, #tpu.memory_space<vmem>>
      %dma_wait3A_267 = tpu.memref_squeeze %dma_wait3A_266 : memref<1x128xi32, #tpu.memory_space<vmem>> -> memref<128xi32, #tpu.memory_space<vmem>>
      %dma_wait3A_268 = arith.constant 0 : i32
      %dma_wait3A_269 = arith.constant 0 : i32
      %dma_wait3A_270 = tpu.memref_slice %arg4[%add3A_0, %dma_wait3A_268, %dma_wait3A_269] : memref<4x10000x64xf32, #tpu.memory_space<hbm>> -> memref<1x10000x64xf32, #tpu.memory_space<hbm>>
      %dma_wait3A_271 = tpu.memref_squeeze %dma_wait3A_270 : memref<1x10000x64xf32, #tpu.memory_space<hbm>> -> memref<10000x64xf32, #tpu.memory_space<hbm>>
      %dma_wait3A_272 = arith.constant 0 : i32
      %dma_wait3A_273 = arith.constant 0 : i32
      %dma_wait3A_274 = tpu.memref_slice %dma_wait3A_271[%dma_wait3A_272, %dma_wait3A_273] : memref<10000x64xf32, #tpu.memory_space<hbm>> -> memref<10000x64xf32, #tpu.memory_space<hbm>>
      tpu.wait_indirect_dma semaphore(%arg13 : memref<!tpu.dma_semaphore, #tpu.memory_space<semaphore_mem>>) src(%dma_wait3A_274 : memref<10000x64xf32, #tpu.memory_space<hbm>>) dst(%dma_wait3A_264 : memref<128x64xf32, #tpu.memory_space<vmem>>)
      %dma_start3A_275 = arith.constant 2 : i32
      %dma_start3A_276 = arith.constant 0 : i32
      %dma_start3A_277 = arith.constant 0 : i32
      %dma_start3A_278 = tpu.memref_slice %arg9[%dma_start3A_275, %dma_start3A_276, %dma_start3A_277] : memref<5x128x64xf32, #tpu.memory_space<vmem>> -> memref<1x128x64xf32, #tpu.memory_space<vmem>>
      %dma_start3A_279 = tpu.memref_squeeze %dma_start3A_278 : memref<1x128x64xf32, #tpu.memory_space<vmem>> -> memref<128x64xf32, #tpu.memory_space<vmem>>
      %dma_start3A_280 = arith.constant 0 : i32
      %dma_start3A_281 = tpu.memref_slice %arg8[%add3A_259, %dma_start3A_280] : memref<160x128xi32, #tpu.memory_space<vmem>> -> memref<1x128xi32, #tpu.memory_space<vmem>>
      %dma_start3A_282 = tpu.memref_squeeze %dma_start3A_281 : memref<1x128xi32, #tpu.memory_space<vmem>> -> memref<128xi32, #tpu.memory_space<vmem>>
      %dma_start3A_283 = arith.constant 0 : i32
      %dma_start3A_284 = arith.constant 0 : i32
      %dma_start3A_285 = tpu.memref_slice %arg10[%dma_start3A_283, %dma_start3A_284] : memref<10240x64xf32, #tpu.memory_space<vmem_shared>> -> memref<10240x64xf32, #tpu.memory_space<vmem_shared>>
      tpu.enqueue_indirect_dma source(%dma_start3A_279 : memref<128x64xf32, #tpu.memory_space<vmem>>) target(%dma_start3A_285 : memref<10240x64xf32, #tpu.memory_space<vmem_shared>>) offsets(%dma_start3A_282 : memref<128xi32, #tpu.memory_space<vmem>>) semaphore(%arg18 : memref<!tpu.dma_semaphore, #tpu.memory_space<semaphore_mem>>) {add = true}
      %add3A_286 = arith.constant 3 : i32
      %add3A_287 = arith.addi %mul3A_202, %add3A_286 : i32
      %dma_wait3A_288 = arith.constant 3 : i32
      %dma_wait3A_289 = arith.constant 0 : i32
      %dma_wait3A_290 = arith.constant 0 : i32
      %dma_wait3A_291 = tpu.memref_slice %arg9[%dma_wait3A_288, %dma_wait3A_289, %dma_wait3A_290] : memref<5x128x64xf32, #tpu.memory_space<vmem>> -> memref<1x128x64xf32, #tpu.memory_space<vmem>>
      %dma_wait3A_292 = tpu.memref_squeeze %dma_wait3A_291 : memref<1x128x64xf32, #tpu.memory_space<vmem>> -> memref<128x64xf32, #tpu.memory_space<vmem>>
      %dma_wait3A_293 = arith.constant 0 : i32
      %dma_wait3A_294 = tpu.memref_slice %arg7[%add3A_287, %dma_wait3A_293] : memref<160x128xi32, #tpu.memory_space<vmem>> -> memref<1x128xi32, #tpu.memory_space<vmem>>
      %dma_wait3A_295 = tpu.memref_squeeze %dma_wait3A_294 : memref<1x128xi32, #tpu.memory_space<vmem>> -> memref<128xi32, #tpu.memory_space<vmem>>
      %dma_wait3A_296 = arith.constant 0 : i32
      %dma_wait3A_297 = arith.constant 0 : i32
      %dma_wait3A_298 = tpu.memref_slice %arg4[%add3A_0, %dma_wait3A_296, %dma_wait3A_297] : memref<4x10000x64xf32, #tpu.memory_space<hbm>> -> memref<1x10000x64xf32, #tpu.memory_space<hbm>>
      %dma_wait3A_299 = tpu.memref_squeeze %dma_wait3A_298 : memref<1x10000x64xf32, #tpu.memory_space<hbm>> -> memref<10000x64xf32, #tpu.memory_space<hbm>>
      %dma_wait3A_300 = arith.constant 0 : i32
      %dma_wait3A_301 = arith.constant 0 : i32
      %dma_wait3A_302 = tpu.memref_slice %dma_wait3A_299[%dma_wait3A_300, %dma_wait3A_301] : memref<10000x64xf32, #tpu.memory_space<hbm>> -> memref<10000x64xf32, #tpu.memory_space<hbm>>
      tpu.wait_indirect_dma semaphore(%arg14 : memref<!tpu.dma_semaphore, #tpu.memory_space<semaphore_mem>>) src(%dma_wait3A_302 : memref<10000x64xf32, #tpu.memory_space<hbm>>) dst(%dma_wait3A_292 : memref<128x64xf32, #tpu.memory_space<vmem>>)
      %dma_start3A_303 = arith.constant 3 : i32
      %dma_start3A_304 = arith.constant 0 : i32
      %dma_start3A_305 = arith.constant 0 : i32
      %dma_start3A_306 = tpu.memref_slice %arg9[%dma_start3A_303, %dma_start3A_304, %dma_start3A_305] : memref<5x128x64xf32, #tpu.memory_space<vmem>> -> memref<1x128x64xf32, #tpu.memory_space<vmem>>
      %dma_start3A_307 = tpu.memref_squeeze %dma_start3A_306 : memref<1x128x64xf32, #tpu.memory_space<vmem>> -> memref<128x64xf32, #tpu.memory_space<vmem>>
      %dma_start3A_308 = arith.constant 0 : i32
      %dma_start3A_309 = tpu.memref_slice %arg8[%add3A_287, %dma_start3A_308] : memref<160x128xi32, #tpu.memory_space<vmem>> -> memref<1x128xi32, #tpu.memory_space<vmem>>
      %dma_start3A_310 = tpu.memref_squeeze %dma_start3A_309 : memref<1x128xi32, #tpu.memory_space<vmem>> -> memref<128xi32, #tpu.memory_space<vmem>>
      %dma_start3A_311 = arith.constant 0 : i32
      %dma_start3A_312 = arith.constant 0 : i32
      %dma_start3A_313 = tpu.memref_slice %arg10[%dma_start3A_311, %dma_start3A_312] : memref<10240x64xf32, #tpu.memory_space<vmem_shared>> -> memref<10240x64xf32, #tpu.memory_space<vmem_shared>>
      tpu.enqueue_indirect_dma source(%dma_start3A_307 : memref<128x64xf32, #tpu.memory_space<vmem>>) target(%dma_start3A_313 : memref<10240x64xf32, #tpu.memory_space<vmem_shared>>) offsets(%dma_start3A_310 : memref<128xi32, #tpu.memory_space<vmem>>) semaphore(%arg19 : memref<!tpu.dma_semaphore, #tpu.memory_space<semaphore_mem>>) {add = true}
      %add3A_314 = arith.constant 4 : i32
      %add3A_315 = arith.addi %mul3A_202, %add3A_314 : i32
      %dma_wait3A_316 = arith.constant 4 : i32
      %dma_wait3A_317 = arith.constant 0 : i32
      %dma_wait3A_318 = arith.constant 0 : i32
      %dma_wait3A_319 = tpu.memref_slice %arg9[%dma_wait3A_316, %dma_wait3A_317, %dma_wait3A_318] : memref<5x128x64xf32, #tpu.memory_space<vmem>> -> memref<1x128x64xf32, #tpu.memory_space<vmem>>
      %dma_wait3A_320 = tpu.memref_squeeze %dma_wait3A_319 : memref<1x128x64xf32, #tpu.memory_space<vmem>> -> memref<128x64xf32, #tpu.memory_space<vmem>>
      %dma_wait3A_321 = arith.constant 0 : i32
      %dma_wait3A_322 = tpu.memref_slice %arg7[%add3A_315, %dma_wait3A_321] : memref<160x128xi32, #tpu.memory_space<vmem>> -> memref<1x128xi32, #tpu.memory_space<vmem>>
      %dma_wait3A_323 = tpu.memref_squeeze %dma_wait3A_322 : memref<1x128xi32, #tpu.memory_space<vmem>> -> memref<128xi32, #tpu.memory_space<vmem>>
      %dma_wait3A_324 = arith.constant 0 : i32
      %dma_wait3A_325 = arith.constant 0 : i32
      %dma_wait3A_326 = tpu.memref_slice %arg4[%add3A_0, %dma_wait3A_324, %dma_wait3A_325] : memref<4x10000x64xf32, #tpu.memory_space<hbm>> -> memref<1x10000x64xf32, #tpu.memory_space<hbm>>
      %dma_wait3A_327 = tpu.memref_squeeze %dma_wait3A_326 : memref<1x10000x64xf32, #tpu.memory_space<hbm>> -> memref<10000x64xf32, #tpu.memory_space<hbm>>
      %dma_wait3A_328 = arith.constant 0 : i32
      %dma_wait3A_329 = arith.constant 0 : i32
      %dma_wait3A_330 = tpu.memref_slice %dma_wait3A_327[%dma_wait3A_328, %dma_wait3A_329] : memref<10000x64xf32, #tpu.memory_space<hbm>> -> memref<10000x64xf32, #tpu.memory_space<hbm>>
      tpu.wait_indirect_dma semaphore(%arg15 : memref<!tpu.dma_semaphore, #tpu.memory_space<semaphore_mem>>) src(%dma_wait3A_330 : memref<10000x64xf32, #tpu.memory_space<hbm>>) dst(%dma_wait3A_320 : memref<128x64xf32, #tpu.memory_space<vmem>>)
      %dma_start3A_331 = arith.constant 4 : i32
      %dma_start3A_332 = arith.constant 0 : i32
      %dma_start3A_333 = arith.constant 0 : i32
      %dma_start3A_334 = tpu.memref_slice %arg9[%dma_start3A_331, %dma_start3A_332, %dma_start3A_333] : memref<5x128x64xf32, #tpu.memory_space<vmem>> -> memref<1x128x64xf32, #tpu.memory_space<vmem>>
      %dma_start3A_335 = tpu.memref_squeeze %dma_start3A_334 : memref<1x128x64xf32, #tpu.memory_space<vmem>> -> memref<128x64xf32, #tpu.memory_space<vmem>>
      %dma_start3A_336 = arith.constant 0 : i32
      %dma_start3A_337 = tpu.memref_slice %arg8[%add3A_315, %dma_start3A_336] : memref<160x128xi32, #tpu.memory_space<vmem>> -> memref<1x128xi32, #tpu.memory_space<vmem>>
      %dma_start3A_338 = tpu.memref_squeeze %dma_start3A_337 : memref<1x128xi32, #tpu.memory_space<vmem>> -> memref<128xi32, #tpu.memory_space<vmem>>
      %dma_start3A_339 = arith.constant 0 : i32
      %dma_start3A_340 = arith.constant 0 : i32
      %dma_start3A_341 = tpu.memref_slice %arg10[%dma_start3A_339, %dma_start3A_340] : memref<10240x64xf32, #tpu.memory_space<vmem_shared>> -> memref<10240x64xf32, #tpu.memory_space<vmem_shared>>
      tpu.enqueue_indirect_dma source(%dma_start3A_335 : memref<128x64xf32, #tpu.memory_space<vmem>>) target(%dma_start3A_341 : memref<10240x64xf32, #tpu.memory_space<vmem_shared>>) offsets(%dma_start3A_338 : memref<128xi32, #tpu.memory_space<vmem>>) semaphore(%arg20 : memref<!tpu.dma_semaphore, #tpu.memory_space<semaphore_mem>>) {add = true}
      %add3A_342 = arith.constant 0 : i32
      %add3A_343 = arith.addi %mul3A_202, %add3A_342 : i32
      %dma_wait3A_344 = arith.constant 0 : i32
      %dma_wait3A_345 = arith.constant 0 : i32
      %dma_wait3A_346 = arith.constant 0 : i32
      %dma_wait3A_347 = tpu.memref_slice %arg9[%dma_wait3A_344, %dma_wait3A_345, %dma_wait3A_346] : memref<5x128x64xf32, #tpu.memory_space<vmem>> -> memref<1x128x64xf32, #tpu.memory_space<vmem>>
      %dma_wait3A_348 = tpu.memref_squeeze %dma_wait3A_347 : memref<1x128x64xf32, #tpu.memory_space<vmem>> -> memref<128x64xf32, #tpu.memory_space<vmem>>
      %dma_wait3A_349 = arith.constant 0 : i32
      %dma_wait3A_350 = tpu.memref_slice %arg8[%add3A_343, %dma_wait3A_349] : memref<160x128xi32, #tpu.memory_space<vmem>> -> memref<1x128xi32, #tpu.memory_space<vmem>>
      %dma_wait3A_351 = tpu.memref_squeeze %dma_wait3A_350 : memref<1x128xi32, #tpu.memory_space<vmem>> -> memref<128xi32, #tpu.memory_space<vmem>>
      %dma_wait3A_352 = arith.constant 0 : i32
      %dma_wait3A_353 = arith.constant 0 : i32
      %dma_wait3A_354 = tpu.memref_slice %arg10[%dma_wait3A_352, %dma_wait3A_353] : memref<10240x64xf32, #tpu.memory_space<vmem_shared>> -> memref<10240x64xf32, #tpu.memory_space<vmem_shared>>
      tpu.wait_indirect_dma semaphore(%arg16 : memref<!tpu.dma_semaphore, #tpu.memory_space<semaphore_mem>>) src(%dma_wait3A_348 : memref<128x64xf32, #tpu.memory_space<vmem>>) dst(%dma_wait3A_354 : memref<10240x64xf32, #tpu.memory_space<vmem_shared>>)
      %add3A_355 = arith.constant 5 : i32
      %add3A_356 = arith.addi %add3A_343, %add3A_355 : i32
      %lt3A = arith.constant 160 : i32
      %lt3A_357 = arith.cmpi slt, %add3A_356, %lt3A : i32
      %convert_element_type3A = arith.extui %lt3A_357 : i1 to i32
      %cond3A = arith.constant 0 : i32
      %cond3A_358 = arith.cmpi ne, %convert_element_type3A, %cond3A : i32
      scf.if %cond3A_358 {
        %add3A_440 = arith.constant 5 : i32
        %add3A_441 = arith.addi %add3A_343, %add3A_440 : i32
        %dma_start3A_442 = arith.constant 0 : i32
        %dma_start3A_443 = arith.constant 0 : i32
        %dma_start3A_444 = arith.constant 0 : i32
        %dma_start3A_445 = tpu.memref_slice %arg9[%dma_start3A_442, %dma_start3A_443, %dma_start3A_444] : memref<5x128x64xf32, #tpu.memory_space<vmem>> -> memref<1x128x64xf32, #tpu.memory_space<vmem>>
        %dma_start3A_446 = tpu.memref_squeeze %dma_start3A_445 : memref<1x128x64xf32, #tpu.memory_space<vmem>> -> memref<128x64xf32, #tpu.memory_space<vmem>>
        %dma_start3A_447 = arith.constant 0 : i32
        %dma_start3A_448 = tpu.memref_slice %arg7[%add3A_441, %dma_start3A_447] : memref<160x128xi32, #tpu.memory_space<vmem>> -> memref<1x128xi32, #tpu.memory_space<vmem>>
        %dma_start3A_449 = tpu.memref_squeeze %dma_start3A_448 : memref<1x128xi32, #tpu.memory_space<vmem>> -> memref<128xi32, #tpu.memory_space<vmem>>
        %dma_start3A_450 = arith.constant 0 : i32
        %dma_start3A_451 = arith.constant 0 : i32
        %dma_start3A_452 = tpu.memref_slice %arg4[%add3A_0, %dma_start3A_450, %dma_start3A_451] : memref<4x10000x64xf32, #tpu.memory_space<hbm>> -> memref<1x10000x64xf32, #tpu.memory_space<hbm>>
        %dma_start3A_453 = tpu.memref_squeeze %dma_start3A_452 : memref<1x10000x64xf32, #tpu.memory_space<hbm>> -> memref<10000x64xf32, #tpu.memory_space<hbm>>
        %dma_start3A_454 = arith.constant 0 : i32
        %dma_start3A_455 = arith.constant 0 : i32
        %dma_start3A_456 = tpu.memref_slice %dma_start3A_453[%dma_start3A_454, %dma_start3A_455] : memref<10000x64xf32, #tpu.memory_space<hbm>> -> memref<10000x64xf32, #tpu.memory_space<hbm>>
        tpu.enqueue_indirect_dma source(%dma_start3A_456 : memref<10000x64xf32, #tpu.memory_space<hbm>>) target(%dma_start3A_446 : memref<128x64xf32, #tpu.memory_space<vmem>>) offsets(%dma_start3A_449 : memref<128xi32, #tpu.memory_space<vmem>>) semaphore(%arg11 : memref<!tpu.dma_semaphore, #tpu.memory_space<semaphore_mem>>)
      } else {
      }
      %add3A_359 = arith.constant 1 : i32
      %add3A_360 = arith.addi %mul3A_202, %add3A_359 : i32
      %dma_wait3A_361 = arith.constant 1 : i32
      %dma_wait3A_362 = arith.constant 0 : i32
      %dma_wait3A_363 = arith.constant 0 : i32
      %dma_wait3A_364 = tpu.memref_slice %arg9[%dma_wait3A_361, %dma_wait3A_362, %dma_wait3A_363] : memref<5x128x64xf32, #tpu.memory_space<vmem>> -> memref<1x128x64xf32, #tpu.memory_space<vmem>>
      %dma_wait3A_365 = tpu.memref_squeeze %dma_wait3A_364 : memref<1x128x64xf32, #tpu.memory_space<vmem>> -> memref<128x64xf32, #tpu.memory_space<vmem>>
      %dma_wait3A_366 = arith.constant 0 : i32
      %dma_wait3A_367 = tpu.memref_slice %arg8[%add3A_360, %dma_wait3A_366] : memref<160x128xi32, #tpu.memory_space<vmem>> -> memref<1x128xi32, #tpu.memory_space<vmem>>
      %dma_wait3A_368 = tpu.memref_squeeze %dma_wait3A_367 : memref<1x128xi32, #tpu.memory_space<vmem>> -> memref<128xi32, #tpu.memory_space<vmem>>
      %dma_wait3A_369 = arith.constant 0 : i32
      %dma_wait3A_370 = arith.constant 0 : i32
      %dma_wait3A_371 = tpu.memref_slice %arg10[%dma_wait3A_369, %dma_wait3A_370] : memref<10240x64xf32, #tpu.memory_space<vmem_shared>> -> memref<10240x64xf32, #tpu.memory_space<vmem_shared>>
      tpu.wait_indirect_dma semaphore(%arg17 : memref<!tpu.dma_semaphore, #tpu.memory_space<semaphore_mem>>) src(%dma_wait3A_365 : memref<128x64xf32, #tpu.memory_space<vmem>>) dst(%dma_wait3A_371 : memref<10240x64xf32, #tpu.memory_space<vmem_shared>>)
      %add3A_372 = arith.constant 5 : i32
      %add3A_373 = arith.addi %add3A_360, %add3A_372 : i32
      %lt3A_374 = arith.constant 160 : i32
      %lt3A_375 = arith.cmpi slt, %add3A_373, %lt3A_374 : i32
      %convert_element_type3A_376 = arith.extui %lt3A_375 : i1 to i32
      %cond3A_377 = arith.constant 0 : i32
      %cond3A_378 = arith.cmpi ne, %convert_element_type3A_376, %cond3A_377 : i32
      scf.if %cond3A_378 {
        %add3A_440 = arith.constant 5 : i32
        %add3A_441 = arith.addi %add3A_360, %add3A_440 : i32
        %dma_start3A_442 = arith.constant 1 : i32
        %dma_start3A_443 = arith.constant 0 : i32
        %dma_start3A_444 = arith.constant 0 : i32
        %dma_start3A_445 = tpu.memref_slice %arg9[%dma_start3A_442, %dma_start3A_443, %dma_start3A_444] : memref<5x128x64xf32, #tpu.memory_space<vmem>> -> memref<1x128x64xf32, #tpu.memory_space<vmem>>
        %dma_start3A_446 = tpu.memref_squeeze %dma_start3A_445 : memref<1x128x64xf32, #tpu.memory_space<vmem>> -> memref<128x64xf32, #tpu.memory_space<vmem>>
        %dma_start3A_447 = arith.constant 0 : i32
        %dma_start3A_448 = tpu.memref_slice %arg7[%add3A_441, %dma_start3A_447] : memref<160x128xi32, #tpu.memory_space<vmem>> -> memref<1x128xi32, #tpu.memory_space<vmem>>
        %dma_start3A_449 = tpu.memref_squeeze %dma_start3A_448 : memref<1x128xi32, #tpu.memory_space<vmem>> -> memref<128xi32, #tpu.memory_space<vmem>>
        %dma_start3A_450 = arith.constant 0 : i32
        %dma_start3A_451 = arith.constant 0 : i32
        %dma_start3A_452 = tpu.memref_slice %arg4[%add3A_0, %dma_start3A_450, %dma_start3A_451] : memref<4x10000x64xf32, #tpu.memory_space<hbm>> -> memref<1x10000x64xf32, #tpu.memory_space<hbm>>
        %dma_start3A_453 = tpu.memref_squeeze %dma_start3A_452 : memref<1x10000x64xf32, #tpu.memory_space<hbm>> -> memref<10000x64xf32, #tpu.memory_space<hbm>>
        %dma_start3A_454 = arith.constant 0 : i32
        %dma_start3A_455 = arith.constant 0 : i32
        %dma_start3A_456 = tpu.memref_slice %dma_start3A_453[%dma_start3A_454, %dma_start3A_455] : memref<10000x64xf32, #tpu.memory_space<hbm>> -> memref<10000x64xf32, #tpu.memory_space<hbm>>
        tpu.enqueue_indirect_dma source(%dma_start3A_456 : memref<10000x64xf32, #tpu.memory_space<hbm>>) target(%dma_start3A_446 : memref<128x64xf32, #tpu.memory_space<vmem>>) offsets(%dma_start3A_449 : memref<128xi32, #tpu.memory_space<vmem>>) semaphore(%arg12 : memref<!tpu.dma_semaphore, #tpu.memory_space<semaphore_mem>>)
      } else {
      }
      %add3A_379 = arith.constant 2 : i32
      %add3A_380 = arith.addi %mul3A_202, %add3A_379 : i32
      %dma_wait3A_381 = arith.constant 2 : i32
      %dma_wait3A_382 = arith.constant 0 : i32
      %dma_wait3A_383 = arith.constant 0 : i32
      %dma_wait3A_384 = tpu.memref_slice %arg9[%dma_wait3A_381, %dma_wait3A_382, %dma_wait3A_383] : memref<5x128x64xf32, #tpu.memory_space<vmem>> -> memref<1x128x64xf32, #tpu.memory_space<vmem>>
      %dma_wait3A_385 = tpu.memref_squeeze %dma_wait3A_384 : memref<1x128x64xf32, #tpu.memory_space<vmem>> -> memref<128x64xf32, #tpu.memory_space<vmem>>
      %dma_wait3A_386 = arith.constant 0 : i32
      %dma_wait3A_387 = tpu.memref_slice %arg8[%add3A_380, %dma_wait3A_386] : memref<160x128xi32, #tpu.memory_space<vmem>> -> memref<1x128xi32, #tpu.memory_space<vmem>>
      %dma_wait3A_388 = tpu.memref_squeeze %dma_wait3A_387 : memref<1x128xi32, #tpu.memory_space<vmem>> -> memref<128xi32, #tpu.memory_space<vmem>>
      %dma_wait3A_389 = arith.constant 0 : i32
      %dma_wait3A_390 = arith.constant 0 : i32
      %dma_wait3A_391 = tpu.memref_slice %arg10[%dma_wait3A_389, %dma_wait3A_390] : memref<10240x64xf32, #tpu.memory_space<vmem_shared>> -> memref<10240x64xf32, #tpu.memory_space<vmem_shared>>
      tpu.wait_indirect_dma semaphore(%arg18 : memref<!tpu.dma_semaphore, #tpu.memory_space<semaphore_mem>>) src(%dma_wait3A_385 : memref<128x64xf32, #tpu.memory_space<vmem>>) dst(%dma_wait3A_391 : memref<10240x64xf32, #tpu.memory_space<vmem_shared>>)
      %add3A_392 = arith.constant 5 : i32
      %add3A_393 = arith.addi %add3A_380, %add3A_392 : i32
      %lt3A_394 = arith.constant 160 : i32
      %lt3A_395 = arith.cmpi slt, %add3A_393, %lt3A_394 : i32
      %convert_element_type3A_396 = arith.extui %lt3A_395 : i1 to i32
      %cond3A_397 = arith.constant 0 : i32
      %cond3A_398 = arith.cmpi ne, %convert_element_type3A_396, %cond3A_397 : i32
      scf.if %cond3A_398 {
        %add3A_440 = arith.constant 5 : i32
        %add3A_441 = arith.addi %add3A_380, %add3A_440 : i32
        %dma_start3A_442 = arith.constant 2 : i32
        %dma_start3A_443 = arith.constant 0 : i32
        %dma_start3A_444 = arith.constant 0 : i32
        %dma_start3A_445 = tpu.memref_slice %arg9[%dma_start3A_442, %dma_start3A_443, %dma_start3A_444] : memref<5x128x64xf32, #tpu.memory_space<vmem>> -> memref<1x128x64xf32, #tpu.memory_space<vmem>>
        %dma_start3A_446 = tpu.memref_squeeze %dma_start3A_445 : memref<1x128x64xf32, #tpu.memory_space<vmem>> -> memref<128x64xf32, #tpu.memory_space<vmem>>
        %dma_start3A_447 = arith.constant 0 : i32
        %dma_start3A_448 = tpu.memref_slice %arg7[%add3A_441, %dma_start3A_447] : memref<160x128xi32, #tpu.memory_space<vmem>> -> memref<1x128xi32, #tpu.memory_space<vmem>>
        %dma_start3A_449 = tpu.memref_squeeze %dma_start3A_448 : memref<1x128xi32, #tpu.memory_space<vmem>> -> memref<128xi32, #tpu.memory_space<vmem>>
        %dma_start3A_450 = arith.constant 0 : i32
        %dma_start3A_451 = arith.constant 0 : i32
        %dma_start3A_452 = tpu.memref_slice %arg4[%add3A_0, %dma_start3A_450, %dma_start3A_451] : memref<4x10000x64xf32, #tpu.memory_space<hbm>> -> memref<1x10000x64xf32, #tpu.memory_space<hbm>>
        %dma_start3A_453 = tpu.memref_squeeze %dma_start3A_452 : memref<1x10000x64xf32, #tpu.memory_space<hbm>> -> memref<10000x64xf32, #tpu.memory_space<hbm>>
        %dma_start3A_454 = arith.constant 0 : i32
        %dma_start3A_455 = arith.constant 0 : i32
        %dma_start3A_456 = tpu.memref_slice %dma_start3A_453[%dma_start3A_454, %dma_start3A_455] : memref<10000x64xf32, #tpu.memory_space<hbm>> -> memref<10000x64xf32, #tpu.memory_space<hbm>>
        tpu.enqueue_indirect_dma source(%dma_start3A_456 : memref<10000x64xf32, #tpu.memory_space<hbm>>) target(%dma_start3A_446 : memref<128x64xf32, #tpu.memory_space<vmem>>) offsets(%dma_start3A_449 : memref<128xi32, #tpu.memory_space<vmem>>) semaphore(%arg13 : memref<!tpu.dma_semaphore, #tpu.memory_space<semaphore_mem>>)
      } else {
      }
      %add3A_399 = arith.constant 3 : i32
      %add3A_400 = arith.addi %mul3A_202, %add3A_399 : i32
      %dma_wait3A_401 = arith.constant 3 : i32
      %dma_wait3A_402 = arith.constant 0 : i32
      %dma_wait3A_403 = arith.constant 0 : i32
      %dma_wait3A_404 = tpu.memref_slice %arg9[%dma_wait3A_401, %dma_wait3A_402, %dma_wait3A_403] : memref<5x128x64xf32, #tpu.memory_space<vmem>> -> memref<1x128x64xf32, #tpu.memory_space<vmem>>
      %dma_wait3A_405 = tpu.memref_squeeze %dma_wait3A_404 : memref<1x128x64xf32, #tpu.memory_space<vmem>> -> memref<128x64xf32, #tpu.memory_space<vmem>>
      %dma_wait3A_406 = arith.constant 0 : i32
      %dma_wait3A_407 = tpu.memref_slice %arg8[%add3A_400, %dma_wait3A_406] : memref<160x128xi32, #tpu.memory_space<vmem>> -> memref<1x128xi32, #tpu.memory_space<vmem>>
      %dma_wait3A_408 = tpu.memref_squeeze %dma_wait3A_407 : memref<1x128xi32, #tpu.memory_space<vmem>> -> memref<128xi32, #tpu.memory_space<vmem>>
      %dma_wait3A_409 = arith.constant 0 : i32
      %dma_wait3A_410 = arith.constant 0 : i32
      %dma_wait3A_411 = tpu.memref_slice %arg10[%dma_wait3A_409, %dma_wait3A_410] : memref<10240x64xf32, #tpu.memory_space<vmem_shared>> -> memref<10240x64xf32, #tpu.memory_space<vmem_shared>>
      tpu.wait_indirect_dma semaphore(%arg19 : memref<!tpu.dma_semaphore, #tpu.memory_space<semaphore_mem>>) src(%dma_wait3A_405 : memref<128x64xf32, #tpu.memory_space<vmem>>) dst(%dma_wait3A_411 : memref<10240x64xf32, #tpu.memory_space<vmem_shared>>)
      %add3A_412 = arith.constant 5 : i32
      %add3A_413 = arith.addi %add3A_400, %add3A_412 : i32
      %lt3A_414 = arith.constant 160 : i32
      %lt3A_415 = arith.cmpi slt, %add3A_413, %lt3A_414 : i32
      %convert_element_type3A_416 = arith.extui %lt3A_415 : i1 to i32
      %cond3A_417 = arith.constant 0 : i32
      %cond3A_418 = arith.cmpi ne, %convert_element_type3A_416, %cond3A_417 : i32
      scf.if %cond3A_418 {
        %add3A_440 = arith.constant 5 : i32
        %add3A_441 = arith.addi %add3A_400, %add3A_440 : i32
        %dma_start3A_442 = arith.constant 3 : i32
        %dma_start3A_443 = arith.constant 0 : i32
        %dma_start3A_444 = arith.constant 0 : i32
        %dma_start3A_445 = tpu.memref_slice %arg9[%dma_start3A_442, %dma_start3A_443, %dma_start3A_444] : memref<5x128x64xf32, #tpu.memory_space<vmem>> -> memref<1x128x64xf32, #tpu.memory_space<vmem>>
        %dma_start3A_446 = tpu.memref_squeeze %dma_start3A_445 : memref<1x128x64xf32, #tpu.memory_space<vmem>> -> memref<128x64xf32, #tpu.memory_space<vmem>>
        %dma_start3A_447 = arith.constant 0 : i32
        %dma_start3A_448 = tpu.memref_slice %arg7[%add3A_441, %dma_start3A_447] : memref<160x128xi32, #tpu.memory_space<vmem>> -> memref<1x128xi32, #tpu.memory_space<vmem>>
        %dma_start3A_449 = tpu.memref_squeeze %dma_start3A_448 : memref<1x128xi32, #tpu.memory_space<vmem>> -> memref<128xi32, #tpu.memory_space<vmem>>
        %dma_start3A_450 = arith.constant 0 : i32
        %dma_start3A_451 = arith.constant 0 : i32
        %dma_start3A_452 = tpu.memref_slice %arg4[%add3A_0, %dma_start3A_450, %dma_start3A_451] : memref<4x10000x64xf32, #tpu.memory_space<hbm>> -> memref<1x10000x64xf32, #tpu.memory_space<hbm>>
        %dma_start3A_453 = tpu.memref_squeeze %dma_start3A_452 : memref<1x10000x64xf32, #tpu.memory_space<hbm>> -> memref<10000x64xf32, #tpu.memory_space<hbm>>
        %dma_start3A_454 = arith.constant 0 : i32
        %dma_start3A_455 = arith.constant 0 : i32
        %dma_start3A_456 = tpu.memref_slice %dma_start3A_453[%dma_start3A_454, %dma_start3A_455] : memref<10000x64xf32, #tpu.memory_space<hbm>> -> memref<10000x64xf32, #tpu.memory_space<hbm>>
        tpu.enqueue_indirect_dma source(%dma_start3A_456 : memref<10000x64xf32, #tpu.memory_space<hbm>>) target(%dma_start3A_446 : memref<128x64xf32, #tpu.memory_space<vmem>>) offsets(%dma_start3A_449 : memref<128xi32, #tpu.memory_space<vmem>>) semaphore(%arg14 : memref<!tpu.dma_semaphore, #tpu.memory_space<semaphore_mem>>)
      } else {
      }
      %add3A_419 = arith.constant 4 : i32
      %add3A_420 = arith.addi %mul3A_202, %add3A_419 : i32
      %dma_wait3A_421 = arith.constant 4 : i32
      %dma_wait3A_422 = arith.constant 0 : i32
      %dma_wait3A_423 = arith.constant 0 : i32
      %dma_wait3A_424 = tpu.memref_slice %arg9[%dma_wait3A_421, %dma_wait3A_422, %dma_wait3A_423] : memref<5x128x64xf32, #tpu.memory_space<vmem>> -> memref<1x128x64xf32, #tpu.memory_space<vmem>>
      %dma_wait3A_425 = tpu.memref_squeeze %dma_wait3A_424 : memref<1x128x64xf32, #tpu.memory_space<vmem>> -> memref<128x64xf32, #tpu.memory_space<vmem>>
      %dma_wait3A_426 = arith.constant 0 : i32
      %dma_wait3A_427 = tpu.memref_slice %arg8[%add3A_420, %dma_wait3A_426] : memref<160x128xi32, #tpu.memory_space<vmem>> -> memref<1x128xi32, #tpu.memory_space<vmem>>
      %dma_wait3A_428 = tpu.memref_squeeze %dma_wait3A_427 : memref<1x128xi32, #tpu.memory_space<vmem>> -> memref<128xi32, #tpu.memory_space<vmem>>
      %dma_wait3A_429 = arith.constant 0 : i32
      %dma_wait3A_430 = arith.constant 0 : i32
      %dma_wait3A_431 = tpu.memref_slice %arg10[%dma_wait3A_429, %dma_wait3A_430] : memref<10240x64xf32, #tpu.memory_space<vmem_shared>> -> memref<10240x64xf32, #tpu.memory_space<vmem_shared>>
      tpu.wait_indirect_dma semaphore(%arg20 : memref<!tpu.dma_semaphore, #tpu.memory_space<semaphore_mem>>) src(%dma_wait3A_425 : memref<128x64xf32, #tpu.memory_space<vmem>>) dst(%dma_wait3A_431 : memref<10240x64xf32, #tpu.memory_space<vmem_shared>>)
      %add3A_432 = arith.constant 5 : i32
      %add3A_433 = arith.addi %add3A_420, %add3A_432 : i32
      %lt3A_434 = arith.constant 160 : i32
      %lt3A_435 = arith.cmpi slt, %add3A_433, %lt3A_434 : i32
      %convert_element_type3A_436 = arith.extui %lt3A_435 : i1 to i32
      %cond3A_437 = arith.constant 0 : i32
      %cond3A_438 = arith.cmpi ne, %convert_element_type3A_436, %cond3A_437 : i32
      scf.if %cond3A_438 {
        %add3A_440 = arith.constant 5 : i32
        %add3A_441 = arith.addi %add3A_420, %add3A_440 : i32
        %dma_start3A_442 = arith.constant 4 : i32
        %dma_start3A_443 = arith.constant 0 : i32
        %dma_start3A_444 = arith.constant 0 : i32
        %dma_start3A_445 = tpu.memref_slice %arg9[%dma_start3A_442, %dma_start3A_443, %dma_start3A_444] : memref<5x128x64xf32, #tpu.memory_space<vmem>> -> memref<1x128x64xf32, #tpu.memory_space<vmem>>
        %dma_start3A_446 = tpu.memref_squeeze %dma_start3A_445 : memref<1x128x64xf32, #tpu.memory_space<vmem>> -> memref<128x64xf32, #tpu.memory_space<vmem>>
        %dma_start3A_447 = arith.constant 0 : i32
        %dma_start3A_448 = tpu.memref_slice %arg7[%add3A_441, %dma_start3A_447] : memref<160x128xi32, #tpu.memory_space<vmem>> -> memref<1x128xi32, #tpu.memory_space<vmem>>
        %dma_start3A_449 = tpu.memref_squeeze %dma_start3A_448 : memref<1x128xi32, #tpu.memory_space<vmem>> -> memref<128xi32, #tpu.memory_space<vmem>>
        %dma_start3A_450 = arith.constant 0 : i32
        %dma_start3A_451 = arith.constant 0 : i32
        %dma_start3A_452 = tpu.memref_slice %arg4[%add3A_0, %dma_start3A_450, %dma_start3A_451] : memref<4x10000x64xf32, #tpu.memory_space<hbm>> -> memref<1x10000x64xf32, #tpu.memory_space<hbm>>
        %dma_start3A_453 = tpu.memref_squeeze %dma_start3A_452 : memref<1x10000x64xf32, #tpu.memory_space<hbm>> -> memref<10000x64xf32, #tpu.memory_space<hbm>>
        %dma_start3A_454 = arith.constant 0 : i32
        %dma_start3A_455 = arith.constant 0 : i32
        %dma_start3A_456 = tpu.memref_slice %dma_start3A_453[%dma_start3A_454, %dma_start3A_455] : memref<10000x64xf32, #tpu.memory_space<hbm>> -> memref<10000x64xf32, #tpu.memory_space<hbm>>
        tpu.enqueue_indirect_dma source(%dma_start3A_456 : memref<10000x64xf32, #tpu.memory_space<hbm>>) target(%dma_start3A_446 : memref<128x64xf32, #tpu.memory_space<vmem>>) offsets(%dma_start3A_449 : memref<128xi32, #tpu.memory_space<vmem>>) semaphore(%arg15 : memref<!tpu.dma_semaphore, #tpu.memory_space<semaphore_mem>>)
      } else {
      }
      %scan3A_439 = arith.constant 0 : i32
      scf.yield %scan3A_439 : i32
    }
    %scan3A_88 = arith.constant 32 : i32
    %barrier3A_89 = arith.constant 0 : index
    tpu.barrier barrier_id(%barrier3A_89)
    %mul3A_90 = arith.constant 640 : i32
    %mul3A_91 = arith.muli %arg1, %mul3A_90 : i32
    %mul3A_92 = arith.constant 10240 : i32
    %mul3A_93 = arith.muli %add3A_0, %mul3A_92 : i32
    %mul3A_94 = arith.constant 640 : i32
    %mul3A_95 = arith.muli %arg1, %mul3A_94 : i32
    %add3A_96 = arith.addi %mul3A_93, %mul3A_95 : i32
    "tpu.region"() ({
      %run_scoped3A = tpu.sem_alloc : memref<!tpu.dma_semaphore, #tpu.memory_space<semaphore_mem>>
      %dma_start3A_199 = arith.constant 0 : i32
      %dma_start3A_200 = tpu.memref_slice %arg6[%add3A_96, %dma_start3A_199] : memref<40960x64xf32, #tpu.memory_space<hbm>> -> memref<640x64xf32, #tpu.memory_space<hbm>>
      %dma_start3A_201 = arith.constant 0 : i32
      %dma_start3A_202 = tpu.memref_slice %arg10[%mul3A_91, %dma_start3A_201] : memref<10240x64xf32, #tpu.memory_space<vmem_shared>> -> memref<640x64xf32, #tpu.memory_space<vmem_shared>>
      tpu.enqueue_dma source(%dma_start3A_202 : memref<640x64xf32, #tpu.memory_space<vmem_shared>>) target(%dma_start3A_200 : memref<640x64xf32, #tpu.memory_space<hbm>>) target_semaphore(%run_scoped3A : memref<!tpu.dma_semaphore, #tpu.memory_space<semaphore_mem>>)
      %dma_wait3A = arith.constant 0 : i32
      %dma_wait3A_203 = tpu.memref_slice %arg6[%add3A_96, %dma_wait3A] : memref<40960x64xf32, #tpu.memory_space<hbm>> -> memref<640x64xf32, #tpu.memory_space<hbm>>
      %dma_wait3A_204 = arith.constant 0 : i32
      %dma_wait3A_205 = tpu.memref_slice %arg10[%mul3A_91, %dma_wait3A_204] : memref<10240x64xf32, #tpu.memory_space<vmem_shared>> -> memref<640x64xf32, #tpu.memory_space<vmem_shared>>
      tpu.wait_dma2 semaphore(%run_scoped3A : memref<!tpu.dma_semaphore, #tpu.memory_space<semaphore_mem>>) src(%dma_wait3A_205 : memref<640x64xf32, #tpu.memory_space<vmem_shared>>) dst(%dma_wait3A_203 : memref<640x64xf32, #tpu.memory_space<hbm>>)
      tpu.yield
    }) : () -> ()
    %add3A_97 = arith.constant 2 : i32
    %add3A_98 = arith.addi %add3A_97, %arg0 : i32
    %mul3A_99 = arith.constant 640 : i32
    %mul3A_100 = arith.muli %arg1, %mul3A_99 : i32
    %mul3A_101 = arith.constant 640 : i32
    %mul3A_102 = arith.muli %arg1, %mul3A_101 : i32
    "tpu.region"() ({
      %run_scoped3A = tpu.sem_alloc : memref<!tpu.dma_semaphore, #tpu.memory_space<semaphore_mem>>
      %dma_start3A_199 = arith.constant 0 : i32
      %dma_start3A_200 = tpu.memref_slice %arg10[%mul3A_102, %dma_start3A_199] : memref<10240x64xf32, #tpu.memory_space<vmem_shared>> -> memref<640x64xf32, #tpu.memory_space<vmem_shared>>
      %dma_start3A_201 = arith.constant 0 : i32
      %dma_start3A_202 = tpu.memref_slice %arg5[%mul3A_100, %dma_start3A_201] : memref<10240x64xf32, #tpu.memory_space<hbm>> -> memref<640x64xf32, #tpu.memory_space<hbm>>
      tpu.enqueue_dma source(%dma_start3A_202 : memref<640x64xf32, #tpu.memory_space<hbm>>) target(%dma_start3A_200 : memref<640x64xf32, #tpu.memory_space<vmem_shared>>) target_semaphore(%run_scoped3A : memref<!tpu.dma_semaphore, #tpu.memory_space<semaphore_mem>>)
      %dma_wait3A = arith.constant 0 : i32
      %dma_wait3A_203 = tpu.memref_slice %arg10[%mul3A_102, %dma_wait3A] : memref<10240x64xf32, #tpu.memory_space<vmem_shared>> -> memref<640x64xf32, #tpu.memory_space<vmem_shared>>
      %dma_wait3A_204 = arith.constant 0 : i32
      %dma_wait3A_205 = tpu.memref_slice %arg5[%mul3A_100, %dma_wait3A_204] : memref<10240x64xf32, #tpu.memory_space<hbm>> -> memref<640x64xf32, #tpu.memory_space<hbm>>
      tpu.wait_dma2 semaphore(%run_scoped3A : memref<!tpu.dma_semaphore, #tpu.memory_space<semaphore_mem>>) src(%dma_wait3A_205 : memref<640x64xf32, #tpu.memory_space<hbm>>) dst(%dma_wait3A_203 : memref<640x64xf32, #tpu.memory_space<vmem_shared>>)
      tpu.yield
    }) : () -> ()
    %barrier3A_103 = arith.constant 0 : index
    tpu.barrier barrier_id(%barrier3A_103)
    %dma_start3A_104 = arith.constant 0 : i32
    %dma_start3A_105 = arith.constant 0 : i32
    %dma_start3A_106 = arith.constant 0 : i32
    %dma_start3A_107 = arith.constant 0 : i32
    %dma_start3A_108 = tpu.memref_slice %arg9[%dma_start3A_105, %dma_start3A_106, %dma_start3A_107] : memref<5x128x64xf32, #tpu.memory_space<vmem>> -> memref<1x128x64xf32, #tpu.memory_space<vmem>>
    %dma_start3A_109 = tpu.memref_squeeze %dma_start3A_108 : memref<1x128x64xf32, #tpu.memory_space<vmem>> -> memref<128x64xf32, #tpu.memory_space<vmem>>
    %dma_start3A_110 = arith.constant 0 : i32
    %dma_start3A_111 = tpu.memref_slice %arg7[%dma_start3A_104, %dma_start3A_110] : memref<160x128xi32, #tpu.memory_space<vmem>> -> memref<1x128xi32, #tpu.memory_space<vmem>>
    %dma_start3A_112 = tpu.memref_squeeze %dma_start3A_111 : memref<1x128xi32, #tpu.memory_space<vmem>> -> memref<128xi32, #tpu.memory_space<vmem>>
    %dma_start3A_113 = arith.constant 0 : i32
    %dma_start3A_114 = arith.constant 0 : i32
    %dma_start3A_115 = tpu.memref_slice %arg4[%add3A_98, %dma_start3A_113, %dma_start3A_114] : memref<4x10000x64xf32, #tpu.memory_space<hbm>> -> memref<1x10000x64xf32, #tpu.memory_space<hbm>>
    %dma_start3A_116 = tpu.memref_squeeze %dma_start3A_115 : memref<1x10000x64xf32, #tpu.memory_space<hbm>> -> memref<10000x64xf32, #tpu.memory_space<hbm>>
    %dma_start3A_117 = arith.constant 0 : i32
    %dma_start3A_118 = arith.constant 0 : i32
    %dma_start3A_119 = tpu.memref_slice %dma_start3A_116[%dma_start3A_117, %dma_start3A_118] : memref<10000x64xf32, #tpu.memory_space<hbm>> -> memref<10000x64xf32, #tpu.memory_space<hbm>>
    tpu.enqueue_indirect_dma source(%dma_start3A_119 : memref<10000x64xf32, #tpu.memory_space<hbm>>) target(%dma_start3A_109 : memref<128x64xf32, #tpu.memory_space<vmem>>) offsets(%dma_start3A_112 : memref<128xi32, #tpu.memory_space<vmem>>) semaphore(%arg11 : memref<!tpu.dma_semaphore, #tpu.memory_space<semaphore_mem>>)
    %dma_start3A_120 = arith.constant 1 : i32
    %dma_start3A_121 = arith.constant 1 : i32
    %dma_start3A_122 = arith.constant 0 : i32
    %dma_start3A_123 = arith.constant 0 : i32
    %dma_start3A_124 = tpu.memref_slice %arg9[%dma_start3A_121, %dma_start3A_122, %dma_start3A_123] : memref<5x128x64xf32, #tpu.memory_space<vmem>> -> memref<1x128x64xf32, #tpu.memory_space<vmem>>
    %dma_start3A_125 = tpu.memref_squeeze %dma_start3A_124 : memref<1x128x64xf32, #tpu.memory_space<vmem>> -> memref<128x64xf32, #tpu.memory_space<vmem>>
    %dma_start3A_126 = arith.constant 0 : i32
    %dma_start3A_127 = tpu.memref_slice %arg7[%dma_start3A_120, %dma_start3A_126] : memref<160x128xi32, #tpu.memory_space<vmem>> -> memref<1x128xi32, #tpu.memory_space<vmem>>
    %dma_start3A_128 = tpu.memref_squeeze %dma_start3A_127 : memref<1x128xi32, #tpu.memory_space<vmem>> -> memref<128xi32, #tpu.memory_space<vmem>>
    %dma_start3A_129 = arith.constant 0 : i32
    %dma_start3A_130 = arith.constant 0 : i32
    %dma_start3A_131 = tpu.memref_slice %arg4[%add3A_98, %dma_start3A_129, %dma_start3A_130] : memref<4x10000x64xf32, #tpu.memory_space<hbm>> -> memref<1x10000x64xf32, #tpu.memory_space<hbm>>
    %dma_start3A_132 = tpu.memref_squeeze %dma_start3A_131 : memref<1x10000x64xf32, #tpu.memory_space<hbm>> -> memref<10000x64xf32, #tpu.memory_space<hbm>>
    %dma_start3A_133 = arith.constant 0 : i32
    %dma_start3A_134 = arith.constant 0 : i32
    %dma_start3A_135 = tpu.memref_slice %dma_start3A_132[%dma_start3A_133, %dma_start3A_134] : memref<10000x64xf32, #tpu.memory_space<hbm>> -> memref<10000x64xf32, #tpu.memory_space<hbm>>
    tpu.enqueue_indirect_dma source(%dma_start3A_135 : memref<10000x64xf32, #tpu.memory_space<hbm>>) target(%dma_start3A_125 : memref<128x64xf32, #tpu.memory_space<vmem>>) offsets(%dma_start3A_128 : memref<128xi32, #tpu.memory_space<vmem>>) semaphore(%arg12 : memref<!tpu.dma_semaphore, #tpu.memory_space<semaphore_mem>>)
    %dma_start3A_136 = arith.constant 2 : i32
    %dma_start3A_137 = arith.constant 2 : i32
    %dma_start3A_138 = arith.constant 0 : i32
    %dma_start3A_139 = arith.constant 0 : i32
    %dma_start3A_140 = tpu.memref_slice %arg9[%dma_start3A_137, %dma_start3A_138, %dma_start3A_139] : memref<5x128x64xf32, #tpu.memory_space<vmem>> -> memref<1x128x64xf32, #tpu.memory_space<vmem>>
    %dma_start3A_141 = tpu.memref_squeeze %dma_start3A_140 : memref<1x128x64xf32, #tpu.memory_space<vmem>> -> memref<128x64xf32, #tpu.memory_space<vmem>>
    %dma_start3A_142 = arith.constant 0 : i32
    %dma_start3A_143 = tpu.memref_slice %arg7[%dma_start3A_136, %dma_start3A_142] : memref<160x128xi32, #tpu.memory_space<vmem>> -> memref<1x128xi32, #tpu.memory_space<vmem>>
    %dma_start3A_144 = tpu.memref_squeeze %dma_start3A_143 : memref<1x128xi32, #tpu.memory_space<vmem>> -> memref<128xi32, #tpu.memory_space<vmem>>
    %dma_start3A_145 = arith.constant 0 : i32
    %dma_start3A_146 = arith.constant 0 : i32
    %dma_start3A_147 = tpu.memref_slice %arg4[%add3A_98, %dma_start3A_145, %dma_start3A_146] : memref<4x10000x64xf32, #tpu.memory_space<hbm>> -> memref<1x10000x64xf32, #tpu.memory_space<hbm>>
    %dma_start3A_148 = tpu.memref_squeeze %dma_start3A_147 : memref<1x10000x64xf32, #tpu.memory_space<hbm>> -> memref<10000x64xf32, #tpu.memory_space<hbm>>
    %dma_start3A_149 = arith.constant 0 : i32
    %dma_start3A_150 = arith.constant 0 : i32
    %dma_start3A_151 = tpu.memref_slice %dma_start3A_148[%dma_start3A_149, %dma_start3A_150] : memref<10000x64xf32, #tpu.memory_space<hbm>> -> memref<10000x64xf32, #tpu.memory_space<hbm>>
    tpu.enqueue_indirect_dma source(%dma_start3A_151 : memref<10000x64xf32, #tpu.memory_space<hbm>>) target(%dma_start3A_141 : memref<128x64xf32, #tpu.memory_space<vmem>>) offsets(%dma_start3A_144 : memref<128xi32, #tpu.memory_space<vmem>>) semaphore(%arg13 : memref<!tpu.dma_semaphore, #tpu.memory_space<semaphore_mem>>)
    %dma_start3A_152 = arith.constant 3 : i32
    %dma_start3A_153 = arith.constant 3 : i32
    %dma_start3A_154 = arith.constant 0 : i32
    %dma_start3A_155 = arith.constant 0 : i32
    %dma_start3A_156 = tpu.memref_slice %arg9[%dma_start3A_153, %dma_start3A_154, %dma_start3A_155] : memref<5x128x64xf32, #tpu.memory_space<vmem>> -> memref<1x128x64xf32, #tpu.memory_space<vmem>>
    %dma_start3A_157 = tpu.memref_squeeze %dma_start3A_156 : memref<1x128x64xf32, #tpu.memory_space<vmem>> -> memref<128x64xf32, #tpu.memory_space<vmem>>
    %dma_start3A_158 = arith.constant 0 : i32
    %dma_start3A_159 = tpu.memref_slice %arg7[%dma_start3A_152, %dma_start3A_158] : memref<160x128xi32, #tpu.memory_space<vmem>> -> memref<1x128xi32, #tpu.memory_space<vmem>>
    %dma_start3A_160 = tpu.memref_squeeze %dma_start3A_159 : memref<1x128xi32, #tpu.memory_space<vmem>> -> memref<128xi32, #tpu.memory_space<vmem>>
    %dma_start3A_161 = arith.constant 0 : i32
    %dma_start3A_162 = arith.constant 0 : i32
    %dma_start3A_163 = tpu.memref_slice %arg4[%add3A_98, %dma_start3A_161, %dma_start3A_162] : memref<4x10000x64xf32, #tpu.memory_space<hbm>> -> memref<1x10000x64xf32, #tpu.memory_space<hbm>>
    %dma_start3A_164 = tpu.memref_squeeze %dma_start3A_163 : memref<1x10000x64xf32, #tpu.memory_space<hbm>> -> memref<10000x64xf32, #tpu.memory_space<hbm>>
    %dma_start3A_165 = arith.constant 0 : i32
    %dma_start3A_166 = arith.constant 0 : i32
    %dma_start3A_167 = tpu.memref_slice %dma_start3A_164[%dma_start3A_165, %dma_start3A_166] : memref<10000x64xf32, #tpu.memory_space<hbm>> -> memref<10000x64xf32, #tpu.memory_space<hbm>>
    tpu.enqueue_indirect_dma source(%dma_start3A_167 : memref<10000x64xf32, #tpu.memory_space<hbm>>) target(%dma_start3A_157 : memref<128x64xf32, #tpu.memory_space<vmem>>) offsets(%dma_start3A_160 : memref<128xi32, #tpu.memory_space<vmem>>) semaphore(%arg14 : memref<!tpu.dma_semaphore, #tpu.memory_space<semaphore_mem>>)
    %dma_start3A_168 = arith.constant 4 : i32
    %dma_start3A_169 = arith.constant 4 : i32
    %dma_start3A_170 = arith.constant 0 : i32
    %dma_start3A_171 = arith.constant 0 : i32
    %dma_start3A_172 = tpu.memref_slice %arg9[%dma_start3A_169, %dma_start3A_170, %dma_start3A_171] : memref<5x128x64xf32, #tpu.memory_space<vmem>> -> memref<1x128x64xf32, #tpu.memory_space<vmem>>
    %dma_start3A_173 = tpu.memref_squeeze %dma_start3A_172 : memref<1x128x64xf32, #tpu.memory_space<vmem>> -> memref<128x64xf32, #tpu.memory_space<vmem>>
    %dma_start3A_174 = arith.constant 0 : i32
    %dma_start3A_175 = tpu.memref_slice %arg7[%dma_start3A_168, %dma_start3A_174] : memref<160x128xi32, #tpu.memory_space<vmem>> -> memref<1x128xi32, #tpu.memory_space<vmem>>
    %dma_start3A_176 = tpu.memref_squeeze %dma_start3A_175 : memref<1x128xi32, #tpu.memory_space<vmem>> -> memref<128xi32, #tpu.memory_space<vmem>>
    %dma_start3A_177 = arith.constant 0 : i32
    %dma_start3A_178 = arith.constant 0 : i32
    %dma_start3A_179 = tpu.memref_slice %arg4[%add3A_98, %dma_start3A_177, %dma_start3A_178] : memref<4x10000x64xf32, #tpu.memory_space<hbm>> -> memref<1x10000x64xf32, #tpu.memory_space<hbm>>
    %dma_start3A_180 = tpu.memref_squeeze %dma_start3A_179 : memref<1x10000x64xf32, #tpu.memory_space<hbm>> -> memref<10000x64xf32, #tpu.memory_space<hbm>>
    %dma_start3A_181 = arith.constant 0 : i32
    %dma_start3A_182 = arith.constant 0 : i32
    %dma_start3A_183 = tpu.memref_slice %dma_start3A_180[%dma_start3A_181, %dma_start3A_182] : memref<10000x64xf32, #tpu.memory_space<hbm>> -> memref<10000x64xf32, #tpu.memory_space<hbm>>
    tpu.enqueue_indirect_dma source(%dma_start3A_183 : memref<10000x64xf32, #tpu.memory_space<hbm>>) target(%dma_start3A_173 : memref<128x64xf32, #tpu.memory_space<vmem>>) offsets(%dma_start3A_176 : memref<128xi32, #tpu.memory_space<vmem>>) semaphore(%arg15 : memref<!tpu.dma_semaphore, #tpu.memory_space<semaphore_mem>>)
    %scan3A_184 = arith.constant 0 : i32
    %scan3A_185 = arith.constant 0 : i32
    %scan3A_186 = arith.constant 32 : i32
    %scan3A_187 = arith.addi %scan3A_185, %scan3A_186 : i32
    %scan3A_188 = arith.constant 1 : i32
    %scan3A_189 = scf.for %scan3A_199 = %scan3A_185 to %scan3A_187 step %scan3A_188 iter_args(%scan3A_200 = %scan3A_184) -> (i32)  : i32 {
      %mul3A_201 = arith.constant 5 : i32
      %mul3A_202 = arith.muli %mul3A_201, %scan3A_199 : i32
      %add3A_203 = arith.constant 0 : i32
      %add3A_204 = arith.addi %mul3A_202, %add3A_203 : i32
      %dma_wait3A = arith.constant 0 : i32
      %dma_wait3A_205 = arith.constant 0 : i32
      %dma_wait3A_206 = arith.constant 0 : i32
      %dma_wait3A_207 = tpu.memref_slice %arg9[%dma_wait3A, %dma_wait3A_205, %dma_wait3A_206] : memref<5x128x64xf32, #tpu.memory_space<vmem>> -> memref<1x128x64xf32, #tpu.memory_space<vmem>>
      %dma_wait3A_208 = tpu.memref_squeeze %dma_wait3A_207 : memref<1x128x64xf32, #tpu.memory_space<vmem>> -> memref<128x64xf32, #tpu.memory_space<vmem>>
      %dma_wait3A_209 = arith.constant 0 : i32
      %dma_wait3A_210 = tpu.memref_slice %arg7[%add3A_204, %dma_wait3A_209] : memref<160x128xi32, #tpu.memory_space<vmem>> -> memref<1x128xi32, #tpu.memory_space<vmem>>
      %dma_wait3A_211 = tpu.memref_squeeze %dma_wait3A_210 : memref<1x128xi32, #tpu.memory_space<vmem>> -> memref<128xi32, #tpu.memory_space<vmem>>
      %dma_wait3A_212 = arith.constant 0 : i32
      %dma_wait3A_213 = arith.constant 0 : i32
      %dma_wait3A_214 = tpu.memref_slice %arg4[%add3A_98, %dma_wait3A_212, %dma_wait3A_213] : memref<4x10000x64xf32, #tpu.memory_space<hbm>> -> memref<1x10000x64xf32, #tpu.memory_space<hbm>>
      %dma_wait3A_215 = tpu.memref_squeeze %dma_wait3A_214 : memref<1x10000x64xf32, #tpu.memory_space<hbm>> -> memref<10000x64xf32, #tpu.memory_space<hbm>>
      %dma_wait3A_216 = arith.constant 0 : i32
      %dma_wait3A_217 = arith.constant 0 : i32
      %dma_wait3A_218 = tpu.memref_slice %dma_wait3A_215[%dma_wait3A_216, %dma_wait3A_217] : memref<10000x64xf32, #tpu.memory_space<hbm>> -> memref<10000x64xf32, #tpu.memory_space<hbm>>
      tpu.wait_indirect_dma semaphore(%arg11 : memref<!tpu.dma_semaphore, #tpu.memory_space<semaphore_mem>>) src(%dma_wait3A_218 : memref<10000x64xf32, #tpu.memory_space<hbm>>) dst(%dma_wait3A_208 : memref<128x64xf32, #tpu.memory_space<vmem>>)
      %dma_start3A_219 = arith.constant 0 : i32
      %dma_start3A_220 = arith.constant 0 : i32
      %dma_start3A_221 = arith.constant 0 : i32
      %dma_start3A_222 = tpu.memref_slice %arg9[%dma_start3A_219, %dma_start3A_220, %dma_start3A_221] : memref<5x128x64xf32, #tpu.memory_space<vmem>> -> memref<1x128x64xf32, #tpu.memory_space<vmem>>
      %dma_start3A_223 = tpu.memref_squeeze %dma_start3A_222 : memref<1x128x64xf32, #tpu.memory_space<vmem>> -> memref<128x64xf32, #tpu.memory_space<vmem>>
      %dma_start3A_224 = arith.constant 0 : i32
      %dma_start3A_225 = tpu.memref_slice %arg8[%add3A_204, %dma_start3A_224] : memref<160x128xi32, #tpu.memory_space<vmem>> -> memref<1x128xi32, #tpu.memory_space<vmem>>
      %dma_start3A_226 = tpu.memref_squeeze %dma_start3A_225 : memref<1x128xi32, #tpu.memory_space<vmem>> -> memref<128xi32, #tpu.memory_space<vmem>>
      %dma_start3A_227 = arith.constant 0 : i32
      %dma_start3A_228 = arith.constant 0 : i32
      %dma_start3A_229 = tpu.memref_slice %arg10[%dma_start3A_227, %dma_start3A_228] : memref<10240x64xf32, #tpu.memory_space<vmem_shared>> -> memref<10240x64xf32, #tpu.memory_space<vmem_shared>>
      tpu.enqueue_indirect_dma source(%dma_start3A_223 : memref<128x64xf32, #tpu.memory_space<vmem>>) target(%dma_start3A_229 : memref<10240x64xf32, #tpu.memory_space<vmem_shared>>) offsets(%dma_start3A_226 : memref<128xi32, #tpu.memory_space<vmem>>) semaphore(%arg16 : memref<!tpu.dma_semaphore, #tpu.memory_space<semaphore_mem>>) {add = true}
      %add3A_230 = arith.constant 1 : i32
      %add3A_231 = arith.addi %mul3A_202, %add3A_230 : i32
      %dma_wait3A_232 = arith.constant 1 : i32
      %dma_wait3A_233 = arith.constant 0 : i32
      %dma_wait3A_234 = arith.constant 0 : i32
      %dma_wait3A_235 = tpu.memref_slice %arg9[%dma_wait3A_232, %dma_wait3A_233, %dma_wait3A_234] : memref<5x128x64xf32, #tpu.memory_space<vmem>> -> memref<1x128x64xf32, #tpu.memory_space<vmem>>
      %dma_wait3A_236 = tpu.memref_squeeze %dma_wait3A_235 : memref<1x128x64xf32, #tpu.memory_space<vmem>> -> memref<128x64xf32, #tpu.memory_space<vmem>>
      %dma_wait3A_237 = arith.constant 0 : i32
      %dma_wait3A_238 = tpu.memref_slice %arg7[%add3A_231, %dma_wait3A_237] : memref<160x128xi32, #tpu.memory_space<vmem>> -> memref<1x128xi32, #tpu.memory_space<vmem>>
      %dma_wait3A_239 = tpu.memref_squeeze %dma_wait3A_238 : memref<1x128xi32, #tpu.memory_space<vmem>> -> memref<128xi32, #tpu.memory_space<vmem>>
      %dma_wait3A_240 = arith.constant 0 : i32
      %dma_wait3A_241 = arith.constant 0 : i32
      %dma_wait3A_242 = tpu.memref_slice %arg4[%add3A_98, %dma_wait3A_240, %dma_wait3A_241] : memref<4x10000x64xf32, #tpu.memory_space<hbm>> -> memref<1x10000x64xf32, #tpu.memory_space<hbm>>
      %dma_wait3A_243 = tpu.memref_squeeze %dma_wait3A_242 : memref<1x10000x64xf32, #tpu.memory_space<hbm>> -> memref<10000x64xf32, #tpu.memory_space<hbm>>
      %dma_wait3A_244 = arith.constant 0 : i32
      %dma_wait3A_245 = arith.constant 0 : i32
      %dma_wait3A_246 = tpu.memref_slice %dma_wait3A_243[%dma_wait3A_244, %dma_wait3A_245] : memref<10000x64xf32, #tpu.memory_space<hbm>> -> memref<10000x64xf32, #tpu.memory_space<hbm>>
      tpu.wait_indirect_dma semaphore(%arg12 : memref<!tpu.dma_semaphore, #tpu.memory_space<semaphore_mem>>) src(%dma_wait3A_246 : memref<10000x64xf32, #tpu.memory_space<hbm>>) dst(%dma_wait3A_236 : memref<128x64xf32, #tpu.memory_space<vmem>>)
      %dma_start3A_247 = arith.constant 1 : i32
      %dma_start3A_248 = arith.constant 0 : i32
      %dma_start3A_249 = arith.constant 0 : i32
      %dma_start3A_250 = tpu.memref_slice %arg9[%dma_start3A_247, %dma_start3A_248, %dma_start3A_249] : memref<5x128x64xf32, #tpu.memory_space<vmem>> -> memref<1x128x64xf32, #tpu.memory_space<vmem>>
      %dma_start3A_251 = tpu.memref_squeeze %dma_start3A_250 : memref<1x128x64xf32, #tpu.memory_space<vmem>> -> memref<128x64xf32, #tpu.memory_space<vmem>>
      %dma_start3A_252 = arith.constant 0 : i32
      %dma_start3A_253 = tpu.memref_slice %arg8[%add3A_231, %dma_start3A_252] : memref<160x128xi32, #tpu.memory_space<vmem>> -> memref<1x128xi32, #tpu.memory_space<vmem>>
      %dma_start3A_254 = tpu.memref_squeeze %dma_start3A_253 : memref<1x128xi32, #tpu.memory_space<vmem>> -> memref<128xi32, #tpu.memory_space<vmem>>
      %dma_start3A_255 = arith.constant 0 : i32
      %dma_start3A_256 = arith.constant 0 : i32
      %dma_start3A_257 = tpu.memref_slice %arg10[%dma_start3A_255, %dma_start3A_256] : memref<10240x64xf32, #tpu.memory_space<vmem_shared>> -> memref<10240x64xf32, #tpu.memory_space<vmem_shared>>
      tpu.enqueue_indirect_dma source(%dma_start3A_251 : memref<128x64xf32, #tpu.memory_space<vmem>>) target(%dma_start3A_257 : memref<10240x64xf32, #tpu.memory_space<vmem_shared>>) offsets(%dma_start3A_254 : memref<128xi32, #tpu.memory_space<vmem>>) semaphore(%arg17 : memref<!tpu.dma_semaphore, #tpu.memory_space<semaphore_mem>>) {add = true}
      %add3A_258 = arith.constant 2 : i32
      %add3A_259 = arith.addi %mul3A_202, %add3A_258 : i32
      %dma_wait3A_260 = arith.constant 2 : i32
      %dma_wait3A_261 = arith.constant 0 : i32
      %dma_wait3A_262 = arith.constant 0 : i32
      %dma_wait3A_263 = tpu.memref_slice %arg9[%dma_wait3A_260, %dma_wait3A_261, %dma_wait3A_262] : memref<5x128x64xf32, #tpu.memory_space<vmem>> -> memref<1x128x64xf32, #tpu.memory_space<vmem>>
      %dma_wait3A_264 = tpu.memref_squeeze %dma_wait3A_263 : memref<1x128x64xf32, #tpu.memory_space<vmem>> -> memref<128x64xf32, #tpu.memory_space<vmem>>
      %dma_wait3A_265 = arith.constant 0 : i32
      %dma_wait3A_266 = tpu.memref_slice %arg7[%add3A_259, %dma_wait3A_265] : memref<160x128xi32, #tpu.memory_space<vmem>> -> memref<1x128xi32, #tpu.memory_space<vmem>>
      %dma_wait3A_267 = tpu.memref_squeeze %dma_wait3A_266 : memref<1x128xi32, #tpu.memory_space<vmem>> -> memref<128xi32, #tpu.memory_space<vmem>>
      %dma_wait3A_268 = arith.constant 0 : i32
      %dma_wait3A_269 = arith.constant 0 : i32
      %dma_wait3A_270 = tpu.memref_slice %arg4[%add3A_98, %dma_wait3A_268, %dma_wait3A_269] : memref<4x10000x64xf32, #tpu.memory_space<hbm>> -> memref<1x10000x64xf32, #tpu.memory_space<hbm>>
      %dma_wait3A_271 = tpu.memref_squeeze %dma_wait3A_270 : memref<1x10000x64xf32, #tpu.memory_space<hbm>> -> memref<10000x64xf32, #tpu.memory_space<hbm>>
      %dma_wait3A_272 = arith.constant 0 : i32
      %dma_wait3A_273 = arith.constant 0 : i32
      %dma_wait3A_274 = tpu.memref_slice %dma_wait3A_271[%dma_wait3A_272, %dma_wait3A_273] : memref<10000x64xf32, #tpu.memory_space<hbm>> -> memref<10000x64xf32, #tpu.memory_space<hbm>>
      tpu.wait_indirect_dma semaphore(%arg13 : memref<!tpu.dma_semaphore, #tpu.memory_space<semaphore_mem>>) src(%dma_wait3A_274 : memref<10000x64xf32, #tpu.memory_space<hbm>>) dst(%dma_wait3A_264 : memref<128x64xf32, #tpu.memory_space<vmem>>)
      %dma_start3A_275 = arith.constant 2 : i32
      %dma_start3A_276 = arith.constant 0 : i32
      %dma_start3A_277 = arith.constant 0 : i32
      %dma_start3A_278 = tpu.memref_slice %arg9[%dma_start3A_275, %dma_start3A_276, %dma_start3A_277] : memref<5x128x64xf32, #tpu.memory_space<vmem>> -> memref<1x128x64xf32, #tpu.memory_space<vmem>>
      %dma_start3A_279 = tpu.memref_squeeze %dma_start3A_278 : memref<1x128x64xf32, #tpu.memory_space<vmem>> -> memref<128x64xf32, #tpu.memory_space<vmem>>
      %dma_start3A_280 = arith.constant 0 : i32
      %dma_start3A_281 = tpu.memref_slice %arg8[%add3A_259, %dma_start3A_280] : memref<160x128xi32, #tpu.memory_space<vmem>> -> memref<1x128xi32, #tpu.memory_space<vmem>>
      %dma_start3A_282 = tpu.memref_squeeze %dma_start3A_281 : memref<1x128xi32, #tpu.memory_space<vmem>> -> memref<128xi32, #tpu.memory_space<vmem>>
      %dma_start3A_283 = arith.constant 0 : i32
      %dma_start3A_284 = arith.constant 0 : i32
      %dma_start3A_285 = tpu.memref_slice %arg10[%dma_start3A_283, %dma_start3A_284] : memref<10240x64xf32, #tpu.memory_space<vmem_shared>> -> memref<10240x64xf32, #tpu.memory_space<vmem_shared>>
      tpu.enqueue_indirect_dma source(%dma_start3A_279 : memref<128x64xf32, #tpu.memory_space<vmem>>) target(%dma_start3A_285 : memref<10240x64xf32, #tpu.memory_space<vmem_shared>>) offsets(%dma_start3A_282 : memref<128xi32, #tpu.memory_space<vmem>>) semaphore(%arg18 : memref<!tpu.dma_semaphore, #tpu.memory_space<semaphore_mem>>) {add = true}
      %add3A_286 = arith.constant 3 : i32
      %add3A_287 = arith.addi %mul3A_202, %add3A_286 : i32
      %dma_wait3A_288 = arith.constant 3 : i32
      %dma_wait3A_289 = arith.constant 0 : i32
      %dma_wait3A_290 = arith.constant 0 : i32
      %dma_wait3A_291 = tpu.memref_slice %arg9[%dma_wait3A_288, %dma_wait3A_289, %dma_wait3A_290] : memref<5x128x64xf32, #tpu.memory_space<vmem>> -> memref<1x128x64xf32, #tpu.memory_space<vmem>>
      %dma_wait3A_292 = tpu.memref_squeeze %dma_wait3A_291 : memref<1x128x64xf32, #tpu.memory_space<vmem>> -> memref<128x64xf32, #tpu.memory_space<vmem>>
      %dma_wait3A_293 = arith.constant 0 : i32
      %dma_wait3A_294 = tpu.memref_slice %arg7[%add3A_287, %dma_wait3A_293] : memref<160x128xi32, #tpu.memory_space<vmem>> -> memref<1x128xi32, #tpu.memory_space<vmem>>
      %dma_wait3A_295 = tpu.memref_squeeze %dma_wait3A_294 : memref<1x128xi32, #tpu.memory_space<vmem>> -> memref<128xi32, #tpu.memory_space<vmem>>
      %dma_wait3A_296 = arith.constant 0 : i32
      %dma_wait3A_297 = arith.constant 0 : i32
      %dma_wait3A_298 = tpu.memref_slice %arg4[%add3A_98, %dma_wait3A_296, %dma_wait3A_297] : memref<4x10000x64xf32, #tpu.memory_space<hbm>> -> memref<1x10000x64xf32, #tpu.memory_space<hbm>>
      %dma_wait3A_299 = tpu.memref_squeeze %dma_wait3A_298 : memref<1x10000x64xf32, #tpu.memory_space<hbm>> -> memref<10000x64xf32, #tpu.memory_space<hbm>>
      %dma_wait3A_300 = arith.constant 0 : i32
      %dma_wait3A_301 = arith.constant 0 : i32
      %dma_wait3A_302 = tpu.memref_slice %dma_wait3A_299[%dma_wait3A_300, %dma_wait3A_301] : memref<10000x64xf32, #tpu.memory_space<hbm>> -> memref<10000x64xf32, #tpu.memory_space<hbm>>
      tpu.wait_indirect_dma semaphore(%arg14 : memref<!tpu.dma_semaphore, #tpu.memory_space<semaphore_mem>>) src(%dma_wait3A_302 : memref<10000x64xf32, #tpu.memory_space<hbm>>) dst(%dma_wait3A_292 : memref<128x64xf32, #tpu.memory_space<vmem>>)
      %dma_start3A_303 = arith.constant 3 : i32
      %dma_start3A_304 = arith.constant 0 : i32
      %dma_start3A_305 = arith.constant 0 : i32
      %dma_start3A_306 = tpu.memref_slice %arg9[%dma_start3A_303, %dma_start3A_304, %dma_start3A_305] : memref<5x128x64xf32, #tpu.memory_space<vmem>> -> memref<1x128x64xf32, #tpu.memory_space<vmem>>
      %dma_start3A_307 = tpu.memref_squeeze %dma_start3A_306 : memref<1x128x64xf32, #tpu.memory_space<vmem>> -> memref<128x64xf32, #tpu.memory_space<vmem>>
      %dma_start3A_308 = arith.constant 0 : i32
      %dma_start3A_309 = tpu.memref_slice %arg8[%add3A_287, %dma_start3A_308] : memref<160x128xi32, #tpu.memory_space<vmem>> -> memref<1x128xi32, #tpu.memory_space<vmem>>
      %dma_start3A_310 = tpu.memref_squeeze %dma_start3A_309 : memref<1x128xi32, #tpu.memory_space<vmem>> -> memref<128xi32, #tpu.memory_space<vmem>>
      %dma_start3A_311 = arith.constant 0 : i32
      %dma_start3A_312 = arith.constant 0 : i32
      %dma_start3A_313 = tpu.memref_slice %arg10[%dma_start3A_311, %dma_start3A_312] : memref<10240x64xf32, #tpu.memory_space<vmem_shared>> -> memref<10240x64xf32, #tpu.memory_space<vmem_shared>>
      tpu.enqueue_indirect_dma source(%dma_start3A_307 : memref<128x64xf32, #tpu.memory_space<vmem>>) target(%dma_start3A_313 : memref<10240x64xf32, #tpu.memory_space<vmem_shared>>) offsets(%dma_start3A_310 : memref<128xi32, #tpu.memory_space<vmem>>) semaphore(%arg19 : memref<!tpu.dma_semaphore, #tpu.memory_space<semaphore_mem>>) {add = true}
      %add3A_314 = arith.constant 4 : i32
      %add3A_315 = arith.addi %mul3A_202, %add3A_314 : i32
      %dma_wait3A_316 = arith.constant 4 : i32
      %dma_wait3A_317 = arith.constant 0 : i32
      %dma_wait3A_318 = arith.constant 0 : i32
      %dma_wait3A_319 = tpu.memref_slice %arg9[%dma_wait3A_316, %dma_wait3A_317, %dma_wait3A_318] : memref<5x128x64xf32, #tpu.memory_space<vmem>> -> memref<1x128x64xf32, #tpu.memory_space<vmem>>
      %dma_wait3A_320 = tpu.memref_squeeze %dma_wait3A_319 : memref<1x128x64xf32, #tpu.memory_space<vmem>> -> memref<128x64xf32, #tpu.memory_space<vmem>>
      %dma_wait3A_321 = arith.constant 0 : i32
      %dma_wait3A_322 = tpu.memref_slice %arg7[%add3A_315, %dma_wait3A_321] : memref<160x128xi32, #tpu.memory_space<vmem>> -> memref<1x128xi32, #tpu.memory_space<vmem>>
      %dma_wait3A_323 = tpu.memref_squeeze %dma_wait3A_322 : memref<1x128xi32, #tpu.memory_space<vmem>> -> memref<128xi32, #tpu.memory_space<vmem>>
      %dma_wait3A_324 = arith.constant 0 : i32
      %dma_wait3A_325 = arith.constant 0 : i32
      %dma_wait3A_326 = tpu.memref_slice %arg4[%add3A_98, %dma_wait3A_324, %dma_wait3A_325] : memref<4x10000x64xf32, #tpu.memory_space<hbm>> -> memref<1x10000x64xf32, #tpu.memory_space<hbm>>
      %dma_wait3A_327 = tpu.memref_squeeze %dma_wait3A_326 : memref<1x10000x64xf32, #tpu.memory_space<hbm>> -> memref<10000x64xf32, #tpu.memory_space<hbm>>
      %dma_wait3A_328 = arith.constant 0 : i32
      %dma_wait3A_329 = arith.constant 0 : i32
      %dma_wait3A_330 = tpu.memref_slice %dma_wait3A_327[%dma_wait3A_328, %dma_wait3A_329] : memref<10000x64xf32, #tpu.memory_space<hbm>> -> memref<10000x64xf32, #tpu.memory_space<hbm>>
      tpu.wait_indirect_dma semaphore(%arg15 : memref<!tpu.dma_semaphore, #tpu.memory_space<semaphore_mem>>) src(%dma_wait3A_330 : memref<10000x64xf32, #tpu.memory_space<hbm>>) dst(%dma_wait3A_320 : memref<128x64xf32, #tpu.memory_space<vmem>>)
      %dma_start3A_331 = arith.constant 4 : i32
      %dma_start3A_332 = arith.constant 0 : i32
      %dma_start3A_333 = arith.constant 0 : i32
      %dma_start3A_334 = tpu.memref_slice %arg9[%dma_start3A_331, %dma_start3A_332, %dma_start3A_333] : memref<5x128x64xf32, #tpu.memory_space<vmem>> -> memref<1x128x64xf32, #tpu.memory_space<vmem>>
      %dma_start3A_335 = tpu.memref_squeeze %dma_start3A_334 : memref<1x128x64xf32, #tpu.memory_space<vmem>> -> memref<128x64xf32, #tpu.memory_space<vmem>>
      %dma_start3A_336 = arith.constant 0 : i32
      %dma_start3A_337 = tpu.memref_slice %arg8[%add3A_315, %dma_start3A_336] : memref<160x128xi32, #tpu.memory_space<vmem>> -> memref<1x128xi32, #tpu.memory_space<vmem>>
      %dma_start3A_338 = tpu.memref_squeeze %dma_start3A_337 : memref<1x128xi32, #tpu.memory_space<vmem>> -> memref<128xi32, #tpu.memory_space<vmem>>
      %dma_start3A_339 = arith.constant 0 : i32
      %dma_start3A_340 = arith.constant 0 : i32
      %dma_start3A_341 = tpu.memref_slice %arg10[%dma_start3A_339, %dma_start3A_340] : memref<10240x64xf32, #tpu.memory_space<vmem_shared>> -> memref<10240x64xf32, #tpu.memory_space<vmem_shared>>
      tpu.enqueue_indirect_dma source(%dma_start3A_335 : memref<128x64xf32, #tpu.memory_space<vmem>>) target(%dma_start3A_341 : memref<10240x64xf32, #tpu.memory_space<vmem_shared>>) offsets(%dma_start3A_338 : memref<128xi32, #tpu.memory_space<vmem>>) semaphore(%arg20 : memref<!tpu.dma_semaphore, #tpu.memory_space<semaphore_mem>>) {add = true}
      %add3A_342 = arith.constant 0 : i32
      %add3A_343 = arith.addi %mul3A_202, %add3A_342 : i32
      %dma_wait3A_344 = arith.constant 0 : i32
      %dma_wait3A_345 = arith.constant 0 : i32
      %dma_wait3A_346 = arith.constant 0 : i32
      %dma_wait3A_347 = tpu.memref_slice %arg9[%dma_wait3A_344, %dma_wait3A_345, %dma_wait3A_346] : memref<5x128x64xf32, #tpu.memory_space<vmem>> -> memref<1x128x64xf32, #tpu.memory_space<vmem>>
      %dma_wait3A_348 = tpu.memref_squeeze %dma_wait3A_347 : memref<1x128x64xf32, #tpu.memory_space<vmem>> -> memref<128x64xf32, #tpu.memory_space<vmem>>
      %dma_wait3A_349 = arith.constant 0 : i32
      %dma_wait3A_350 = tpu.memref_slice %arg8[%add3A_343, %dma_wait3A_349] : memref<160x128xi32, #tpu.memory_space<vmem>> -> memref<1x128xi32, #tpu.memory_space<vmem>>
      %dma_wait3A_351 = tpu.memref_squeeze %dma_wait3A_350 : memref<1x128xi32, #tpu.memory_space<vmem>> -> memref<128xi32, #tpu.memory_space<vmem>>
      %dma_wait3A_352 = arith.constant 0 : i32
      %dma_wait3A_353 = arith.constant 0 : i32
      %dma_wait3A_354 = tpu.memref_slice %arg10[%dma_wait3A_352, %dma_wait3A_353] : memref<10240x64xf32, #tpu.memory_space<vmem_shared>> -> memref<10240x64xf32, #tpu.memory_space<vmem_shared>>
      tpu.wait_indirect_dma semaphore(%arg16 : memref<!tpu.dma_semaphore, #tpu.memory_space<semaphore_mem>>) src(%dma_wait3A_348 : memref<128x64xf32, #tpu.memory_space<vmem>>) dst(%dma_wait3A_354 : memref<10240x64xf32, #tpu.memory_space<vmem_shared>>)
      %add3A_355 = arith.constant 5 : i32
      %add3A_356 = arith.addi %add3A_343, %add3A_355 : i32
      %lt3A = arith.constant 160 : i32
      %lt3A_357 = arith.cmpi slt, %add3A_356, %lt3A : i32
      %convert_element_type3A = arith.extui %lt3A_357 : i1 to i32
      %cond3A = arith.constant 0 : i32
      %cond3A_358 = arith.cmpi ne, %convert_element_type3A, %cond3A : i32
      scf.if %cond3A_358 {
        %add3A_440 = arith.constant 5 : i32
        %add3A_441 = arith.addi %add3A_343, %add3A_440 : i32
        %dma_start3A_442 = arith.constant 0 : i32
        %dma_start3A_443 = arith.constant 0 : i32
        %dma_start3A_444 = arith.constant 0 : i32
        %dma_start3A_445 = tpu.memref_slice %arg9[%dma_start3A_442, %dma_start3A_443, %dma_start3A_444] : memref<5x128x64xf32, #tpu.memory_space<vmem>> -> memref<1x128x64xf32, #tpu.memory_space<vmem>>
        %dma_start3A_446 = tpu.memref_squeeze %dma_start3A_445 : memref<1x128x64xf32, #tpu.memory_space<vmem>> -> memref<128x64xf32, #tpu.memory_space<vmem>>
        %dma_start3A_447 = arith.constant 0 : i32
        %dma_start3A_448 = tpu.memref_slice %arg7[%add3A_441, %dma_start3A_447] : memref<160x128xi32, #tpu.memory_space<vmem>> -> memref<1x128xi32, #tpu.memory_space<vmem>>
        %dma_start3A_449 = tpu.memref_squeeze %dma_start3A_448 : memref<1x128xi32, #tpu.memory_space<vmem>> -> memref<128xi32, #tpu.memory_space<vmem>>
        %dma_start3A_450 = arith.constant 0 : i32
        %dma_start3A_451 = arith.constant 0 : i32
        %dma_start3A_452 = tpu.memref_slice %arg4[%add3A_98, %dma_start3A_450, %dma_start3A_451] : memref<4x10000x64xf32, #tpu.memory_space<hbm>> -> memref<1x10000x64xf32, #tpu.memory_space<hbm>>
        %dma_start3A_453 = tpu.memref_squeeze %dma_start3A_452 : memref<1x10000x64xf32, #tpu.memory_space<hbm>> -> memref<10000x64xf32, #tpu.memory_space<hbm>>
        %dma_start3A_454 = arith.constant 0 : i32
        %dma_start3A_455 = arith.constant 0 : i32
        %dma_start3A_456 = tpu.memref_slice %dma_start3A_453[%dma_start3A_454, %dma_start3A_455] : memref<10000x64xf32, #tpu.memory_space<hbm>> -> memref<10000x64xf32, #tpu.memory_space<hbm>>
        tpu.enqueue_indirect_dma source(%dma_start3A_456 : memref<10000x64xf32, #tpu.memory_space<hbm>>) target(%dma_start3A_446 : memref<128x64xf32, #tpu.memory_space<vmem>>) offsets(%dma_start3A_449 : memref<128xi32, #tpu.memory_space<vmem>>) semaphore(%arg11 : memref<!tpu.dma_semaphore, #tpu.memory_space<semaphore_mem>>)
      } else {
      }
      %add3A_359 = arith.constant 1 : i32
      %add3A_360 = arith.addi %mul3A_202, %add3A_359 : i32
      %dma_wait3A_361 = arith.constant 1 : i32
      %dma_wait3A_362 = arith.constant 0 : i32
      %dma_wait3A_363 = arith.constant 0 : i32
      %dma_wait3A_364 = tpu.memref_slice %arg9[%dma_wait3A_361, %dma_wait3A_362, %dma_wait3A_363] : memref<5x128x64xf32, #tpu.memory_space<vmem>> -> memref<1x128x64xf32, #tpu.memory_space<vmem>>
      %dma_wait3A_365 = tpu.memref_squeeze %dma_wait3A_364 : memref<1x128x64xf32, #tpu.memory_space<vmem>> -> memref<128x64xf32, #tpu.memory_space<vmem>>
      %dma_wait3A_366 = arith.constant 0 : i32
      %dma_wait3A_367 = tpu.memref_slice %arg8[%add3A_360, %dma_wait3A_366] : memref<160x128xi32, #tpu.memory_space<vmem>> -> memref<1x128xi32, #tpu.memory_space<vmem>>
      %dma_wait3A_368 = tpu.memref_squeeze %dma_wait3A_367 : memref<1x128xi32, #tpu.memory_space<vmem>> -> memref<128xi32, #tpu.memory_space<vmem>>
      %dma_wait3A_369 = arith.constant 0 : i32
      %dma_wait3A_370 = arith.constant 0 : i32
      %dma_wait3A_371 = tpu.memref_slice %arg10[%dma_wait3A_369, %dma_wait3A_370] : memref<10240x64xf32, #tpu.memory_space<vmem_shared>> -> memref<10240x64xf32, #tpu.memory_space<vmem_shared>>
      tpu.wait_indirect_dma semaphore(%arg17 : memref<!tpu.dma_semaphore, #tpu.memory_space<semaphore_mem>>) src(%dma_wait3A_365 : memref<128x64xf32, #tpu.memory_space<vmem>>) dst(%dma_wait3A_371 : memref<10240x64xf32, #tpu.memory_space<vmem_shared>>)
      %add3A_372 = arith.constant 5 : i32
      %add3A_373 = arith.addi %add3A_360, %add3A_372 : i32
      %lt3A_374 = arith.constant 160 : i32
      %lt3A_375 = arith.cmpi slt, %add3A_373, %lt3A_374 : i32
      %convert_element_type3A_376 = arith.extui %lt3A_375 : i1 to i32
      %cond3A_377 = arith.constant 0 : i32
      %cond3A_378 = arith.cmpi ne, %convert_element_type3A_376, %cond3A_377 : i32
      scf.if %cond3A_378 {
        %add3A_440 = arith.constant 5 : i32
        %add3A_441 = arith.addi %add3A_360, %add3A_440 : i32
        %dma_start3A_442 = arith.constant 1 : i32
        %dma_start3A_443 = arith.constant 0 : i32
        %dma_start3A_444 = arith.constant 0 : i32
        %dma_start3A_445 = tpu.memref_slice %arg9[%dma_start3A_442, %dma_start3A_443, %dma_start3A_444] : memref<5x128x64xf32, #tpu.memory_space<vmem>> -> memref<1x128x64xf32, #tpu.memory_space<vmem>>
        %dma_start3A_446 = tpu.memref_squeeze %dma_start3A_445 : memref<1x128x64xf32, #tpu.memory_space<vmem>> -> memref<128x64xf32, #tpu.memory_space<vmem>>
        %dma_start3A_447 = arith.constant 0 : i32
        %dma_start3A_448 = tpu.memref_slice %arg7[%add3A_441, %dma_start3A_447] : memref<160x128xi32, #tpu.memory_space<vmem>> -> memref<1x128xi32, #tpu.memory_space<vmem>>
        %dma_start3A_449 = tpu.memref_squeeze %dma_start3A_448 : memref<1x128xi32, #tpu.memory_space<vmem>> -> memref<128xi32, #tpu.memory_space<vmem>>
        %dma_start3A_450 = arith.constant 0 : i32
        %dma_start3A_451 = arith.constant 0 : i32
        %dma_start3A_452 = tpu.memref_slice %arg4[%add3A_98, %dma_start3A_450, %dma_start3A_451] : memref<4x10000x64xf32, #tpu.memory_space<hbm>> -> memref<1x10000x64xf32, #tpu.memory_space<hbm>>
        %dma_start3A_453 = tpu.memref_squeeze %dma_start3A_452 : memref<1x10000x64xf32, #tpu.memory_space<hbm>> -> memref<10000x64xf32, #tpu.memory_space<hbm>>
        %dma_start3A_454 = arith.constant 0 : i32
        %dma_start3A_455 = arith.constant 0 : i32
        %dma_start3A_456 = tpu.memref_slice %dma_start3A_453[%dma_start3A_454, %dma_start3A_455] : memref<10000x64xf32, #tpu.memory_space<hbm>> -> memref<10000x64xf32, #tpu.memory_space<hbm>>
        tpu.enqueue_indirect_dma source(%dma_start3A_456 : memref<10000x64xf32, #tpu.memory_space<hbm>>) target(%dma_start3A_446 : memref<128x64xf32, #tpu.memory_space<vmem>>) offsets(%dma_start3A_449 : memref<128xi32, #tpu.memory_space<vmem>>) semaphore(%arg12 : memref<!tpu.dma_semaphore, #tpu.memory_space<semaphore_mem>>)
      } else {
      }
      %add3A_379 = arith.constant 2 : i32
      %add3A_380 = arith.addi %mul3A_202, %add3A_379 : i32
      %dma_wait3A_381 = arith.constant 2 : i32
      %dma_wait3A_382 = arith.constant 0 : i32
      %dma_wait3A_383 = arith.constant 0 : i32
      %dma_wait3A_384 = tpu.memref_slice %arg9[%dma_wait3A_381, %dma_wait3A_382, %dma_wait3A_383] : memref<5x128x64xf32, #tpu.memory_space<vmem>> -> memref<1x128x64xf32, #tpu.memory_space<vmem>>
      %dma_wait3A_385 = tpu.memref_squeeze %dma_wait3A_384 : memref<1x128x64xf32, #tpu.memory_space<vmem>> -> memref<128x64xf32, #tpu.memory_space<vmem>>
      %dma_wait3A_386 = arith.constant 0 : i32
      %dma_wait3A_387 = tpu.memref_slice %arg8[%add3A_380, %dma_wait3A_386] : memref<160x128xi32, #tpu.memory_space<vmem>> -> memref<1x128xi32, #tpu.memory_space<vmem>>
      %dma_wait3A_388 = tpu.memref_squeeze %dma_wait3A_387 : memref<1x128xi32, #tpu.memory_space<vmem>> -> memref<128xi32, #tpu.memory_space<vmem>>
      %dma_wait3A_389 = arith.constant 0 : i32
      %dma_wait3A_390 = arith.constant 0 : i32
      %dma_wait3A_391 = tpu.memref_slice %arg10[%dma_wait3A_389, %dma_wait3A_390] : memref<10240x64xf32, #tpu.memory_space<vmem_shared>> -> memref<10240x64xf32, #tpu.memory_space<vmem_shared>>
      tpu.wait_indirect_dma semaphore(%arg18 : memref<!tpu.dma_semaphore, #tpu.memory_space<semaphore_mem>>) src(%dma_wait3A_385 : memref<128x64xf32, #tpu.memory_space<vmem>>) dst(%dma_wait3A_391 : memref<10240x64xf32, #tpu.memory_space<vmem_shared>>)
      %add3A_392 = arith.constant 5 : i32
      %add3A_393 = arith.addi %add3A_380, %add3A_392 : i32
      %lt3A_394 = arith.constant 160 : i32
      %lt3A_395 = arith.cmpi slt, %add3A_393, %lt3A_394 : i32
      %convert_element_type3A_396 = arith.extui %lt3A_395 : i1 to i32
      %cond3A_397 = arith.constant 0 : i32
      %cond3A_398 = arith.cmpi ne, %convert_element_type3A_396, %cond3A_397 : i32
      scf.if %cond3A_398 {
        %add3A_440 = arith.constant 5 : i32
        %add3A_441 = arith.addi %add3A_380, %add3A_440 : i32
        %dma_start3A_442 = arith.constant 2 : i32
        %dma_start3A_443 = arith.constant 0 : i32
        %dma_start3A_444 = arith.constant 0 : i32
        %dma_start3A_445 = tpu.memref_slice %arg9[%dma_start3A_442, %dma_start3A_443, %dma_start3A_444] : memref<5x128x64xf32, #tpu.memory_space<vmem>> -> memref<1x128x64xf32, #tpu.memory_space<vmem>>
        %dma_start3A_446 = tpu.memref_squeeze %dma_start3A_445 : memref<1x128x64xf32, #tpu.memory_space<vmem>> -> memref<128x64xf32, #tpu.memory_space<vmem>>
        %dma_start3A_447 = arith.constant 0 : i32
        %dma_start3A_448 = tpu.memref_slice %arg7[%add3A_441, %dma_start3A_447] : memref<160x128xi32, #tpu.memory_space<vmem>> -> memref<1x128xi32, #tpu.memory_space<vmem>>
        %dma_start3A_449 = tpu.memref_squeeze %dma_start3A_448 : memref<1x128xi32, #tpu.memory_space<vmem>> -> memref<128xi32, #tpu.memory_space<vmem>>
        %dma_start3A_450 = arith.constant 0 : i32
        %dma_start3A_451 = arith.constant 0 : i32
        %dma_start3A_452 = tpu.memref_slice %arg4[%add3A_98, %dma_start3A_450, %dma_start3A_451] : memref<4x10000x64xf32, #tpu.memory_space<hbm>> -> memref<1x10000x64xf32, #tpu.memory_space<hbm>>
        %dma_start3A_453 = tpu.memref_squeeze %dma_start3A_452 : memref<1x10000x64xf32, #tpu.memory_space<hbm>> -> memref<10000x64xf32, #tpu.memory_space<hbm>>
        %dma_start3A_454 = arith.constant 0 : i32
        %dma_start3A_455 = arith.constant 0 : i32
        %dma_start3A_456 = tpu.memref_slice %dma_start3A_453[%dma_start3A_454, %dma_start3A_455] : memref<10000x64xf32, #tpu.memory_space<hbm>> -> memref<10000x64xf32, #tpu.memory_space<hbm>>
        tpu.enqueue_indirect_dma source(%dma_start3A_456 : memref<10000x64xf32, #tpu.memory_space<hbm>>) target(%dma_start3A_446 : memref<128x64xf32, #tpu.memory_space<vmem>>) offsets(%dma_start3A_449 : memref<128xi32, #tpu.memory_space<vmem>>) semaphore(%arg13 : memref<!tpu.dma_semaphore, #tpu.memory_space<semaphore_mem>>)
      } else {
      }
      %add3A_399 = arith.constant 3 : i32
      %add3A_400 = arith.addi %mul3A_202, %add3A_399 : i32
      %dma_wait3A_401 = arith.constant 3 : i32
      %dma_wait3A_402 = arith.constant 0 : i32
      %dma_wait3A_403 = arith.constant 0 : i32
      %dma_wait3A_404 = tpu.memref_slice %arg9[%dma_wait3A_401, %dma_wait3A_402, %dma_wait3A_403] : memref<5x128x64xf32, #tpu.memory_space<vmem>> -> memref<1x128x64xf32, #tpu.memory_space<vmem>>
      %dma_wait3A_405 = tpu.memref_squeeze %dma_wait3A_404 : memref<1x128x64xf32, #tpu.memory_space<vmem>> -> memref<128x64xf32, #tpu.memory_space<vmem>>
      %dma_wait3A_406 = arith.constant 0 : i32
      %dma_wait3A_407 = tpu.memref_slice %arg8[%add3A_400, %dma_wait3A_406] : memref<160x128xi32, #tpu.memory_space<vmem>> -> memref<1x128xi32, #tpu.memory_space<vmem>>
      %dma_wait3A_408 = tpu.memref_squeeze %dma_wait3A_407 : memref<1x128xi32, #tpu.memory_space<vmem>> -> memref<128xi32, #tpu.memory_space<vmem>>
      %dma_wait3A_409 = arith.constant 0 : i32
      %dma_wait3A_410 = arith.constant 0 : i32
      %dma_wait3A_411 = tpu.memref_slice %arg10[%dma_wait3A_409, %dma_wait3A_410] : memref<10240x64xf32, #tpu.memory_space<vmem_shared>> -> memref<10240x64xf32, #tpu.memory_space<vmem_shared>>
      tpu.wait_indirect_dma semaphore(%arg19 : memref<!tpu.dma_semaphore, #tpu.memory_space<semaphore_mem>>) src(%dma_wait3A_405 : memref<128x64xf32, #tpu.memory_space<vmem>>) dst(%dma_wait3A_411 : memref<10240x64xf32, #tpu.memory_space<vmem_shared>>)
      %add3A_412 = arith.constant 5 : i32
      %add3A_413 = arith.addi %add3A_400, %add3A_412 : i32
      %lt3A_414 = arith.constant 160 : i32
      %lt3A_415 = arith.cmpi slt, %add3A_413, %lt3A_414 : i32
      %convert_element_type3A_416 = arith.extui %lt3A_415 : i1 to i32
      %cond3A_417 = arith.constant 0 : i32
      %cond3A_418 = arith.cmpi ne, %convert_element_type3A_416, %cond3A_417 : i32
      scf.if %cond3A_418 {
        %add3A_440 = arith.constant 5 : i32
        %add3A_441 = arith.addi %add3A_400, %add3A_440 : i32
        %dma_start3A_442 = arith.constant 3 : i32
        %dma_start3A_443 = arith.constant 0 : i32
        %dma_start3A_444 = arith.constant 0 : i32
        %dma_start3A_445 = tpu.memref_slice %arg9[%dma_start3A_442, %dma_start3A_443, %dma_start3A_444] : memref<5x128x64xf32, #tpu.memory_space<vmem>> -> memref<1x128x64xf32, #tpu.memory_space<vmem>>
        %dma_start3A_446 = tpu.memref_squeeze %dma_start3A_445 : memref<1x128x64xf32, #tpu.memory_space<vmem>> -> memref<128x64xf32, #tpu.memory_space<vmem>>
        %dma_start3A_447 = arith.constant 0 : i32
        %dma_start3A_448 = tpu.memref_slice %arg7[%add3A_441, %dma_start3A_447] : memref<160x128xi32, #tpu.memory_space<vmem>> -> memref<1x128xi32, #tpu.memory_space<vmem>>
        %dma_start3A_449 = tpu.memref_squeeze %dma_start3A_448 : memref<1x128xi32, #tpu.memory_space<vmem>> -> memref<128xi32, #tpu.memory_space<vmem>>
        %dma_start3A_450 = arith.constant 0 : i32
        %dma_start3A_451 = arith.constant 0 : i32
        %dma_start3A_452 = tpu.memref_slice %arg4[%add3A_98, %dma_start3A_450, %dma_start3A_451] : memref<4x10000x64xf32, #tpu.memory_space<hbm>> -> memref<1x10000x64xf32, #tpu.memory_space<hbm>>
        %dma_start3A_453 = tpu.memref_squeeze %dma_start3A_452 : memref<1x10000x64xf32, #tpu.memory_space<hbm>> -> memref<10000x64xf32, #tpu.memory_space<hbm>>
        %dma_start3A_454 = arith.constant 0 : i32
        %dma_start3A_455 = arith.constant 0 : i32
        %dma_start3A_456 = tpu.memref_slice %dma_start3A_453[%dma_start3A_454, %dma_start3A_455] : memref<10000x64xf32, #tpu.memory_space<hbm>> -> memref<10000x64xf32, #tpu.memory_space<hbm>>
        tpu.enqueue_indirect_dma source(%dma_start3A_456 : memref<10000x64xf32, #tpu.memory_space<hbm>>) target(%dma_start3A_446 : memref<128x64xf32, #tpu.memory_space<vmem>>) offsets(%dma_start3A_449 : memref<128xi32, #tpu.memory_space<vmem>>) semaphore(%arg14 : memref<!tpu.dma_semaphore, #tpu.memory_space<semaphore_mem>>)
      } else {
      }
      %add3A_419 = arith.constant 4 : i32
      %add3A_420 = arith.addi %mul3A_202, %add3A_419 : i32
      %dma_wait3A_421 = arith.constant 4 : i32
      %dma_wait3A_422 = arith.constant 0 : i32
      %dma_wait3A_423 = arith.constant 0 : i32
      %dma_wait3A_424 = tpu.memref_slice %arg9[%dma_wait3A_421, %dma_wait3A_422, %dma_wait3A_423] : memref<5x128x64xf32, #tpu.memory_space<vmem>> -> memref<1x128x64xf32, #tpu.memory_space<vmem>>
      %dma_wait3A_425 = tpu.memref_squeeze %dma_wait3A_424 : memref<1x128x64xf32, #tpu.memory_space<vmem>> -> memref<128x64xf32, #tpu.memory_space<vmem>>
      %dma_wait3A_426 = arith.constant 0 : i32
      %dma_wait3A_427 = tpu.memref_slice %arg8[%add3A_420, %dma_wait3A_426] : memref<160x128xi32, #tpu.memory_space<vmem>> -> memref<1x128xi32, #tpu.memory_space<vmem>>
      %dma_wait3A_428 = tpu.memref_squeeze %dma_wait3A_427 : memref<1x128xi32, #tpu.memory_space<vmem>> -> memref<128xi32, #tpu.memory_space<vmem>>
      %dma_wait3A_429 = arith.constant 0 : i32
      %dma_wait3A_430 = arith.constant 0 : i32
      %dma_wait3A_431 = tpu.memref_slice %arg10[%dma_wait3A_429, %dma_wait3A_430] : memref<10240x64xf32, #tpu.memory_space<vmem_shared>> -> memref<10240x64xf32, #tpu.memory_space<vmem_shared>>
      tpu.wait_indirect_dma semaphore(%arg20 : memref<!tpu.dma_semaphore, #tpu.memory_space<semaphore_mem>>) src(%dma_wait3A_425 : memref<128x64xf32, #tpu.memory_space<vmem>>) dst(%dma_wait3A_431 : memref<10240x64xf32, #tpu.memory_space<vmem_shared>>)
      %add3A_432 = arith.constant 5 : i32
      %add3A_433 = arith.addi %add3A_420, %add3A_432 : i32
      %lt3A_434 = arith.constant 160 : i32
      %lt3A_435 = arith.cmpi slt, %add3A_433, %lt3A_434 : i32
      %convert_element_type3A_436 = arith.extui %lt3A_435 : i1 to i32
      %cond3A_437 = arith.constant 0 : i32
      %cond3A_438 = arith.cmpi ne, %convert_element_type3A_436, %cond3A_437 : i32
      scf.if %cond3A_438 {
        %add3A_440 = arith.constant 5 : i32
        %add3A_441 = arith.addi %add3A_420, %add3A_440 : i32
        %dma_start3A_442 = arith.constant 4 : i32
        %dma_start3A_443 = arith.constant 0 : i32
        %dma_start3A_444 = arith.constant 0 : i32
        %dma_start3A_445 = tpu.memref_slice %arg9[%dma_start3A_442, %dma_start3A_443, %dma_start3A_444] : memref<5x128x64xf32, #tpu.memory_space<vmem>> -> memref<1x128x64xf32, #tpu.memory_space<vmem>>
        %dma_start3A_446 = tpu.memref_squeeze %dma_start3A_445 : memref<1x128x64xf32, #tpu.memory_space<vmem>> -> memref<128x64xf32, #tpu.memory_space<vmem>>
        %dma_start3A_447 = arith.constant 0 : i32
        %dma_start3A_448 = tpu.memref_slice %arg7[%add3A_441, %dma_start3A_447] : memref<160x128xi32, #tpu.memory_space<vmem>> -> memref<1x128xi32, #tpu.memory_space<vmem>>
        %dma_start3A_449 = tpu.memref_squeeze %dma_start3A_448 : memref<1x128xi32, #tpu.memory_space<vmem>> -> memref<128xi32, #tpu.memory_space<vmem>>
        %dma_start3A_450 = arith.constant 0 : i32
        %dma_start3A_451 = arith.constant 0 : i32
        %dma_start3A_452 = tpu.memref_slice %arg4[%add3A_98, %dma_start3A_450, %dma_start3A_451] : memref<4x10000x64xf32, #tpu.memory_space<hbm>> -> memref<1x10000x64xf32, #tpu.memory_space<hbm>>
        %dma_start3A_453 = tpu.memref_squeeze %dma_start3A_452 : memref<1x10000x64xf32, #tpu.memory_space<hbm>> -> memref<10000x64xf32, #tpu.memory_space<hbm>>
        %dma_start3A_454 = arith.constant 0 : i32
        %dma_start3A_455 = arith.constant 0 : i32
        %dma_start3A_456 = tpu.memref_slice %dma_start3A_453[%dma_start3A_454, %dma_start3A_455] : memref<10000x64xf32, #tpu.memory_space<hbm>> -> memref<10000x64xf32, #tpu.memory_space<hbm>>
        tpu.enqueue_indirect_dma source(%dma_start3A_456 : memref<10000x64xf32, #tpu.memory_space<hbm>>) target(%dma_start3A_446 : memref<128x64xf32, #tpu.memory_space<vmem>>) offsets(%dma_start3A_449 : memref<128xi32, #tpu.memory_space<vmem>>) semaphore(%arg15 : memref<!tpu.dma_semaphore, #tpu.memory_space<semaphore_mem>>)
      } else {
      }
      %scan3A_439 = arith.constant 0 : i32
      scf.yield %scan3A_439 : i32
    }
    %scan3A_190 = arith.constant 32 : i32
    %barrier3A_191 = arith.constant 0 : index
    tpu.barrier barrier_id(%barrier3A_191)
    %mul3A_192 = arith.constant 640 : i32
    %mul3A_193 = arith.muli %arg1, %mul3A_192 : i32
    %mul3A_194 = arith.constant 10240 : i32
    %mul3A_195 = arith.muli %add3A_98, %mul3A_194 : i32
    %mul3A_196 = arith.constant 640 : i32
    %mul3A_197 = arith.muli %arg1, %mul3A_196 : i32
    %add3A_198 = arith.addi %mul3A_195, %mul3A_197 : i32
    "tpu.region"() ({
      %run_scoped3A = tpu.sem_alloc : memref<!tpu.dma_semaphore, #tpu.memory_space<semaphore_mem>>
      %dma_start3A_199 = arith.constant 0 : i32
      %dma_start3A_200 = tpu.memref_slice %arg6[%add3A_198, %dma_start3A_199] : memref<40960x64xf32, #tpu.memory_space<hbm>> -> memref<640x64xf32, #tpu.memory_space<hbm>>
      %dma_start3A_201 = arith.constant 0 : i32
      %dma_start3A_202 = tpu.memref_slice %arg10[%mul3A_193, %dma_start3A_201] : memref<10240x64xf32, #tpu.memory_space<vmem_shared>> -> memref<640x64xf32, #tpu.memory_space<vmem_shared>>
      tpu.enqueue_dma source(%dma_start3A_202 : memref<640x64xf32, #tpu.memory_space<vmem_shared>>) target(%dma_start3A_200 : memref<640x64xf32, #tpu.memory_space<hbm>>) target_semaphore(%run_scoped3A : memref<!tpu.dma_semaphore, #tpu.memory_space<semaphore_mem>>)
      %dma_wait3A = arith.constant 0 : i32
      %dma_wait3A_203 = tpu.memref_slice %arg6[%add3A_198, %dma_wait3A] : memref<40960x64xf32, #tpu.memory_space<hbm>> -> memref<640x64xf32, #tpu.memory_space<hbm>>
      %dma_wait3A_204 = arith.constant 0 : i32
      %dma_wait3A_205 = tpu.memref_slice %arg10[%mul3A_193, %dma_wait3A_204] : memref<10240x64xf32, #tpu.memory_space<vmem_shared>> -> memref<640x64xf32, #tpu.memory_space<vmem_shared>>
      tpu.wait_dma2 semaphore(%run_scoped3A : memref<!tpu.dma_semaphore, #tpu.memory_space<semaphore_mem>>) src(%dma_wait3A_205 : memref<640x64xf32, #tpu.memory_space<vmem_shared>>) dst(%dma_wait3A_203 : memref<640x64xf32, #tpu.memory_space<hbm>>)
      tpu.yield
    }) : () -> ()
    return
  }
}

module attributes {stable_mosaic.version = 14 : i64} {
  func.func @_mlp_body(%arg0: i32, %arg1: memref<1000x128xf32, #tpu.memory_space<vmem>>, %arg2: memref<128x256xf32, #tpu.memory_space<vmem>>, %arg3: memref<1x256xf32, #tpu.memory_space<vmem>>, %arg4: memref<256x256xf32, #tpu.memory_space<vmem>>, %arg5: memref<1x256xf32, #tpu.memory_space<vmem>>, %arg6: memref<256x256xf32, #tpu.memory_space<vmem>>, %arg7: memref<2x1000x16xf32, #tpu.memory_space<vmem>>, %arg8: memref<4x1000x64xf32, #tpu.memory_space<vmem>>) attributes {dimension_semantics = [#tpu.dimension_semantics<arbitrary>], iteration_bounds = array<i64: 10>, scalar_prefetch = 0 : i64, scratch_operands = 0 : i64, tpu.core_type = #tpu.core_type<tc>, window_params = [{transform_indices = @transform_0, window_bounds = array<i64: 1000, 128>}, {pipeline_mode = #tpu.pipeline_mode<synchronous>, transform_indices = @transform_1, window_bounds = array<i64: 128, 256>}, {pipeline_mode = #tpu.pipeline_mode<synchronous>, transform_indices = @transform_2, window_bounds = array<i64: 1, 256>}, {pipeline_mode = #tpu.pipeline_mode<synchronous>, transform_indices = @transform_3, window_bounds = array<i64: 256, 256>}, {pipeline_mode = #tpu.pipeline_mode<synchronous>, transform_indices = @transform_4, window_bounds = array<i64: 1, 256>}, {pipeline_mode = #tpu.pipeline_mode<synchronous>, transform_indices = @transform_5, window_bounds = array<i64: 256, 256>}, {transform_indices = @transform_6, window_bounds = array<i64: 2, 1000, 16>}, {transform_indices = @transform_7, window_bounds = array<i64: 4, 1000, 64>}]} {
    %get3A = arith.constant 0 : index
    %get3A_0 = arith.constant 0 : index
    %get3A_1 = vector.load %arg1[%get3A, %get3A_0] : memref<1000x128xf32, #tpu.memory_space<vmem>>, vector<1000x128xf32>
    %get3A_2 = arith.constant 0 : index
    %get3A_3 = arith.constant 0 : index
    %get3A_4 = vector.load %arg2[%get3A_2, %get3A_3] : memref<128x256xf32, #tpu.memory_space<vmem>>, vector<128x256xf32>
    %dot_general3A = arith.constant dense<0.000000e+00> : vector<1000x256xf32>
    %dot_general3A_5 = tpu.matmul %get3A_1, %get3A_4, %dot_general3A {dimension_numbers = #tpu.dot_dimension_numbers<[1], [0], [0], [1], [0, 0, 1, 1], [], []>, transpose_lhs_hint = false} : vector<1000x128xf32>, vector<128x256xf32>, vector<1000x256xf32> -> vector<1000x256xf32>
    %get3A_6 = arith.constant 0 : index
    %get3A_7 = arith.constant 0 : index
    %get3A_8 = vector.load %arg3[%get3A_6, %get3A_7] : memref<1x256xf32, #tpu.memory_space<vmem>>, vector<1x256xf32>
    %add3A = vector.broadcast %get3A_8 : vector<1x256xf32> to vector<1000x256xf32>
    %add3A_9 = arith.addf %dot_general3A_5, %add3A : vector<1000x256xf32>
    %gt3A = arith.constant 0.000000e+00 : f32
    %gt3A_10 = vector.broadcast %gt3A : f32 to vector<1000x256xf32>
    %gt3A_11 = arith.cmpf ogt, %add3A_9, %gt3A_10 : vector<1000x256xf32>
    %min3A = arith.constant 0.000000e+00 : f32
    %min3A_12 = vector.broadcast %min3A : f32 to vector<1000x256xf32>
    %min3A_13 = arith.minimumf %add3A_9, %min3A_12 : vector<1000x256xf32>
    %exp3A = math.exp %min3A_13 : vector<1000x256xf32>
    %sub3A = arith.constant 1.000000e+00 : f32
    %sub3A_14 = vector.broadcast %sub3A : f32 to vector<1000x256xf32>
    %sub3A_15 = arith.subf %exp3A, %sub3A_14 : vector<1000x256xf32>
    %select_n3A = arith.select %gt3A_11, %add3A_9, %sub3A_15 : vector<1000x256xi1>, vector<1000x256xf32>
    %get3A_16 = arith.constant 0 : index
    %get3A_17 = arith.constant 0 : index
    %get3A_18 = vector.load %arg4[%get3A_16, %get3A_17] : memref<256x256xf32, #tpu.memory_space<vmem>>, vector<256x256xf32>
    %dot_general3A_19 = arith.constant dense<0.000000e+00> : vector<1000x256xf32>
    %dot_general3A_20 = tpu.matmul %select_n3A, %get3A_18, %dot_general3A_19 {dimension_numbers = #tpu.dot_dimension_numbers<[1], [0], [0], [1], [0, 0, 1, 1], [], []>, transpose_lhs_hint = false} : vector<1000x256xf32>, vector<256x256xf32>, vector<1000x256xf32> -> vector<1000x256xf32>
    %get3A_21 = arith.constant 0 : index
    %get3A_22 = arith.constant 0 : index
    %get3A_23 = vector.load %arg5[%get3A_21, %get3A_22] : memref<1x256xf32, #tpu.memory_space<vmem>>, vector<1x256xf32>
    %add3A_24 = vector.broadcast %get3A_23 : vector<1x256xf32> to vector<1000x256xf32>
    %add3A_25 = arith.addf %dot_general3A_20, %add3A_24 : vector<1000x256xf32>
    %gt3A_26 = arith.constant 0.000000e+00 : f32
    %gt3A_27 = vector.broadcast %gt3A_26 : f32 to vector<1000x256xf32>
    %gt3A_28 = arith.cmpf ogt, %add3A_25, %gt3A_27 : vector<1000x256xf32>
    %min3A_29 = arith.constant 0.000000e+00 : f32
    %min3A_30 = vector.broadcast %min3A_29 : f32 to vector<1000x256xf32>
    %min3A_31 = arith.minimumf %add3A_25, %min3A_30 : vector<1000x256xf32>
    %exp3A_32 = math.exp %min3A_31 : vector<1000x256xf32>
    %sub3A_33 = arith.constant 1.000000e+00 : f32
    %sub3A_34 = vector.broadcast %sub3A_33 : f32 to vector<1000x256xf32>
    %sub3A_35 = arith.subf %exp3A_32, %sub3A_34 : vector<1000x256xf32>
    %select_n3A_36 = arith.select %gt3A_28, %add3A_25, %sub3A_35 : vector<1000x256xi1>, vector<1000x256xf32>
    %get3A_37 = arith.constant 0 : index
    %get3A_38 = arith.constant 0 : index
    %get3A_39 = vector.load %arg6[%get3A_37, %get3A_38] : memref<256x256xf32, #tpu.memory_space<vmem>>, vector<256x256xf32>
    %dot_general3A_40 = arith.constant dense<0.000000e+00> : vector<1000x256xf32>
    %dot_general3A_41 = tpu.matmul %select_n3A_36, %get3A_39, %dot_general3A_40 {dimension_numbers = #tpu.dot_dimension_numbers<[1], [0], [0], [1], [0, 0, 1, 1], [], []>, transpose_lhs_hint = false} : vector<1000x256xf32>, vector<256x256xf32>, vector<1000x256xf32> -> vector<1000x256xf32>
    %get3A_42 = arith.constant 0 : index
    %get3A_43 = arith.constant 0 : index
    %get3A_44 = arith.constant 0 : index
    %get3A_45 = vector.load %arg7[%get3A_42, %get3A_43, %get3A_44] : memref<2x1000x16xf32, #tpu.memory_space<vmem>>, vector<2x1000x16xf32>
    %reduce_sum3A = arith.constant dense<0.000000e+00> : vector<1000xf32>
    %reduce_sum3A_46 = vector.multi_reduction <add>, %get3A_45, %reduce_sum3A [0, 2] : vector<2x1000x16xf32> to vector<1000xf32>
    %mul3A = arith.constant 6.250000e-02 : f32
    %mul3A_47 = vector.broadcast %mul3A : f32 to vector<1000xf32>
    %mul3A_48 = arith.mulf %reduce_sum3A_46, %mul3A_47 : vector<1000xf32>
    %add3A_49 = arith.constant 1.000000e+00 : f32
    %add3A_50 = vector.broadcast %add3A_49 : f32 to vector<1000xf32>
    %add3A_51 = arith.addf %mul3A_48, %add3A_50 : vector<1000xf32>
    %rsqrt3A = math.rsqrt %add3A_51 : vector<1000xf32>
    %broadcast_in_dim3A = vector.shape_cast %rsqrt3A : vector<1000xf32> to vector<1000x1xf32>
    %mul3A_52 = vector.broadcast %broadcast_in_dim3A : vector<1000x1xf32> to vector<1000x256xf32>
    %mul3A_53 = arith.mulf %dot_general3A_41, %mul3A_52 : vector<1000x256xf32>
    %slice3A = vector.extract_strided_slice %mul3A_53 {offsets = [0, 0], sizes = [1000, 64], strides = [1, 1]} : vector<1000x256xf32> to vector<1000x64xf32>
    %swap3A = arith.constant 0 : index
    %swap3A_54 = arith.constant 0 : index
    %swap3A_55 = arith.constant 0 : index
    %swap3A_56 = vector.load %arg8[%swap3A, %swap3A_54, %swap3A_55] : memref<4x1000x64xf32, #tpu.memory_space<vmem>>, vector<1x1000x64xf32>
    %swap3A_57 = vector.shape_cast %swap3A_56 : vector<1x1000x64xf32> to vector<1000x64xf32>
    %swap3A_58 = vector.shape_cast %slice3A : vector<1000x64xf32> to vector<1x1000x64xf32>
    tpu.vector_store %arg8[%swap3A, %swap3A_54, %swap3A_55], %swap3A_58 {strides = array<i32>} : memref<4x1000x64xf32, #tpu.memory_space<vmem>>, vector<1x1000x64xf32>,
    %slice3A_59 = vector.extract_strided_slice %mul3A_53 {offsets = [0, 64], sizes = [1000, 64], strides = [1, 1]} : vector<1000x256xf32> to vector<1000x64xf32>
    %swap3A_60 = arith.constant 1 : index
    %swap3A_61 = arith.constant 0 : index
    %swap3A_62 = arith.constant 0 : index
    %swap3A_63 = vector.load %arg8[%swap3A_60, %swap3A_61, %swap3A_62] : memref<4x1000x64xf32, #tpu.memory_space<vmem>>, vector<1x1000x64xf32>
    %swap3A_64 = vector.shape_cast %swap3A_63 : vector<1x1000x64xf32> to vector<1000x64xf32>
    %swap3A_65 = vector.shape_cast %slice3A_59 : vector<1000x64xf32> to vector<1x1000x64xf32>
    tpu.vector_store %arg8[%swap3A_60, %swap3A_61, %swap3A_62], %swap3A_65 {strides = array<i32>} : memref<4x1000x64xf32, #tpu.memory_space<vmem>>, vector<1x1000x64xf32>,
    %slice3A_66 = vector.extract_strided_slice %mul3A_53 {offsets = [0, 128], sizes = [1000, 64], strides = [1, 1]} : vector<1000x256xf32> to vector<1000x64xf32>
    %swap3A_67 = arith.constant 2 : index
    %swap3A_68 = arith.constant 0 : index
    %swap3A_69 = arith.constant 0 : index
    %swap3A_70 = vector.load %arg8[%swap3A_67, %swap3A_68, %swap3A_69] : memref<4x1000x64xf32, #tpu.memory_space<vmem>>, vector<1x1000x64xf32>
    %swap3A_71 = vector.shape_cast %swap3A_70 : vector<1x1000x64xf32> to vector<1000x64xf32>
    %swap3A_72 = vector.shape_cast %slice3A_66 : vector<1000x64xf32> to vector<1x1000x64xf32>
    tpu.vector_store %arg8[%swap3A_67, %swap3A_68, %swap3A_69], %swap3A_72 {strides = array<i32>} : memref<4x1000x64xf32, #tpu.memory_space<vmem>>, vector<1x1000x64xf32>,
    %slice3A_73 = vector.extract_strided_slice %mul3A_53 {offsets = [0, 192], sizes = [1000, 64], strides = [1, 1]} : vector<1000x256xf32> to vector<1000x64xf32>
    %swap3A_74 = arith.constant 3 : index
    %swap3A_75 = arith.constant 0 : index
    %swap3A_76 = arith.constant 0 : index
    %swap3A_77 = vector.load %arg8[%swap3A_74, %swap3A_75, %swap3A_76] : memref<4x1000x64xf32, #tpu.memory_space<vmem>>, vector<1x1000x64xf32>
    %swap3A_78 = vector.shape_cast %swap3A_77 : vector<1x1000x64xf32> to vector<1000x64xf32>
    %swap3A_79 = vector.shape_cast %slice3A_73 : vector<1000x64xf32> to vector<1x1000x64xf32>
    tpu.vector_store %arg8[%swap3A_74, %swap3A_75, %swap3A_76], %swap3A_79 {strides = array<i32>} : memref<4x1000x64xf32, #tpu.memory_space<vmem>>, vector<1x1000x64xf32>,
    return
  }
  func.func @transform_0(%arg0: i32) -> (i32, i32) {
    %c0_i32 = arith.constant 0 : i32
    %c0_i32_0 = arith.constant 0 : i32
    return %arg0, %c0_i32 : i32, i32
  }
  func.func @transform_1(%arg0: i32) -> (i32, i32) {
    %c0_i32 = arith.constant 0 : i32
    %c0_i32_0 = arith.constant 0 : i32
    %c0_i32_1 = arith.constant 0 : i32
    return %c0_i32, %c0_i32_0 : i32, i32
  }
  func.func @transform_2(%arg0: i32) -> (i32, i32) {
    %c0_i32 = arith.constant 0 : i32
    %c0_i32_0 = arith.constant 0 : i32
    %c0_i32_1 = arith.constant 0 : i32
    return %c0_i32, %c0_i32_0 : i32, i32
  }
  func.func @transform_3(%arg0: i32) -> (i32, i32) {
    %c0_i32 = arith.constant 0 : i32
    %c0_i32_0 = arith.constant 0 : i32
    %c0_i32_1 = arith.constant 0 : i32
    return %c0_i32, %c0_i32_0 : i32, i32
  }
  func.func @transform_4(%arg0: i32) -> (i32, i32) {
    %c0_i32 = arith.constant 0 : i32
    %c0_i32_0 = arith.constant 0 : i32
    %c0_i32_1 = arith.constant 0 : i32
    return %c0_i32, %c0_i32_0 : i32, i32
  }
  func.func @transform_5(%arg0: i32) -> (i32, i32) {
    %c0_i32 = arith.constant 0 : i32
    %c0_i32_0 = arith.constant 0 : i32
    %c0_i32_1 = arith.constant 0 : i32
    return %c0_i32, %c0_i32_0 : i32, i32
  }
  func.func @transform_6(%arg0: i32) -> (i32, i32, i32) {
    %c0_i32 = arith.constant 0 : i32
    %c0_i32_0 = arith.constant 0 : i32
    %c0_i32_1 = arith.constant 0 : i32
    return %c0_i32, %arg0, %c0_i32_0 : i32, i32, i32
  }
  func.func @transform_7(%arg0: i32) -> (i32, i32, i32) {
    %c0_i32 = arith.constant 0 : i32
    %c0_i32_0 = arith.constant 0 : i32
    %c0_i32_1 = arith.constant 0 : i32
    return %c0_i32, %arg0, %c0_i32_0 : i32, i32, i32
  }
}

module attributes {stable_mosaic.version = 14 : i64} {
  func.func @_head_body(%arg0: i32, %arg1: memref<4x1000x64xf32, #tpu.memory_space<vmem>>, %arg2: memref<4x1000x64xf32, #tpu.memory_space<vmem>>, %arg3: memref<2x1000x16xf32, #tpu.memory_space<vmem>>, %arg4: memref<1x256xf32, #tpu.memory_space<vmem>>, %arg5: memref<256x128xf32, #tpu.memory_space<vmem>>, %arg6: memref<1x128xf32, #tpu.memory_space<vmem>>, %arg7: memref<1000x128xf32, #tpu.memory_space<vmem>>) attributes {dimension_semantics = [#tpu.dimension_semantics<arbitrary>], iteration_bounds = array<i64: 10>, scalar_prefetch = 0 : i64, scratch_operands = 0 : i64, tpu.core_type = #tpu.core_type<tc>, window_params = [{transform_indices = @transform_0, window_bounds = array<i64: 4, 1000, 64>}, {transform_indices = @transform_1, window_bounds = array<i64: 4, 1000, 64>}, {transform_indices = @transform_2, window_bounds = array<i64: 2, 1000, 16>}, {pipeline_mode = #tpu.pipeline_mode<synchronous>, transform_indices = @transform_3, window_bounds = array<i64: 1, 256>}, {pipeline_mode = #tpu.pipeline_mode<synchronous>, transform_indices = @transform_4, window_bounds = array<i64: 256, 128>}, {pipeline_mode = #tpu.pipeline_mode<synchronous>, transform_indices = @transform_5, window_bounds = array<i64: 1, 128>}, {transform_indices = @transform_6, window_bounds = array<i64: 1000, 128>}]} {
    %get3A = arith.constant 0 : index
    %get3A_0 = arith.constant 0 : index
    %get3A_1 = arith.constant 0 : index
    %get3A_2 = vector.load %arg3[%get3A, %get3A_0, %get3A_1] : memref<2x1000x16xf32, #tpu.memory_space<vmem>>, vector<2x1000x16xf32>
    %reduce_sum3A = arith.constant dense<0.000000e+00> : vector<1000xf32>
    %reduce_sum3A_3 = vector.multi_reduction <add>, %get3A_2, %reduce_sum3A [0, 2] : vector<2x1000x16xf32> to vector<1000xf32>
    %mul3A = arith.constant 6.250000e-02 : f32
    %mul3A_4 = vector.broadcast %mul3A : f32 to vector<1000xf32>
    %mul3A_5 = arith.mulf %reduce_sum3A_3, %mul3A_4 : vector<1000xf32>
    %add3A = arith.constant 1.000000e+00 : f32
    %add3A_6 = vector.broadcast %add3A : f32 to vector<1000xf32>
    %add3A_7 = arith.addf %mul3A_5, %add3A_6 : vector<1000xf32>
    %rsqrt3A = math.rsqrt %add3A_7 : vector<1000xf32>
    %broadcast_in_dim3A = vector.shape_cast %rsqrt3A : vector<1000xf32> to vector<1000x1xf32>
    %get3A_8 = arith.constant 0 : index
    %get3A_9 = arith.constant 0 : index
    %get3A_10 = vector.load %arg4[%get3A_8, %get3A_9] : memref<1x256xf32, #tpu.memory_space<vmem>>, vector<1x256xf32>
    %get3A_11 = arith.constant 0 : index
    %get3A_12 = arith.constant 0 : index
    %get3A_13 = arith.constant 0 : index
    %get3A_14 = vector.load %arg2[%get3A_11, %get3A_12, %get3A_13] : memref<4x1000x64xf32, #tpu.memory_space<vmem>>, vector<1x1000x64xf32>
    %get3A_15 = vector.shape_cast %get3A_14 : vector<1x1000x64xf32> to vector<1000x64xf32>
    %get3A_16 = arith.constant 0 : index
    %get3A_17 = arith.constant 0 : index
    %get3A_18 = arith.constant 0 : index
    %get3A_19 = vector.load %arg1[%get3A_16, %get3A_17, %get3A_18] : memref<4x1000x64xf32, #tpu.memory_space<vmem>>, vector<1x1000x64xf32>
    %get3A_20 = vector.shape_cast %get3A_19 : vector<1x1000x64xf32> to vector<1000x64xf32>
    %add3A_21 = arith.addf %get3A_15, %get3A_20 : vector<1000x64xf32>
    %mul3A_22 = vector.broadcast %broadcast_in_dim3A : vector<1000x1xf32> to vector<1000x64xf32>
    %mul3A_23 = arith.mulf %add3A_21, %mul3A_22 : vector<1000x64xf32>
    %slice3A = vector.extract_strided_slice %get3A_10 {offsets = [0, 0], sizes = [1, 64], strides = [1, 1]} : vector<1x256xf32> to vector<1x64xf32>
    %add3A_24 = vector.broadcast %slice3A : vector<1x64xf32> to vector<1000x64xf32>
    %add3A_25 = arith.addf %mul3A_23, %add3A_24 : vector<1000x64xf32>
    %gt3A = arith.constant 0.000000e+00 : f32
    %gt3A_26 = vector.broadcast %gt3A : f32 to vector<1000x64xf32>
    %gt3A_27 = arith.cmpf ogt, %add3A_25, %gt3A_26 : vector<1000x64xf32>
    %min3A = arith.constant 0.000000e+00 : f32
    %min3A_28 = vector.broadcast %min3A : f32 to vector<1000x64xf32>
    %min3A_29 = arith.minimumf %add3A_25, %min3A_28 : vector<1000x64xf32>
    %exp3A = math.exp %min3A_29 : vector<1000x64xf32>
    %sub3A = arith.constant 1.000000e+00 : f32
    %sub3A_30 = vector.broadcast %sub3A : f32 to vector<1000x64xf32>
    %sub3A_31 = arith.subf %exp3A, %sub3A_30 : vector<1000x64xf32>
    %select_n3A = arith.select %gt3A_27, %add3A_25, %sub3A_31 : vector<1000x64xi1>, vector<1000x64xf32>
    %get3A_32 = arith.constant 1 : index
    %get3A_33 = arith.constant 0 : index
    %get3A_34 = arith.constant 0 : index
    %get3A_35 = vector.load %arg2[%get3A_32, %get3A_33, %get3A_34] : memref<4x1000x64xf32, #tpu.memory_space<vmem>>, vector<1x1000x64xf32>
    %get3A_36 = vector.shape_cast %get3A_35 : vector<1x1000x64xf32> to vector<1000x64xf32>
    %get3A_37 = arith.constant 1 : index
    %get3A_38 = arith.constant 0 : index
    %get3A_39 = arith.constant 0 : index
    %get3A_40 = vector.load %arg1[%get3A_37, %get3A_38, %get3A_39] : memref<4x1000x64xf32, #tpu.memory_space<vmem>>, vector<1x1000x64xf32>
    %get3A_41 = vector.shape_cast %get3A_40 : vector<1x1000x64xf32> to vector<1000x64xf32>
    %add3A_42 = arith.addf %get3A_36, %get3A_41 : vector<1000x64xf32>
    %mul3A_43 = vector.broadcast %broadcast_in_dim3A : vector<1000x1xf32> to vector<1000x64xf32>
    %mul3A_44 = arith.mulf %add3A_42, %mul3A_43 : vector<1000x64xf32>
    %slice3A_45 = vector.extract_strided_slice %get3A_10 {offsets = [0, 64], sizes = [1, 64], strides = [1, 1]} : vector<1x256xf32> to vector<1x64xf32>
    %add3A_46 = vector.broadcast %slice3A_45 : vector<1x64xf32> to vector<1000x64xf32>
    %add3A_47 = arith.addf %mul3A_44, %add3A_46 : vector<1000x64xf32>
    %gt3A_48 = arith.constant 0.000000e+00 : f32
    %gt3A_49 = vector.broadcast %gt3A_48 : f32 to vector<1000x64xf32>
    %gt3A_50 = arith.cmpf ogt, %add3A_47, %gt3A_49 : vector<1000x64xf32>
    %min3A_51 = arith.constant 0.000000e+00 : f32
    %min3A_52 = vector.broadcast %min3A_51 : f32 to vector<1000x64xf32>
    %min3A_53 = arith.minimumf %add3A_47, %min3A_52 : vector<1000x64xf32>
    %exp3A_54 = math.exp %min3A_53 : vector<1000x64xf32>
    %sub3A_55 = arith.constant 1.000000e+00 : f32
    %sub3A_56 = vector.broadcast %sub3A_55 : f32 to vector<1000x64xf32>
    %sub3A_57 = arith.subf %exp3A_54, %sub3A_56 : vector<1000x64xf32>
    %select_n3A_58 = arith.select %gt3A_50, %add3A_47, %sub3A_57 : vector<1000x64xi1>, vector<1000x64xf32>
    %get3A_59 = arith.constant 2 : index
    %get3A_60 = arith.constant 0 : index
    %get3A_61 = arith.constant 0 : index
    %get3A_62 = vector.load %arg2[%get3A_59, %get3A_60, %get3A_61] : memref<4x1000x64xf32, #tpu.memory_space<vmem>>, vector<1x1000x64xf32>
    %get3A_63 = vector.shape_cast %get3A_62 : vector<1x1000x64xf32> to vector<1000x64xf32>
    %get3A_64 = arith.constant 2 : index
    %get3A_65 = arith.constant 0 : index
    %get3A_66 = arith.constant 0 : index
    %get3A_67 = vector.load %arg1[%get3A_64, %get3A_65, %get3A_66] : memref<4x1000x64xf32, #tpu.memory_space<vmem>>, vector<1x1000x64xf32>
    %get3A_68 = vector.shape_cast %get3A_67 : vector<1x1000x64xf32> to vector<1000x64xf32>
    %add3A_69 = arith.addf %get3A_63, %get3A_68 : vector<1000x64xf32>
    %mul3A_70 = vector.broadcast %broadcast_in_dim3A : vector<1000x1xf32> to vector<1000x64xf32>
    %mul3A_71 = arith.mulf %add3A_69, %mul3A_70 : vector<1000x64xf32>
    %slice3A_72 = vector.extract_strided_slice %get3A_10 {offsets = [0, 128], sizes = [1, 64], strides = [1, 1]} : vector<1x256xf32> to vector<1x64xf32>
    %add3A_73 = vector.broadcast %slice3A_72 : vector<1x64xf32> to vector<1000x64xf32>
    %add3A_74 = arith.addf %mul3A_71, %add3A_73 : vector<1000x64xf32>
    %gt3A_75 = arith.constant 0.000000e+00 : f32
    %gt3A_76 = vector.broadcast %gt3A_75 : f32 to vector<1000x64xf32>
    %gt3A_77 = arith.cmpf ogt, %add3A_74, %gt3A_76 : vector<1000x64xf32>
    %min3A_78 = arith.constant 0.000000e+00 : f32
    %min3A_79 = vector.broadcast %min3A_78 : f32 to vector<1000x64xf32>
    %min3A_80 = arith.minimumf %add3A_74, %min3A_79 : vector<1000x64xf32>
    %exp3A_81 = math.exp %min3A_80 : vector<1000x64xf32>
    %sub3A_82 = arith.constant 1.000000e+00 : f32
    %sub3A_83 = vector.broadcast %sub3A_82 : f32 to vector<1000x64xf32>
    %sub3A_84 = arith.subf %exp3A_81, %sub3A_83 : vector<1000x64xf32>
    %select_n3A_85 = arith.select %gt3A_77, %add3A_74, %sub3A_84 : vector<1000x64xi1>, vector<1000x64xf32>
    %get3A_86 = arith.constant 3 : index
    %get3A_87 = arith.constant 0 : index
    %get3A_88 = arith.constant 0 : index
    %get3A_89 = vector.load %arg2[%get3A_86, %get3A_87, %get3A_88] : memref<4x1000x64xf32, #tpu.memory_space<vmem>>, vector<1x1000x64xf32>
    %get3A_90 = vector.shape_cast %get3A_89 : vector<1x1000x64xf32> to vector<1000x64xf32>
    %get3A_91 = arith.constant 3 : index
    %get3A_92 = arith.constant 0 : index
    %get3A_93 = arith.constant 0 : index
    %get3A_94 = vector.load %arg1[%get3A_91, %get3A_92, %get3A_93] : memref<4x1000x64xf32, #tpu.memory_space<vmem>>, vector<1x1000x64xf32>
    %get3A_95 = vector.shape_cast %get3A_94 : vector<1x1000x64xf32> to vector<1000x64xf32>
    %add3A_96 = arith.addf %get3A_90, %get3A_95 : vector<1000x64xf32>
    %mul3A_97 = vector.broadcast %broadcast_in_dim3A : vector<1000x1xf32> to vector<1000x64xf32>
    %mul3A_98 = arith.mulf %add3A_96, %mul3A_97 : vector<1000x64xf32>
    %slice3A_99 = vector.extract_strided_slice %get3A_10 {offsets = [0, 192], sizes = [1, 64], strides = [1, 1]} : vector<1x256xf32> to vector<1x64xf32>
    %add3A_100 = vector.broadcast %slice3A_99 : vector<1x64xf32> to vector<1000x64xf32>
    %add3A_101 = arith.addf %mul3A_98, %add3A_100 : vector<1000x64xf32>
    %gt3A_102 = arith.constant 0.000000e+00 : f32
    %gt3A_103 = vector.broadcast %gt3A_102 : f32 to vector<1000x64xf32>
    %gt3A_104 = arith.cmpf ogt, %add3A_101, %gt3A_103 : vector<1000x64xf32>
    %min3A_105 = arith.constant 0.000000e+00 : f32
    %min3A_106 = vector.broadcast %min3A_105 : f32 to vector<1000x64xf32>
    %min3A_107 = arith.minimumf %add3A_101, %min3A_106 : vector<1000x64xf32>
    %exp3A_108 = math.exp %min3A_107 : vector<1000x64xf32>
    %sub3A_109 = arith.constant 1.000000e+00 : f32
    %sub3A_110 = vector.broadcast %sub3A_109 : f32 to vector<1000x64xf32>
    %sub3A_111 = arith.subf %exp3A_108, %sub3A_110 : vector<1000x64xf32>
    %select_n3A_112 = arith.select %gt3A_104, %add3A_101, %sub3A_111 : vector<1000x64xi1>, vector<1000x64xf32>
    %concatenate3A = tpu.concatenate %select_n3A, %select_n3A_58, %select_n3A_85, %select_n3A_112 in 1 : vector<1000x64xf32>, vector<1000x64xf32>, vector<1000x64xf32>, vector<1000x64xf32> -> vector<1000x256xf32>
    %get3A_113 = arith.constant 0 : index
    %get3A_114 = arith.constant 0 : index
    %get3A_115 = vector.load %arg5[%get3A_113, %get3A_114] : memref<256x128xf32, #tpu.memory_space<vmem>>, vector<256x128xf32>
    %dot_general3A = arith.constant dense<0.000000e+00> : vector<1000x128xf32>
    %dot_general3A_116 = tpu.matmul %concatenate3A, %get3A_115, %dot_general3A {dimension_numbers = #tpu.dot_dimension_numbers<[1], [0], [0], [1], [0, 0, 1, 1], [], []>, transpose_lhs_hint = false} : vector<1000x256xf32>, vector<256x128xf32>, vector<1000x128xf32> -> vector<1000x128xf32>
    %get3A_117 = arith.constant 0 : index
    %get3A_118 = arith.constant 0 : index
    %get3A_119 = vector.load %arg6[%get3A_117, %get3A_118] : memref<1x128xf32, #tpu.memory_space<vmem>>, vector<1x128xf32>
    %add3A_120 = vector.broadcast %get3A_119 : vector<1x128xf32> to vector<1000x128xf32>
    %add3A_121 = arith.addf %dot_general3A_116, %add3A_120 : vector<1000x128xf32>
    %swap3A = arith.constant 0 : index
    %swap3A_122 = arith.constant 0 : index
    %swap3A_123 = vector.load %arg7[%swap3A, %swap3A_122] : memref<1000x128xf32, #tpu.memory_space<vmem>>, vector<1000x128xf32>
    tpu.vector_store %arg7[%swap3A, %swap3A_122], %add3A_121 {strides = array<i32>} : memref<1000x128xf32, #tpu.memory_space<vmem>>, vector<1000x128xf32>,
    return
  }
  func.func @transform_0(%arg0: i32) -> (i32, i32, i32) {
    %c0_i32 = arith.constant 0 : i32
    %c0_i32_0 = arith.constant 0 : i32
    %c0_i32_1 = arith.constant 0 : i32
    return %c0_i32, %arg0, %c0_i32_0 : i32, i32, i32
  }
  func.func @transform_1(%arg0: i32) -> (i32, i32, i32) {
    %c0_i32 = arith.constant 0 : i32
    %c0_i32_0 = arith.constant 0 : i32
    %c0_i32_1 = arith.constant 0 : i32
    return %c0_i32, %arg0, %c0_i32_0 : i32, i32, i32
  }
  func.func @transform_2(%arg0: i32) -> (i32, i32, i32) {
    %c0_i32 = arith.constant 0 : i32
    %c0_i32_0 = arith.constant 0 : i32
    %c0_i32_1 = arith.constant 0 : i32
    return %c0_i32, %arg0, %c0_i32_0 : i32, i32, i32
  }
  func.func @transform_3(%arg0: i32) -> (i32, i32) {
    %c0_i32 = arith.constant 0 : i32
    %c0_i32_0 = arith.constant 0 : i32
    %c0_i32_1 = arith.constant 0 : i32
    return %c0_i32, %c0_i32_0 : i32, i32
  }
  func.func @transform_4(%arg0: i32) -> (i32, i32) {
    %c0_i32 = arith.constant 0 : i32
    %c0_i32_0 = arith.constant 0 : i32
    %c0_i32_1 = arith.constant 0 : i32
    return %c0_i32, %c0_i32_0 : i32, i32
  }
  func.func @transform_5(%arg0: i32) -> (i32, i32) {
    %c0_i32 = arith.constant 0 : i32
    %c0_i32_0 = arith.constant 0 : i32
    %c0_i32_1 = arith.constant 0 : i32
    return %c0_i32, %c0_i32_0 : i32, i32
  }
  func.func @transform_6(%arg0: i32) -> (i32, i32) {
    %c0_i32 = arith.constant 0 : i32
    %c0_i32_0 = arith.constant 0 : i32
    return %arg0, %c0_i32 : i32, i32
  }
}

</mosaic_0001>

<sc_bundles>
// kernel: kernel.6.cloned.1.call-start
scs
__scs_entry_jumppad:
0x0: {  	(pc) =	sbr.rel $0x88, $3  }
0x1: {  	(tag) =	ssettag $0x0;
	lr =	simm.s32 $0x1  }
0x2: {  	[smem:$0x3F97] =	sst lr;
	_ =	strace $0xD0000000  }
0x3: {  	_ = 	snop  }
0x4: {  	_ = 	snop  }
0x5: {  	_ = 	snop  }
0x6: {  	_ = 	snop  }
0x7: {  	_ = 	snop  }
__scs_overlays_trampoline_lowered:
0x8: {  	[smem:$0x3FA6] =	sst s0  }
0x9: {  	[smem:$0x3FA7] =	sst s1  }
0xa: {  	[smem:$0x3FA8] =	sst s2  }
0xb: {  	[smem:$0x3FA9] =	sst s3  }
0xc: {  	[smem:$0x3FAA] =	sst s4  }
0xd: {  	[smem:$0x3FAB] =	sst s5  }
0xe: {  	[smem:$0x3FAC] =	sst s6  }
0xf: {  	[smem:$0x3FAD] =	sst s7  }
0x10: {  	[smem:$0x3FAE] =	sst s8  }
0x11: {  	[smem:$0x3FAF] =	sst s9;
	s0 =	simm.s32 @!p0 $0x0  }
0x12: {  	s1 =	sld [smem:$0x3F95];
	s0 =	simm.s32 @p0 $0x1  }
0x13: {  	[smem:$0x3FB0] =	sst s0;
	s0 =	simm.s32 @!p1 $0x0  }
0x14: {  	s2 =	sld [smem:$0x3F94];
	s0 =	simm.s32 @p1 $0x1  }
0x15: {  	[smem:$0x3FB1] =	sst s0;
	s0 =	simm.s32 @!p2 $0x0  }
0x16: {  	s3 =	sld [smem:$0x3FDB];
	s0 =	simm.s32 @p2 $0x1  }
0x17: {  	s4 =	simm.s32 $0x1BF5;
	[smem:$0x3FB3] =	sst s0  }
0x18: {  	s0 =	sld [smem:$0x3F96];
	_ =	swait.ge [sflag:s4], $0x0  }
0x19: {  	s7 =	sld [smem:$0x3F97]  }
0x1a: {  	s8 =	sadd.s32 $0xFFFFE003, lr  }
0x1b: {  	s9 =	sadd.s32 $0xFFFFFEF7, lr;
	s5 =	simm.s32 $0xFFFFFFFF;
	p2 =	slt.u32 s8, $0xFFFFF086  }
0x1c: {  	p1 =	slt.u32 s9, $0xF7A;
	s5 =	simm.s32 @!p2 $0x0  }
0x1d: {  	s5 =	simm.s32 @p1 $0x1;
	p0 =	seq.s32 s7, s2  }
0x1e: {  	s7 =	smul.u32 @!p0 $0xF7A, s2;
	p2 =	seq.s32 @!p0 s5, $0x0  }
0x1f: {  	s9 =	smul.u32 $0xF7A, s1;
	s8 =	simm.s32 @!p0 $0x1BF5;
	p2 =	por !p2, p0  }
0x20: {  	[sflag:s8] =	ssyncset.s32 @!p0 $0xFFFFF086;
	s6 =	sadd.s32 @!p0 s3, s7;
	s7 =	simm.s32 @!p0 $0x108  }
0x21: {  	s3 =	sadd.s32 s3, s9;
	s6 =	sadd.s32 @!p0 $0x88, s6;
	s7 =	simm.s32 @p2 $0x1082  }
0x22: {  	[simem:s7], [sflag:s8] =	dma.local @!p0 [hbm:s6], $0xF7A  }
0x23: {  	s9 =	sor.u32 $0xD0000000, s2;
	s6 =	simm.s32 $0x108;
	_ =	swait.ge @!p0 [sflag:s8], $0x0  }
0x24: {  	s3 =	sadd.s32 $0x88, s3;
	s6 =	simm.s32 @!p1 $0x1082;
	[sflag:s4] =	ssyncset.s32 $0xFFFFF086  }
0x25: {  	[simem:s6], [sflag:s4] =	dma.local [hbm:s3], $0xF7A  }
0x26: {  	[smem:$0x3F97] =	sst s1;
	(tag) =	ssettag s2;
	_ =	strace s9  }
0x27: {  	s1 =	sld [smem:$0x3FA7]  }
0x28: {  	s2 =	sld [smem:$0x3FA8]  }
0x29: {  	s4 =	sld [smem:$0x3FAA]  }
0x2a: {  	p0 =	seq.s32 s5, $0x0;
	s5 =	sld [smem:$0x3FAB]  }
0x2b: {  	s6 =	sld [smem:$0x3FAC]  }
0x2c: {  	s7 =	sld [smem:$0x3FAD]  }
0x2d: {  	s3 =	simm.s32 $0x108;
	s8 =	sld [smem:$0x3FAE]  }
0x2e: {  	s3 =	simm.s32 @!p0 $0x1082;
	s9 =	sld [smem:$0x3FAF]  }
0x2f: {  	lr =	sadd.s32 s0, s3;
	s0 =	sld [smem:$0x3FA6]  }
0x30: {  	s3 =	sld [smem:$0x3FA9]  }
0x31: {  	[smem:$0x3FB2] =	sst s10  }
0x32: {  	s10 =	sld [smem:$0x3FB0];
	_ =	sdelay $0x3  }
0x33: {  	p0 =	seq.s32 s10, $0x1;
	s10 =	sld [smem:$0x3FB2];
	_ =	sdelay $0x3  }
0x34: {  	[smem:$0x3FB2] =	sst s10  }
0x35: {  	s10 =	sld [smem:$0x3FB1];
	_ =	sdelay $0x3  }
0x36: {  	p1 =	seq.s32 s10, $0x1;
	s10 =	sld [smem:$0x3FB2];
	_ =	sdelay $0x3  }
0x37: {  	[smem:$0x3FB2] =	sst s10  }
0x38: {  	s10 =	sld [smem:$0x3FB3]  }
0x39: {  	_ = 	snop;
	(pc) =	sbr.ind lr, $3  }
0x3a: {  	_ = 	snop  }
0x3b: {  	_ = 	snop  }
0x3c: {  	p2 =	seq.s32 s10, $0x1;
	s10 =	sld [smem:$0x3FB2]  }
0x3d: {  	_ =	shalt  }
0x3e: {  	_ =	shalt  }
0x3f: {  	_ =	shalt  }
0x40: {  	_ =	shalt  }
0x41: {  	_ =	shalt  }
0x42: {  	_ =	shalt  }
0x43: {  	_ =	shalt  }
0x44: {  	_ =	shalt  }
0x45: {  	_ =	shalt  }
0x46: {  	_ =	shalt  }
0x47: {  	_ =	shalt  }
0x48: {  	_ =	shalt  }
0x49: {  	_ =	shalt  }
0x4a: {  	_ =	shalt  }
0x4b: {  	_ =	shalt  }
0x4c: {  	_ =	shalt  }
0x4d: {  	_ =	shalt  }
0x4e: {  	_ =	shalt  }
0x4f: {  	_ =	shalt  }
0x50: {  	_ =	shalt  }
0x51: {  	_ =	shalt  }
0x52: {  	_ =	shalt  }
0x53: {  	_ =	shalt  }
0x54: {  	_ =	shalt  }
0x55: {  	_ =	shalt  }
0x56: {  	_ =	shalt  }
0x57: {  	_ =	shalt  }
0x58: {  	_ =	shalt  }
0x59: {  	_ =	shalt  }
0x5a: {  	_ =	shalt  }
0x5b: {  	_ =	shalt  }
0x5c: {  	_ =	shalt  }
0x5d: {  	_ =	shalt  }
0x5e: {  	_ =	shalt  }
0x5f: {  	_ =	shalt  }
0x60: {  	_ =	shalt  }
0x61: {  	_ =	shalt  }
0x62: {  	_ =	shalt  }
0x63: {  	_ =	shalt  }
0x64: {  	_ =	shalt  }
0x65: {  	_ =	shalt  }
0x66: {  	_ =	shalt  }
0x67: {  	_ =	shalt  }
0x68: {  	_ =	shalt  }
0x69: {  	_ =	shalt  }
0x6a: {  	_ =	shalt  }
0x6b: {  	_ =	shalt  }
0x6c: {  	_ =	shalt  }
0x6d: {  	_ =	shalt  }
0x6e: {  	_ =	shalt  }
0x6f: {  	_ =	shalt  }
0x70: {  	_ =	shalt  }
0x71: {  	_ =	shalt  }
0x72: {  	_ =	shalt  }
0x73: {  	_ =	shalt  }
0x74: {  	_ =	shalt  }
0x75: {  	_ =	shalt  }
0x76: {  	_ =	shalt  }
0x77: {  	_ =	shalt  }
0x78: {  	_ =	shalt  }
0x79: {  	_ =	shalt  }
0x7a: {  	_ =	shalt  }
0x7b: {  	_ =	shalt  }
0x7c: {  	_ =	shalt  }
0x7d: {  	_ =	shalt  }
0x7e: {  	_ =	shalt  }
0x7f: {  	_ =	shalt  }
0x80: {  	_ =	shalt  }
0x81: {  	_ =	shalt  }
0x82: {  	_ =	shalt  }
0x83: {  	_ =	shalt  }
0x84: {  	_ =	shalt  }
0x85: {  	_ =	shalt  }
0x86: {  	_ =	shalt  }
0x87: {  	_ =	shalt  }
.Lfunc_end0:
.L_simem_size_0:
called_computation_lowered:
.L_overlay_start_0:
0x88: {  	s2 =	sld [smem:$0x3FD9]  }
0x89: {  	s3 =	sld [smem:$0x3FFE];
	_ =	sdelay $0x1  }
0x8a: {  	s1 =	srdreg.scid  }
0x8b: {  	s0 =	sand.u32 $0x1, s1  }
0x8c: {  	s17 =	sshll.u32 s0, $0xA;
	s2 =	sadd.s32 s3, s2  }
0x8d: {  	s2 =	sadd.s32 s2, s17  }
0x8e: {  	[smem:$0x3FBE] =	sst s2  }
0x8f: {  	_ = 	snop  }
0x90: {  	s2 =	sld [smem:$0x3FD0];
	(tm) =	ssettm $0x1  }
0x91: {  	s18 =	sld [smem:$0x3FFB];
	_ =	sdelay $0x3  }
0x92: {  	_ =	strace s18  }
0x93: {  	s3 =	sld [smem:$0x3FFC];
	_ =	sdelay $0x3  }
0x94: {  	_ =	strace s3  }
0x95: {  	s3 =	sld [smem:$0x3FFD];
	_ =	sdelay $0x3  }
0x96: {  	_ =	strace s3  }
0x97: {  	_ =	strace $0x8FFFFFFF  }
0x98: {  	s19 =	sld [smem:$0x3FDB];
	_ =	sdelay $0x1  }
0x99: {  	s4 =	simm.s32 $_scs_section_size  }
0x9a: {  	s5 =	simm.s32 $_size__tile_overlayer_lowered;
	s6 =	simm.s32 $_tile_overlayer_lowered  }
0x9b: {  	s22 =	simm.s32 $0x1BFF;
	s21 =	sshll.u32 s6, $0x1;
	s3 =	sadd.s32 s4, s19  }
0x9c: {  	s7 =	simm.s32 $0x0;
	s20 =	sshll.u32 s5, $0x1;
	s5 =	sadd.s32 s21, s3  }
0x9d: {  	[timem:s7], [sflag:s22] =	dma.local [hbm:s5], s20  }
0x9e: {  	_ =	swait.ge [sflag:s22], s20  }
0x9f: {  	s4 =	ssub.s32 $0x0, s20;
	[sflag:s22] =	ssyncset.done $0x0  }
0xa0: {  	[sflag:s22] =	ssyncadd.s32 s4;
	_ =	sdelay $0x1  }
0xa1: {  	s23 =	simm.s32 $0x1B8B  }
0xa2: {  	_ =	swait.ge [sflag:s23], $0x1  }
0xa3: {  	[sflag:s23] =	ssyncset.done $0x0  }
0xa4: {  	s25 =	simm.s32 $0x1B8E;
	s24 =	sld [smem:$0x3FFE];
	[sflag:s23] =	ssyncadd.s32 $0xFFFFFFFF  }
0xa5: {  	s26 =	simm.s32 $execute0_lowered;
	[smem:$0x3FD2] =	sst s25  }
0xa6: {  	s5 =	sshll.u32 s26, $0x1;
	_ =	strace $0x80000046;
	[dreg:$0x1] =	wrdreg $0xFFFFFFFF  }
0xa7: {  	s28 =	simm.s32 $_size_execute0_lowered;
	s3 =	sadd.s32 s3, s5;
	[dreg:$0x0] =	wrdreg $0x0  }
0xa8: {  	s5 =	sshll.u32 s28, $0x1;
	[dreg:$0x2] =	wrdreg s3  }
0xa9: {  	[dreg:$0x3] =	wrdreg s5  }
0xaa: {  	[dreg:$0x4] =	wrdreg $0xC0  }
0xab: {  	_ =	task [dreg:s7], $0x5FFFF  }
0xac: {  	[dreg:$0x1] =	wrdreg $0xFFFFFFFF  }
0xad: {  	[dreg:$0x0] =	wrdreg $0x60  }
0xae: {  	[dreg:$0x2] =	wrdreg s24  }
0xaf: {  	[dreg:$0x3] =	wrdreg s2  }
0xb0: {  	[dreg:$0x4] =	wrdreg $0x30000  }
0xb1: {  	[dreg:$0x5] =	wrdreg $0x9  }
0xb2: {  	_ =	task.clear_ibuf [dreg:s7], $0x6FFFF;
	_ =	strace $0x90000046  }
0xb3: {  	s29 =	simm.s32 $0x9;
	_ =	strace $0x80000048  }
0xb4: {  	_ =	swait.ge [sflag:s29], $0x1  }
0xb5: {  	[sflag:s29] =	ssyncadd.s32 $0xFFFFFFFF  }
0xb6: {  	_ =	strace $0x90000048  }
0xb7: {  	_ =	sfence  }
0xb8: {  	s30 =	sld [smem:$0x0];
	_ =	sdelay $0x2  }
0xb9: {  	s31 =	sshll.u32 s1, $0xD;
	s1 =	sshrl.u32 s1, $0x2  }
0xba: {  	s3 =	sand.u32 $0x4000, s31;
	s1 =	sadd.s32 s1, s30  }
0xbb: {  	s0 =	sor.u32 s3, s0;
	s1 =	sshll.u32 s1, $0x11  }
0xbc: {  	s0 =	sor.u32 s1, s0  }
0xbd: {  	s0 =	sadd.s32 $0x8F2B, s0  }
0xbe: {  	[sflag:s0] =	ssyncadd.remote.s32 $0x1  }
0xbf: {  	_ =	sfence.sel $0xFFFF  }
0xc0: {  	[dreg:$0x0] =	wrdreg $0xFFFFFFFF;
	(pc) =	sbr.abs _section_cstart, $3  }
0xc1: {  	[dreg:$0x1] =	wrdreg $0xFFFFFFFF  }
0xc2: {  	_ =	task.clear_ibuf [dreg:s7], $0x2FFFF;
	_ =	strace $0x9FFFFFFF  }
0xc3: {  	(tm) =	ssettm $0x7FFFFFFF  }
tec
execute0_lowered:
.L_overlay_start_1:
0x0: {  	(tag) =	ssettag $0x1  }
0x1: {  	s4 =	rddreg [dreg:$0x0]  }
0x2: {  	s8 =	rddreg [dreg:$0x1]  }
0x3: {  	s0 =	srdreg.scid;
	s2 =	rddreg [dreg:$0x2];
	s3 =	simm.s32 $0x0  }
0x4: {  	s14 =	simm.s32 $0x1;
	s15 =	simm.s32 $0x2;
	s16 =	simm.s32 $0x3  }
0x5: {  	s17 =	simm.s32 $0x4;
	s18 =	simm.s32 $0x5;
	s19 =	simm.s32 $0x6  }
0x6: {  	s20 =	simm.s32 $0x7;
	s5 =	sand.u32 $0x1, s0;
	s0 =	stileid.u32  }
0x7: {  	s21 =	simm.s32 $0x8;
	s22 =	simm.s32 $0x0;
	s7 =	smul.u32 $0x2800, s0  }
0x8: {  	[smem:$0x7FF] =	sst s3;
	s1 =	sshll.u32 s5, $0x4;
	s12 =	smul.u32 $0x500, s0  }
0x9: {  	s10 =	ssub.s32 $0x2, s5;
	s29 =	smul.u32 $0x5000, s5;
	s30 =	sshll.u32 s0, $0x6  }
0xa: {  	s6 =	sor.u32 s0, s1;
	s1 =	rddreg [dreg:$0x3];
	_ =	strace $0x80000047  }
0xb: {  	s11 =	sshrl.u32 s10, $0x1;
	s6 =	smul.u32 $0x500, s6;
	s28 =	sshrl.u32 s7, $0x3  }
0xc: {  	s10 =	ssub.s32 s10, s11;
	s13 =	sadd.s32 s7, s2;
	s31 =	sadd.s32 s12, s29  }
0xd: {  	s11 =	simm.s32 $0x9;
	s12 =	simm.s32 $0x2800;
	s8 =	sadd.s32 s8, s31  }
0xe: {  	s9 =	sadd.s32 s6, s4;
	s6 =	sadd.s32 s28, s4;
	s4 =	sadd.s32 $0xB800, s4  }
0xf: {  	s5 =	sadd.s32 $0xBA00, s6;
	s6 =	sor.u32 $0x1C09, s30;
	s7 =	sadd.s32 $0x1800, s9  }
0x10: {  	s9 =	smax.u32 s10, $0x1;
	s10 =	sshrl.u32 s13, $0x3;
	s13 =	simm.s32 $0x80  }
.LBB2_1:
0x11: {  	[spmem:s10], [sflag:s6] =	dma.local [hbm:s5], $0x500  }
0x12: {  	_ =	swait.ge [sflag:s11], $0x500  }
0x13: {  	[sflag:s11] =	ssyncset.done $0x0  }
0x14: {  	[sflag:s11] =	ssyncadd.s32 $0xFFFFFB00  }
0x15: {  	[tilespmem:s3], [sflag:$0x9] =	stream.linear.gather [hbm4b:s7+s3], $0x2800, $0x38;
	[tilespmem:$0x5800] =	vst v63  }
0x16: {  	_ =	swait.ge [sflag:s11], $0x2800  }
0x17: {  	[sflag:s11] =	ssyncset.done $0x0  }
0x18: {  	[sflag:s11] =	ssyncadd.s32 $0xFFFFD800  }
0x19: {  	[tilespmem:s12], [sflag:$0x9] =	stream.linear.gather [hbm4b:s4+s3], $0x800, $0x38;
	[tilespmem:$0x5800] =	vst v63  }
0x1a: {  	_ =	swait.ge [sflag:s11], $0x800  }
0x1b: {  	[sflag:s11] =	ssyncset.done $0x0  }
0x1c: {  	[sflag:s11] =	ssyncadd.s32 $0xFFFFF800  }
0x1d: {  	s23 =	simm.s32 $0x0;
	[bflag:$0x0] =	sbarrier.arrive $0xFFFF  }
0x1e: {  	[spmem:s2] =	stream.indirect.scatter.add.f32 [tilespmem:s12], [sflag:$0x1], $0x10, s23, s13, $0xb8;
	[tilespmem:$0x5800] =	vst v63  }
0x1f: {  	s24 =	simm.s32 $0x80  }
0x20: {  	[spmem:s2] =	stream.indirect.scatter.add.f32 [tilespmem:s12], [sflag:$0x2], $0x10, s24, s13, $0xb8;
	[tilespmem:$0x5800] =	vst v63  }
0x21: {  	s25 =	simm.s32 $0x100  }
0x22: {  	[spmem:s2] =	stream.indirect.scatter.add.f32 [tilespmem:s12], [sflag:$0x3], $0x10, s25, s13, $0xb8;
	[tilespmem:$0x5800] =	vst v63  }
0x23: {  	s26 =	simm.s32 $0x180  }
0x24: {  	[spmem:s2] =	stream.indirect.scatter.add.f32 [tilespmem:s12], [sflag:$0x4], $0x10, s26, s13, $0xb8;
	[tilespmem:$0x5800] =	vst v63  }
0x25: {  	s28 =	simm.s32 $0x200  }
0x26: {  	[spmem:s2] =	stream.indirect.scatter.add.f32 [tilespmem:s12], [sflag:$0x5], $0x10, s28, s13, $0xb8;
	[tilespmem:$0x5800] =	vst v63  }
0x27: {  	s29 =	simm.s32 $0x280  }
0x28: {  	[spmem:s2] =	stream.indirect.scatter.add.f32 [tilespmem:s12], [sflag:$0x6], $0x10, s29, s13, $0xb8;
	[tilespmem:$0x5800] =	vst v63  }
0x29: {  	s30 =	simm.s32 $0x300  }
0x2a: {  	[spmem:s2] =	stream.indirect.scatter.add.f32 [tilespmem:s12], [sflag:$0x7], $0x10, s30, s13, $0xb8;
	[tilespmem:$0x5800] =	vst v63  }
0x2b: {  	s31 =	simm.s32 $0x380  }
0x2c: {  	[spmem:s2] =	stream.indirect.scatter.add.f32 [tilespmem:s12], [sflag:$0x8], $0x10, s31, s13, $0xb8;
	[tilespmem:$0x5800] =	vst v63  }
0x2d: {  	_ =	swait.ge [sflag:s14], $0x800  }
0x2e: {  	[sflag:s14] =	ssyncset.done $0x0  }
0x2f: {  	[sflag:s14] =	ssyncadd.s32 $0xFFFFF800  }
0x30: {  	_ =	swait.ge [sflag:s15], $0x800  }
0x31: {  	[sflag:s15] =	ssyncset.done $0x0  }
0x32: {  	[sflag:s15] =	ssyncadd.s32 $0xFFFFF800  }
0x33: {  	_ =	swait.ge [sflag:s16], $0x800  }
0x34: {  	[sflag:s16] =	ssyncset.done $0x0  }
0x35: {  	[sflag:s16] =	ssyncadd.s32 $0xFFFFF800  }
0x36: {  	_ =	swait.ge [sflag:s17], $0x800  }
0x37: {  	[sflag:s17] =	ssyncset.done $0x0  }
0x38: {  	[sflag:s17] =	ssyncadd.s32 $0xFFFFF800  }
0x39: {  	_ =	swait.ge [sflag:s18], $0x800  }
0x3a: {  	[sflag:s18] =	ssyncset.done $0x0  }
0x3b: {  	[sflag:s18] =	ssyncadd.s32 $0xFFFFF800  }
0x3c: {  	_ =	swait.ge [sflag:s19], $0x800  }
0x3d: {  	[sflag:s19] =	ssyncset.done $0x0  }
0x3e: {  	[sflag:s19] =	ssyncadd.s32 $0xFFFFF800  }
0x3f: {  	_ =	swait.ge [sflag:s20], $0x800  }
0x40: {  	[sflag:s20] =	ssyncset.done $0x0  }
0x41: {  	[sflag:s20] =	ssyncadd.s32 $0xFFFFF800  }
0x42: {  	_ =	swait.ge [sflag:s21], $0x800  }
0x43: {  	s23 =	simm.s32 $0x1000;
	s25 =	simm.s32 $0x2000;
	[sflag:s21] =	ssyncset.done $0x0  }
.LBB2_2:
0x44: {  	s26 =	sshra.s32 s23, $0x2  }
0x45: {  	[sflag:s21] =	ssyncadd.s32 $0xFFFFF800;
	s23 =	smov.u32 s25;
	s24 =	sadd.s32 $0x1000, s25  }
0x46: {  	[spmem:s2] =	stream.indirect.scatter.add.f32 [tilespmem:s12], [sflag:$0x1], $0x10, s26, s13, $0xb8;
	[tilespmem:$0x5800] =	vst v63  }
0x47: {  	p0 =	sne.s32 s25, $0x9000;
	s25 =	sadd.s32 $0x80, s26  }
0x48: {  	[spmem:s2] =	stream.indirect.scatter.add.f32 [tilespmem:s12], [sflag:$0x2], $0x10, s25, s13, $0xb8;
	[tilespmem:$0x5800] =	vst v63  }
0x49: {  	s25 =	sadd.s32 $0x100, s26  }
0x4a: {  	[spmem:s2] =	stream.indirect.scatter.add.f32 [tilespmem:s12], [sflag:$0x3], $0x10, s25, s13, $0xb8;
	[tilespmem:$0x5800] =	vst v63  }
0x4b: {  	s25 =	sadd.s32 $0x180, s26  }
0x4c: {  	[spmem:s2] =	stream.indirect.scatter.add.f32 [tilespmem:s12], [sflag:$0x4], $0x10, s25, s13, $0xb8;
	[tilespmem:$0x5800] =	vst v63  }
0x4d: {  	s25 =	sadd.s32 $0x200, s26  }
0x4e: {  	[spmem:s2] =	stream.indirect.scatter.add.f32 [tilespmem:s12], [sflag:$0x5], $0x10, s25, s13, $0xb8;
	[tilespmem:$0x5800] =	vst v63  }
0x4f: {  	s25 =	sadd.s32 $0x280, s26  }
0x50: {  	[spmem:s2] =	stream.indirect.scatter.add.f32 [tilespmem:s12], [sflag:$0x6], $0x10, s25, s13, $0xb8;
	[tilespmem:$0x5800] =	vst v63  }
0x51: {  	s25 =	sadd.s32 $0x300, s26  }
0x52: {  	[spmem:s2] =	stream.indirect.scatter.add.f32 [tilespmem:s12], [sflag:$0x7], $0x10, s25, s13, $0xb8;
	[tilespmem:$0x5800] =	vst v63  }
0x53: {  	s25 =	sadd.s32 $0x380, s26  }
0x54: {  	[spmem:s2] =	stream.indirect.scatter.add.f32 [tilespmem:s12], [sflag:$0x8], $0x10, s25, s13, $0xb8;
	[tilespmem:$0x5800] =	vst v63  }
0x55: {  	_ =	swait.ge [sflag:s14], $0x800  }
0x56: {  	[sflag:s14] =	ssyncset.done $0x0  }
0x57: {  	[sflag:s14] =	ssyncadd.s32 $0xFFFFF800  }
0x58: {  	_ =	swait.ge [sflag:s15], $0x800  }
0x59: {  	[sflag:s15] =	ssyncset.done $0x0  }
0x5a: {  	[sflag:s15] =	ssyncadd.s32 $0xFFFFF800  }
0x5b: {  	_ =	swait.ge [sflag:s16], $0x800  }
0x5c: {  	[sflag:s16] =	ssyncset.done $0x0  }
0x5d: {  	[sflag:s16] =	ssyncadd.s32 $0xFFFFF800  }
0x5e: {  	_ =	swait.ge [sflag:s17], $0x800  }
0x5f: {  	[sflag:s17] =	ssyncset.done $0x0  }
0x60: {  	[sflag:s17] =	ssyncadd.s32 $0xFFFFF800  }
0x61: {  	_ =	swait.ge [sflag:s18], $0x800  }
0x62: {  	[sflag:s18] =	ssyncset.done $0x0  }
0x63: {  	[sflag:s18] =	ssyncadd.s32 $0xFFFFF800  }
0x64: {  	_ =	swait.ge [sflag:s19], $0x800  }
0x65: {  	[sflag:s19] =	ssyncset.done $0x0  }
0x66: {  	[sflag:s19] =	ssyncadd.s32 $0xFFFFF800  }
.Ltmp0:
0x67: {  	_ =	swait.ge [sflag:s20], $0x800;
	(pc) =	sbr.rel @p0 .LBB2_2-.Ltmp0, $4  }
0x68: {  	[sflag:s20] =	ssyncset.done $0x0  }
0x69: {  	[sflag:s20] =	ssyncadd.s32 $0xFFFFF800  }
0x6a: {  	_ =	swait.ge [sflag:s21], $0x800  }
0x6b: {  	s25 =	smov.u32 s24;
	[sflag:s21] =	ssyncset.done $0x0  }
0x6c: {  	s23 =	sshra.s32 s23, $0x2;
	[sflag:s21] =	ssyncadd.s32 $0xFFFFF800  }
0x6d: {  	[spmem:s2] =	stream.indirect.scatter.add.f32 [tilespmem:s12], [sflag:$0x1], $0x10, s23, s13, $0xb8;
	[tilespmem:$0x5800] =	vst v63  }
0x6e: {  	s24 =	sadd.s32 $0x80, s23  }
0x6f: {  	[spmem:s2] =	stream.indirect.scatter.add.f32 [tilespmem:s12], [sflag:$0x2], $0x10, s24, s13, $0xb8;
	[tilespmem:$0x5800] =	vst v63  }
0x70: {  	s26 =	sadd.s32 $0x100, s23  }
0x71: {  	[spmem:s2] =	stream.indirect.scatter.add.f32 [tilespmem:s12], [sflag:$0x3], $0x10, s26, s13, $0xb8;
	[tilespmem:$0x5800] =	vst v63  }
0x72: {  	s28 =	sadd.s32 $0x180, s23  }
0x73: {  	[spmem:s2] =	stream.indirect.scatter.add.f32 [tilespmem:s12], [sflag:$0x4], $0x10, s28, s13, $0xb8;
	[tilespmem:$0x5800] =	vst v63  }
0x74: {  	s29 =	sadd.s32 $0x200, s23  }
0x75: {  	[spmem:s2] =	stream.indirect.scatter.add.f32 [tilespmem:s12], [sflag:$0x5], $0x10, s29, s13, $0xb8;
	[tilespmem:$0x5800] =	vst v63  }
0x76: {  	s30 =	sadd.s32 $0x280, s23  }
0x77: {  	[spmem:s2] =	stream.indirect.scatter.add.f32 [tilespmem:s12], [sflag:$0x6], $0x10, s30, s13, $0xb8;
	[tilespmem:$0x5800] =	vst v63  }
0x78: {  	s31 =	sadd.s32 $0x300, s23  }
0x79: {  	[spmem:s2] =	stream.indirect.scatter.add.f32 [tilespmem:s12], [sflag:$0x7], $0x10, s31, s13, $0xb8;
	[tilespmem:$0x5800] =	vst v63  }
0x7a: {  	s23 =	sadd.s32 $0x380, s23  }
0x7b: {  	[spmem:s2] =	stream.indirect.scatter.add.f32 [tilespmem:s12], [sflag:$0x8], $0x10, s23, s13, $0xb8;
	[tilespmem:$0x5800] =	vst v63  }
0x7c: {  	_ =	swait.ge [sflag:s14], $0x800  }
0x7d: {  	[sflag:s14] =	ssyncset.done $0x0  }
0x7e: {  	[sflag:s14] =	ssyncadd.s32 $0xFFFFF800  }
0x7f: {  	_ =	swait.ge [sflag:s15], $0x800  }
0x80: {  	[sflag:s15] =	ssyncset.done $0x0  }
0x81: {  	[sflag:s15] =	ssyncadd.s32 $0xFFFFF800  }
0x82: {  	_ =	swait.ge [sflag:s16], $0x800  }
0x83: {  	[sflag:s16] =	ssyncset.done $0x0  }
0x84: {  	[sflag:s16] =	ssyncadd.s32 $0xFFFFF800  }
0x85: {  	_ =	swait.ge [sflag:s17], $0x800  }
0x86: {  	[sflag:s17] =	ssyncset.done $0x0  }
0x87: {  	[sflag:s17] =	ssyncadd.s32 $0xFFFFF800  }
0x88: {  	_ =	swait.ge [sflag:s18], $0x800  }
0x89: {  	[sflag:s18] =	ssyncset.done $0x0  }
0x8a: {  	[sflag:s18] =	ssyncadd.s32 $0xFFFFF800  }
0x8b: {  	_ =	swait.ge [sflag:s19], $0x800  }
0x8c: {  	[sflag:s19] =	ssyncset.done $0x0  }
0x8d: {  	[sflag:s19] =	ssyncadd.s32 $0xFFFFF800  }
0x8e: {  	_ =	swait.ge [sflag:s20], $0x800  }
0x8f: {  	[sflag:s20] =	ssyncset.done $0x0  }
0x90: {  	[sflag:s20] =	ssyncadd.s32 $0xFFFFF800  }
0x91: {  	_ =	swait.ge [sflag:s21], $0x800  }
0x92: {  	s22 =	sadd.s32 $0x1, s22;
	[sflag:s21] =	ssyncset.done $0x0  }
0x93: {  	p0 =	sne.s32 s22, s9;
	[sflag:s21] =	ssyncadd.s32 $0xFFFFF800  }
.Ltmp1:
0x94: {  	[bflag:$0x0] =	sbarrier.arrive $0xFFFF;
	(pc) =	sbr.rel @p0 .LBB2_1-.Ltmp1, $4  }
0x95: {  	[hbm:s8], [sflag:s6] =	dma.local [spmem:s10], $0x500  }
0x96: {  	_ =	swait.ge [sflag:s11], $0x500  }
0x97: {  	[sflag:s11] =	ssyncset.done $0x0  }
0x98: {  	[sflag:s11] =	ssyncadd.s32 $0xFFFFFB00  }
0x99: {  	_ =	sfence.sel $0x180000  }
0x9a: {  	[bflag:$0x0] =	sbarrier.arrive $0xFFFF  }
0x9b: {  	p0 =	sne.s32 s0, $0x0;
	_ =	strace $0x90000047  }
0x9c: {  	s0 =	sadd.s32 @!p0 $0x100000, s1;
	[bflag:$0x2] =	sbarrier.arrive $0xFFFF  }
0x9d: {  	[sflag:s0] =	ssyncadd.tile.s32 @!p0 $0x1;
	_ =	shalt  }
.Lfunc_end2:
_tile_overlayer_lowered:
.L_overlay_start_2:
0x9e: {  	(tag) =	ssettag $0x2  }
0x9f: {  	s0 =	rddreg [dreg:$0x0];
	s2 =	stileid.u32  }
0xa0: {  	s1 =	rddreg [dreg:$0x1];
	p0 =	sne.s32 s2, $0x0  }
0xa1: {  	s3 =	rddreg [dreg:$0x2];
	[bflag:$0x3] =	sbarrier.arrive $0xFFFF;
	s2 =	simm.s32 @!p0 $0x1C09  }
0xa2: {  	[timem:s3], [sflag:s2] =	dma.local @!p0 [hbm:s0], s1  }
0xa3: {  	s0 =	simm.s32 @!p0 $0x9  }
0xa4: {  	_ =	swait.ge @!p0 [sflag:s0], s1  }
0xa5: {  	s1 =	ssub.s32 @!p0 $0x0, s1;
	[sflag:s0] =	ssyncset.done @!p0 $0x0  }
0xa6: {  	[sflag:s0] =	ssyncadd.s32 @!p0 s1  }
0xa7: {  	[bflag:$0x3] =	sbarrier.arrive $0xFFFF  }
0xa8: {  	_ =	shalt  }

// kernel: kernel.9.cloned.1.call-start
scs
__scs_entry_jumppad:
0x0: {  	(pc) =	sbr.rel $0x88, $3  }
0x1: {  	(tag) =	ssettag $0x0;
	lr =	simm.s32 $0x1  }
0x2: {  	[smem:$0x3F97] =	sst lr;
	_ =	strace $0xD0000000  }
0x3: {  	_ = 	snop  }
0x4: {  	_ = 	snop  }
0x5: {  	_ = 	snop  }
0x6: {  	_ = 	snop  }
0x7: {  	_ = 	snop  }
__scs_overlays_trampoline_lowered:
0x8: {  	[smem:$0x3FA6] =	sst s0  }
0x9: {  	[smem:$0x3FA7] =	sst s1  }
0xa: {  	[smem:$0x3FA8] =	sst s2  }
0xb: {  	[smem:$0x3FA9] =	sst s3  }
0xc: {  	[smem:$0x3FAA] =	sst s4  }
0xd: {  	[smem:$0x3FAB] =	sst s5  }
0xe: {  	[smem:$0x3FAC] =	sst s6  }
0xf: {  	[smem:$0x3FAD] =	sst s7  }
0x10: {  	[smem:$0x3FAE] =	sst s8  }
0x11: {  	[smem:$0x3FAF] =	sst s9;
	s0 =	simm.s32 @!p0 $0x0  }
0x12: {  	s1 =	sld [smem:$0x3F95];
	s0 =	simm.s32 @p0 $0x1  }
0x13: {  	[smem:$0x3FB0] =	sst s0;
	s0 =	simm.s32 @!p1 $0x0  }
0x14: {  	s2 =	sld [smem:$0x3F94];
	s0 =	simm.s32 @p1 $0x1  }
0x15: {  	[smem:$0x3FB1] =	sst s0;
	s0 =	simm.s32 @!p2 $0x0  }
0x16: {  	s3 =	sld [smem:$0x3FDB];
	s0 =	simm.s32 @p2 $0x1  }
0x17: {  	s4 =	simm.s32 $0x1BF5;
	[smem:$0x3FB3] =	sst s0  }
0x18: {  	s0 =	sld [smem:$0x3F96];
	_ =	swait.ge [sflag:s4], $0x0  }
0x19: {  	s7 =	sld [smem:$0x3F97]  }
0x1a: {  	s8 =	sadd.s32 $0xFFFFE003, lr  }
0x1b: {  	s9 =	sadd.s32 $0xFFFFFEF7, lr;
	s5 =	simm.s32 $0xFFFFFFFF;
	p2 =	slt.u32 s8, $0xFFFFF086  }
0x1c: {  	p1 =	slt.u32 s9, $0xF7A;
	s5 =	simm.s32 @!p2 $0x0  }
0x1d: {  	s5 =	simm.s32 @p1 $0x1;
	p0 =	seq.s32 s7, s2  }
0x1e: {  	s7 =	smul.u32 @!p0 $0xF7A, s2;
	p2 =	seq.s32 @!p0 s5, $0x0  }
0x1f: {  	s9 =	smul.u32 $0xF7A, s1;
	s8 =	simm.s32 @!p0 $0x1BF5;
	p2 =	por !p2, p0  }
0x20: {  	[sflag:s8] =	ssyncset.s32 @!p0 $0xFFFFF086;
	s6 =	sadd.s32 @!p0 s3, s7;
	s7 =	simm.s32 @!p0 $0x108  }
0x21: {  	s3 =	sadd.s32 s3, s9;
	s6 =	sadd.s32 @!p0 $0x88, s6;
	s7 =	simm.s32 @p2 $0x1082  }
0x22: {  	[simem:s7], [sflag:s8] =	dma.local @!p0 [hbm:s6], $0xF7A  }
0x23: {  	s9 =	sor.u32 $0xD0000000, s2;
	s6 =	simm.s32 $0x108;
	_ =	swait.ge @!p0 [sflag:s8], $0x0  }
0x24: {  	s3 =	sadd.s32 $0x88, s3;
	s6 =	simm.s32 @!p1 $0x1082;
	[sflag:s4] =	ssyncset.s32 $0xFFFFF086  }
0x25: {  	[simem:s6], [sflag:s4] =	dma.local [hbm:s3], $0xF7A  }
0x26: {  	[smem:$0x3F97] =	sst s1;
	(tag) =	ssettag s2;
	_ =	strace s9  }
0x27: {  	s1 =	sld [smem:$0x3FA7]  }
0x28: {  	s2 =	sld [smem:$0x3FA8]  }
0x29: {  	s4 =	sld [smem:$0x3FAA]  }
0x2a: {  	p0 =	seq.s32 s5, $0x0;
	s5 =	sld [smem:$0x3FAB]  }
0x2b: {  	s6 =	sld [smem:$0x3FAC]  }
0x2c: {  	s7 =	sld [smem:$0x3FAD]  }
0x2d: {  	s3 =	simm.s32 $0x108;
	s8 =	sld [smem:$0x3FAE]  }
0x2e: {  	s3 =	simm.s32 @!p0 $0x1082;
	s9 =	sld [smem:$0x3FAF]  }
0x2f: {  	lr =	sadd.s32 s0, s3;
	s0 =	sld [smem:$0x3FA6]  }
0x30: {  	s3 =	sld [smem:$0x3FA9]  }
0x31: {  	[smem:$0x3FB2] =	sst s10  }
0x32: {  	s10 =	sld [smem:$0x3FB0];
	_ =	sdelay $0x3  }
0x33: {  	p0 =	seq.s32 s10, $0x1;
	s10 =	sld [smem:$0x3FB2];
	_ =	sdelay $0x3  }
0x34: {  	[smem:$0x3FB2] =	sst s10  }
0x35: {  	s10 =	sld [smem:$0x3FB1];
	_ =	sdelay $0x3  }
0x36: {  	p1 =	seq.s32 s10, $0x1;
	s10 =	sld [smem:$0x3FB2];
	_ =	sdelay $0x3  }
0x37: {  	[smem:$0x3FB2] =	sst s10  }
0x38: {  	s10 =	sld [smem:$0x3FB3]  }
0x39: {  	_ = 	snop;
	(pc) =	sbr.ind lr, $3  }
0x3a: {  	_ = 	snop  }
0x3b: {  	_ = 	snop  }
0x3c: {  	p2 =	seq.s32 s10, $0x1;
	s10 =	sld [smem:$0x3FB2]  }
0x3d: {  	_ =	shalt  }
0x3e: {  	_ =	shalt  }
0x3f: {  	_ =	shalt  }
0x40: {  	_ =	shalt  }
0x41: {  	_ =	shalt  }
0x42: {  	_ =	shalt  }
0x43: {  	_ =	shalt  }
0x44: {  	_ =	shalt  }
0x45: {  	_ =	shalt  }
0x46: {  	_ =	shalt  }
0x47: {  	_ =	shalt  }
0x48: {  	_ =	shalt  }
0x49: {  	_ =	shalt  }
0x4a: {  	_ =	shalt  }
0x4b: {  	_ =	shalt  }
0x4c: {  	_ =	shalt  }
0x4d: {  	_ =	shalt  }
0x4e: {  	_ =	shalt  }
0x4f: {  	_ =	shalt  }
0x50: {  	_ =	shalt  }
0x51: {  	_ =	shalt  }
0x52: {  	_ =	shalt  }
0x53: {  	_ =	shalt  }
0x54: {  	_ =	shalt  }
0x55: {  	_ =	shalt  }
0x56: {  	_ =	shalt  }
0x57: {  	_ =	shalt  }
0x58: {  	_ =	shalt  }
0x59: {  	_ =	shalt  }
0x5a: {  	_ =	shalt  }
0x5b: {  	_ =	shalt  }
0x5c: {  	_ =	shalt  }
0x5d: {  	_ =	shalt  }
0x5e: {  	_ =	shalt  }
0x5f: {  	_ =	shalt  }
0x60: {  	_ =	shalt  }
0x61: {  	_ =	shalt  }
0x62: {  	_ =	shalt  }
0x63: {  	_ =	shalt  }
0x64: {  	_ =	shalt  }
0x65: {  	_ =	shalt  }
0x66: {  	_ =	shalt  }
0x67: {  	_ =	shalt  }
0x68: {  	_ =	shalt  }
0x69: {  	_ =	shalt  }
0x6a: {  	_ =	shalt  }
0x6b: {  	_ =	shalt  }
0x6c: {  	_ =	shalt  }
0x6d: {  	_ =	shalt  }
0x6e: {  	_ =	shalt  }
0x6f: {  	_ =	shalt  }
0x70: {  	_ =	shalt  }
0x71: {  	_ =	shalt  }
0x72: {  	_ =	shalt  }
0x73: {  	_ =	shalt  }
0x74: {  	_ =	shalt  }
0x75: {  	_ =	shalt  }
0x76: {  	_ =	shalt  }
0x77: {  	_ =	shalt  }
0x78: {  	_ =	shalt  }
0x79: {  	_ =	shalt  }
0x7a: {  	_ =	shalt  }
0x7b: {  	_ =	shalt  }
0x7c: {  	_ =	shalt  }
0x7d: {  	_ =	shalt  }
0x7e: {  	_ =	shalt  }
0x7f: {  	_ =	shalt  }
0x80: {  	_ =	shalt  }
0x81: {  	_ =	shalt  }
0x82: {  	_ =	shalt  }
0x83: {  	_ =	shalt  }
0x84: {  	_ =	shalt  }
0x85: {  	_ =	shalt  }
0x86: {  	_ =	shalt  }
0x87: {  	_ =	shalt  }
.Lfunc_end0:
.L_simem_size_0:
called_computation.1_lowered:
.L_overlay_start_0:
0x88: {  	s2 =	sld [smem:$0x3FD9]  }
0x89: {  	s3 =	sld [smem:$0x3FFE];
	_ =	sdelay $0x1  }
0x8a: {  	s1 =	srdreg.scid  }
0x8b: {  	s0 =	sand.u32 $0x1, s1  }
0x8c: {  	s17 =	sshll.u32 s0, $0xA;
	s2 =	sadd.s32 s3, s2  }
0x8d: {  	s2 =	sadd.s32 s2, s17  }
0x8e: {  	[smem:$0x3FBE] =	sst s2  }
0x8f: {  	_ = 	snop  }
0x90: {  	s2 =	sld [smem:$0x3FD0];
	(tm) =	ssettm $0x1  }
0x91: {  	s18 =	sld [smem:$0x3FFB];
	_ =	sdelay $0x3  }
0x92: {  	_ =	strace s18  }
0x93: {  	s3 =	sld [smem:$0x3FFC];
	_ =	sdelay $0x3  }
0x94: {  	_ =	strace s3  }
0x95: {  	s3 =	sld [smem:$0x3FFD];
	_ =	sdelay $0x3  }
0x96: {  	_ =	strace s3  }
0x97: {  	_ =	strace $0x8FFFFFFF  }
0x98: {  	s19 =	sld [smem:$0x3FDB];
	_ =	sdelay $0x1  }
0x99: {  	s4 =	simm.s32 $_scs_section_size  }
0x9a: {  	s5 =	simm.s32 $_size__tile_overlayer_lowered;
	s6 =	simm.s32 $_tile_overlayer_lowered  }
0x9b: {  	s22 =	simm.s32 $0x1BFF;
	s21 =	sshll.u32 s6, $0x1;
	s3 =	sadd.s32 s4, s19  }
0x9c: {  	s7 =	simm.s32 $0x0;
	s20 =	sshll.u32 s5, $0x1;
	s5 =	sadd.s32 s21, s3  }
0x9d: {  	[timem:s7], [sflag:s22] =	dma.local [hbm:s5], s20  }
0x9e: {  	_ =	swait.ge [sflag:s22], s20  }
0x9f: {  	s4 =	ssub.s32 $0x0, s20;
	[sflag:s22] =	ssyncset.done $0x0  }
0xa0: {  	[sflag:s22] =	ssyncadd.s32 s4;
	_ =	sdelay $0x1  }
0xa1: {  	s23 =	simm.s32 $0x1B8B  }
0xa2: {  	_ =	swait.ge [sflag:s23], $0x1  }
0xa3: {  	[sflag:s23] =	ssyncset.done $0x0  }
0xa4: {  	s25 =	simm.s32 $0x1B8E;
	s24 =	sld [smem:$0x3FFE];
	[sflag:s23] =	ssyncadd.s32 $0xFFFFFFFF  }
0xa5: {  	s26 =	simm.s32 $execute0_lowered;
	[smem:$0x3FD2] =	sst s25  }
0xa6: {  	s5 =	sshll.u32 s26, $0x1;
	_ =	strace $0x80000049;
	[dreg:$0x1] =	wrdreg $0xFFFFFFFF  }
0xa7: {  	s28 =	simm.s32 $_size_execute0_lowered;
	s3 =	sadd.s32 s3, s5;
	[dreg:$0x0] =	wrdreg $0x0  }
0xa8: {  	s5 =	sshll.u32 s28, $0x1;
	[dreg:$0x2] =	wrdreg s3  }
0xa9: {  	[dreg:$0x3] =	wrdreg s5  }
0xaa: {  	[dreg:$0x4] =	wrdreg $0xC0  }
0xab: {  	_ =	task [dreg:s7], $0x5FFFF  }
0xac: {  	[dreg:$0x1] =	wrdreg $0xFFFFFFFF  }
0xad: {  	[dreg:$0x0] =	wrdreg $0x60  }
0xae: {  	[dreg:$0x2] =	wrdreg s24  }
0xaf: {  	[dreg:$0x3] =	wrdreg s2  }
0xb0: {  	[dreg:$0x4] =	wrdreg $0x140000  }
0xb1: {  	[dreg:$0x5] =	wrdreg $0x9  }
0xb2: {  	_ =	task.clear_ibuf [dreg:s7], $0x6FFFF;
	_ =	strace $0x90000049  }
0xb3: {  	s29 =	simm.s32 $0x9;
	_ =	strace $0x8000004B  }
0xb4: {  	_ =	swait.ge [sflag:s29], $0x1  }
0xb5: {  	[sflag:s29] =	ssyncadd.s32 $0xFFFFFFFF  }
0xb6: {  	_ =	strace $0x9000004B  }
0xb7: {  	_ =	sfence  }
0xb8: {  	s30 =	sld [smem:$0x0];
	_ =	sdelay $0x2  }
0xb9: {  	s31 =	sshll.u32 s1, $0xD;
	s1 =	sshrl.u32 s1, $0x2  }
0xba: {  	s3 =	sand.u32 $0x4000, s31;
	s1 =	sadd.s32 s1, s30  }
0xbb: {  	s0 =	sor.u32 s3, s0;
	s1 =	sshll.u32 s1, $0x11  }
0xbc: {  	s0 =	sor.u32 s1, s0  }
0xbd: {  	s0 =	sadd.s32 $0x8F2B, s0  }
0xbe: {  	[sflag:s0] =	ssyncadd.remote.s32 $0x1  }
0xbf: {  	_ =	sfence.sel $0xFFFF  }
0xc0: {  	[dreg:$0x0] =	wrdreg $0xFFFFFFFF;
	(pc) =	sbr.abs _section_cstart, $3  }
0xc1: {  	[dreg:$0x1] =	wrdreg $0xFFFFFFFF  }
0xc2: {  	_ =	task.clear_ibuf [dreg:s7], $0x2FFFF;
	_ =	strace $0x9FFFFFFF  }
0xc3: {  	(tm) =	ssettm $0x7FFFFFFF  }
tec
execute0_lowered:
.L_overlay_start_1:
0x0: {  	(tag) =	ssettag $0x1  }
0x1: {  	s0 =	rddreg [dreg:$0x0]  }
0x2: {  	s1 =	rddreg [dreg:$0x1]  }
0x3: {  	s2 =	rddreg [dreg:$0x2]  }
0x4: {  	s3 =	simm.s32 $0x0;
	s14 =	stileid.u32;
	s5 =	srdreg.scid  }
0x5: {  	s13 =	simm.s32 $0xB;
	s16 =	simm.s32 $0x80;
	s28 =	simm.s32 $0x3  }
0x6: {  	s29 =	simm.s32 $0x4;
	s30 =	simm.s32 $0x5;
	s4 =	smul.u32 $0xA00, s14  }
0x7: {  	s31 =	simm.s32 $0x6;
	[smem:$0x7FF] =	sst s3;
	s9 =	smul.u32 $0x280, s14  }
0x8: {  	s5 =	sand.u32 $0x1, s5;
	s8 =	sadd.s32 $0xB6E00, s0;
	s18 =	smul.u32 $0xA000, s14  }
0x9: {  	s26 =	sshll.u32 s14, $0x6;
	_ =	strace $0x8000004A;
	s19 =	smul.u32 $0x2800, s5  }
0xa: {  	s6 =	ssub.s32 $0x2, s5;
	s20 =	sor.u32 $0x2, s5;
	s21 =	smul.u32 $0x13880, s5  }
0xb: {  	s14 =	sor.u32 $0x1C0B, s26;
	s26 =	simm.s32 $0x2;
	s4 =	sadd.s32 s4, s0  }
0xc: {  	s0 =	sadd.s32 $0x105000, s0;
	s7 =	sshrl.u32 s6, $0x1;
	s12 =	smul.u32 $0x2800, s20  }
0xd: {  	s11 =	sadd.s32 s18, s2;
	s22 =	smul.u32 $0x13880, s20;
	s20 =	simm.s32 $0xE000  }
0xe: {  	s10 =	ssub.s32 s6, s7;
	s17 =	sadd.s32 $0x1800, s4;
	s4 =	sadd.s32 $0x10A00, s4  }
0xf: {  	s6 =	sshrl.u32 s18, $0x3;
	s7 =	sadd.s32 s8, s21;
	s15 =	sshrl.u32 s11, $0x3  }
0x10: {  	s18 =	simm.s32 $0xC000;
	s11 =	simm.s32 $0x9F00;
	[dreg:$0x4] =	wrdreg s17  }
0x11: {  	s21 =	simm.s32 $0x0;
	[dreg:$0x5] =	wrdreg s4;
	s6 =	sadd.s32 s1, s6  }
0x12: {  	s4 =	sadd.s32 s9, s19;
	s9 =	sadd.s32 s9, s12;
	s25 =	smax.u32 s10, $0x1  }
0x13: {  	s17 =	simm.s32 $0xA000;
	s1 =	simm.s32 $0x8;
	s12 =	simm.s32 $0x9  }
0x14: {  	s10 =	simm.s32 $0x9E80;
	s19 =	simm.s32 $0x9F80;
	s4 =	sshll.u32 s4, $0x3  }
0x15: {  	s24 =	sshll.u32 s9, $0x3;
	s9 =	sadd.s32 s8, s22;
	[dreg:$0x8] =	wrdreg s25  }
0x16: {  	s22 =	simm.s32 $0x10000;
	s25 =	simm.s32 $0x1;
	s23 =	sadd.s32 s0, s4  }
0x17: {  	s0 =	sadd.s32 s0, s24;
	s24 =	simm.s32 $0x12000;
	[dreg:$0x6] =	wrdreg s23  }
0x18: {  	s4 =	simm.s32 $0xA;
	[dreg:$0x7] =	wrdreg s0;
	s0 =	simm.s32 $0x7  }
.LBB2_1:
0x19: {  	s5 =	rddreg [dreg:$0x4];
	s8 =	simm.s32 $0x5000  }
0x1a: {  	[tilespmem:s8], [sflag:$0xB] =	stream.linear.gather [hbm4b:s5+s3], $0x5000, $0x38;
	[tilespmem:$0x1E000] =	vst v63  }
0x1b: {  	_ =	swait.ge [sflag:s13], $0x5000  }
0x1c: {  	[sflag:s13] =	ssyncset.done $0x0  }
0x1d: {  	s23 =	rddreg [dreg:$0x5];
	[sflag:s13] =	ssyncadd.s32 $0xFFFFB000  }
0x1e: {  	[tilespmem:s3], [sflag:$0xB] =	stream.linear.gather [hbm4b:s23+s3], $0x5000, $0x38;
	[tilespmem:$0x1E000] =	vst v63  }
0x1f: {  	_ =	swait.ge [sflag:s13], $0x5000  }
0x20: {  	[sflag:s13] =	ssyncset.done $0x0  }
0x21: {  	[sflag:s13] =	ssyncadd.s32 $0xFFFFB000  }
0x22: {  	[spmem:s15], [sflag:s14] =	dma.local [hbm:s6], $0x1400  }
0x23: {  	_ =	swait.ge [sflag:s13], $0x1400  }
0x24: {  	[sflag:s13] =	ssyncset.done $0x0  }
0x25: {  	[sflag:s13] =	ssyncadd.s32 $0xFFFFEC00  }
0x26: {  	[bflag:$0x0] =	sbarrier.arrive $0xFFFF  }
0x27: {  	[tilespmem:s17], [sflag:$0x1] =	stream.indirect.gather [hbm4b:s7+s16], $0x40, s3, s16, $0xb8;
	[tilespmem:$0x1E000] =	vst v63  }
0x28: {  	_ = 	snop  }
0x29: {  	[tilespmem:s18], [sflag:$0x2] =	stream.indirect.gather [hbm4b:s7+s16], $0x40, s16, s16, $0xb8;
	[tilespmem:$0x1E000] =	vst v63  }
0x2a: {  	s8 =	simm.s32 $0x100  }
0x2b: {  	[tilespmem:s20], [sflag:$0x3] =	stream.indirect.gather [hbm4b:s7+s16], $0x40, s8, s16, $0xb8;
	[tilespmem:$0x1E000] =	vst v63  }
0x2c: {  	s23 =	simm.s32 $0x180  }
0x2d: {  	[tilespmem:s22], [sflag:$0x4] =	stream.indirect.gather [hbm4b:s7+s16], $0x40, s23, s16, $0xb8;
	[tilespmem:$0x1E000] =	vst v63  }
0x2e: {  	s8 =	simm.s32 $0x200  }
0x2f: {  	[tilespmem:s24], [sflag:$0x5] =	stream.indirect.gather [hbm4b:s7+s16], $0x40, s8, s16, $0xb8;
	[tilespmem:$0x1E000] =	vst v63  }
0x30: {  	_ =	swait.ge [sflag:s25], $0x2000  }
0x31: {  	[sflag:s25] =	ssyncset.done $0x0  }
0x32: {  	s23 =	simm.s32 $0x5000;
	[sflag:s25] =	ssyncadd.s32 $0xFFFFE000  }
0x33: {  	[spmem:s2] =	stream.indirect.scatter.add.f32 [tilespmem:s17], [sflag:$0x6], $0x40, s23, s16, $0xb8;
	[tilespmem:$0x1E000] =	vst v63  }
0x34: {  	_ =	swait.ge [sflag:s26], $0x2000  }
0x35: {  	[sflag:s26] =	ssyncset.done $0x0  }
0x36: {  	s8 =	simm.s32 $0x5080;
	[sflag:s26] =	ssyncadd.s32 $0xFFFFE000  }
0x37: {  	[spmem:s2] =	stream.indirect.scatter.add.f32 [tilespmem:s18], [sflag:$0x7], $0x40, s8, s16, $0xb8;
	[tilespmem:$0x1E000] =	vst v63  }
0x38: {  	_ =	swait.ge [sflag:s28], $0x2000  }
0x39: {  	[sflag:s28] =	ssyncset.done $0x0  }
0x3a: {  	s23 =	simm.s32 $0x5100;
	[sflag:s28] =	ssyncadd.s32 $0xFFFFE000  }
0x3b: {  	[spmem:s2] =	stream.indirect.scatter.add.f32 [tilespmem:s20], [sflag:$0x8], $0x40, s23, s16, $0xb8;
	[tilespmem:$0x1E000] =	vst v63  }
0x3c: {  	_ =	swait.ge [sflag:s29], $0x2000  }
0x3d: {  	[sflag:s29] =	ssyncset.done $0x0  }
0x3e: {  	s8 =	simm.s32 $0x5180;
	[sflag:s29] =	ssyncadd.s32 $0xFFFFE000  }
0x3f: {  	[spmem:s2] =	stream.indirect.scatter.add.f32 [tilespmem:s22], [sflag:$0x9], $0x40, s8, s16, $0xb8;
	[tilespmem:$0x1E000] =	vst v63  }
0x40: {  	_ =	swait.ge [sflag:s30], $0x2000  }
0x41: {  	[sflag:s30] =	ssyncset.done $0x0  }
0x42: {  	s23 =	simm.s32 $0x5200;
	[sflag:s30] =	ssyncadd.s32 $0xFFFFE000  }
0x43: {  	[spmem:s2] =	stream.indirect.scatter.add.f32 [tilespmem:s24], [sflag:$0xA], $0x40, s23, s16, $0xb8;
	[tilespmem:$0x1E000] =	vst v63  }
0x44: {  	_ =	swait.ge [sflag:s31], $0x2000  }
0x45: {  	[sflag:s31] =	ssyncset.done $0x0  }
0x46: {  	s8 =	simm.s32 $0x280;
	[sflag:s31] =	ssyncadd.s32 $0xFFFFE000  }
0x47: {  	[tilespmem:s17], [sflag:$0x1] =	stream.indirect.gather [hbm4b:s7+s16], $0x40, s8, s16, $0xb8;
	[tilespmem:$0x1E000] =	vst v63  }
0x48: {  	_ =	swait.ge [sflag:s0], $0x2000  }
0x49: {  	[sflag:s0] =	ssyncset.done $0x0  }
0x4a: {  	s23 =	simm.s32 $0x300;
	[sflag:s0] =	ssyncadd.s32 $0xFFFFE000  }
0x4b: {  	[tilespmem:s18], [sflag:$0x2] =	stream.indirect.gather [hbm4b:s7+s16], $0x40, s23, s16, $0xb8;
	[tilespmem:$0x1E000] =	vst v63  }
0x4c: {  	_ =	swait.ge [sflag:s1], $0x2000  }
0x4d: {  	[sflag:s1] =	ssyncset.done $0x0  }
0x4e: {  	s8 =	simm.s32 $0x380;
	[sflag:s1] =	ssyncadd.s32 $0xFFFFE000  }
0x4f: {  	[tilespmem:s20], [sflag:$0x3] =	stream.indirect.gather [hbm4b:s7+s16], $0x40, s8, s16, $0xb8;
	[tilespmem:$0x1E000] =	vst v63  }
0x50: {  	_ =	swait.ge [sflag:s12], $0x2000  }
0x51: {  	[sflag:s12] =	ssyncset.done $0x0  }
0x52: {  	s23 =	simm.s32 $0x400;
	[sflag:s12] =	ssyncadd.s32 $0xFFFFE000  }
0x53: {  	[tilespmem:s22], [sflag:$0x4] =	stream.indirect.gather [hbm4b:s7+s16], $0x40, s23, s16, $0xb8;
	[tilespmem:$0x1E000] =	vst v63  }
0x54: {  	_ =	swait.ge [sflag:s4], $0x2000  }
0x55: {  	[sflag:s4] =	ssyncset.done $0x0  }
0x56: {  	s5 =	simm.s32 $0x480;
	s23 =	simm.s32 $0xA00;
	[sflag:s4] =	ssyncadd.s32 $0xFFFFE000  }
.LBB2_2:
0x57: {  	[tilespmem:s24], [sflag:$0x5] =	stream.indirect.gather [hbm4b:s7+s16], $0x40, s5, s16, $0xb8;
	[tilespmem:$0x1E000] =	vst v63  }
0x58: {  	s5 =	smov.u32 s23  }
0x59: {  	p0 =	sne.s32 s23, $0x12C00;
	s23 =	sadd.s32 $0xA00, s23;
	_ =	swait.ge [sflag:s25], $0x2000  }
0x5a: {  	s5 =	sshra.s32 s5, $0x2;
	[sflag:s25] =	ssyncset.done $0x0  }
0x5b: {  	s8 =	sadd.s32 $0x5000, s5;
	[sflag:s25] =	ssyncadd.s32 $0xFFFFE000  }
0x5c: {  	[spmem:s2] =	stream.indirect.scatter.add.f32 [tilespmem:s17], [sflag:$0x6], $0x40, s8, s16, $0xb8;
	[tilespmem:$0x1E000] =	vst v63  }
0x5d: {  	_ =	swait.ge [sflag:s26], $0x2000  }
0x5e: {  	[sflag:s26] =	ssyncset.done $0x0  }
0x5f: {  	s8 =	sadd.s32 $0x5080, s5;
	[sflag:s26] =	ssyncadd.s32 $0xFFFFE000  }
0x60: {  	[spmem:s2] =	stream.indirect.scatter.add.f32 [tilespmem:s18], [sflag:$0x7], $0x40, s8, s16, $0xb8;
	[tilespmem:$0x1E000] =	vst v63  }
0x61: {  	_ =	swait.ge [sflag:s28], $0x2000  }
0x62: {  	[sflag:s28] =	ssyncset.done $0x0  }
0x63: {  	s8 =	sadd.s32 $0x5100, s5;
	[sflag:s28] =	ssyncadd.s32 $0xFFFFE000  }
0x64: {  	[spmem:s2] =	stream.indirect.scatter.add.f32 [tilespmem:s20], [sflag:$0x8], $0x40, s8, s16, $0xb8;
	[tilespmem:$0x1E000] =	vst v63  }
0x65: {  	_ =	swait.ge [sflag:s29], $0x2000  }
0x66: {  	[sflag:s29] =	ssyncset.done $0x0  }
0x67: {  	s8 =	sadd.s32 $0x5180, s5;
	[sflag:s29] =	ssyncadd.s32 $0xFFFFE000  }
0x68: {  	[spmem:s2] =	stream.indirect.scatter.add.f32 [tilespmem:s22], [sflag:$0x9], $0x40, s8, s16, $0xb8;
	[tilespmem:$0x1E000] =	vst v63  }
0x69: {  	_ =	swait.ge [sflag:s30], $0x2000  }
0x6a: {  	[sflag:s30] =	ssyncset.done $0x0  }
0x6b: {  	s8 =	sadd.s32 $0x5200, s5;
	[sflag:s30] =	ssyncadd.s32 $0xFFFFE000  }
0x6c: {  	[spmem:s2] =	stream.indirect.scatter.add.f32 [tilespmem:s24], [sflag:$0xA], $0x40, s8, s16, $0xb8;
	[tilespmem:$0x1E000] =	vst v63  }
0x6d: {  	_ =	swait.ge [sflag:s31], $0x2000  }
0x6e: {  	[sflag:s31] =	ssyncset.done $0x0  }
0x6f: {  	s8 =	sadd.s32 $0x280, s5;
	[sflag:s31] =	ssyncadd.s32 $0xFFFFE000  }
0x70: {  	[tilespmem:s17], [sflag:$0x1] =	stream.indirect.gather [hbm4b:s7+s16], $0x40, s8, s16, $0xb8;
	[tilespmem:$0x1E000] =	vst v63  }
0x71: {  	_ =	swait.ge [sflag:s0], $0x2000  }
0x72: {  	[sflag:s0] =	ssyncset.done $0x0  }
0x73: {  	s8 =	sadd.s32 $0x300, s5;
	[sflag:s0] =	ssyncadd.s32 $0xFFFFE000  }
0x74: {  	[tilespmem:s18], [sflag:$0x2] =	stream.indirect.gather [hbm4b:s7+s16], $0x40, s8, s16, $0xb8;
	[tilespmem:$0x1E000] =	vst v63  }
0x75: {  	_ =	swait.ge [sflag:s1], $0x2000  }
0x76: {  	[sflag:s1] =	ssyncset.done $0x0  }
0x77: {  	s8 =	sadd.s32 $0x380, s5;
	[sflag:s1] =	ssyncadd.s32 $0xFFFFE000  }
0x78: {  	[tilespmem:s20], [sflag:$0x3] =	stream.indirect.gather [hbm4b:s7+s16], $0x40, s8, s16, $0xb8;
	[tilespmem:$0x1E000] =	vst v63  }
0x79: {  	_ =	swait.ge [sflag:s12], $0x2000  }
0x7a: {  	[sflag:s12] =	ssyncset.done $0x0  }
.Ltmp0:
0x7b: {  	s8 =	sadd.s32 $0x400, s5;
	[sflag:s12] =	ssyncadd.s32 $0xFFFFE000;
	(pc) =	sbr.rel @p0 .LBB2_2-.Ltmp0, $4  }
0x7c: {  	[tilespmem:s22], [sflag:$0x4] =	stream.indirect.gather [hbm4b:s7+s16], $0x40, s8, s16, $0xb8;
	[tilespmem:$0x1E000] =	vst v63  }
0x7d: {  	_ =	swait.ge [sflag:s4], $0x2000  }
0x7e: {  	[sflag:s4] =	ssyncset.done $0x0  }
0x7f: {  	s5 =	sadd.s32 $0x480, s5;
	[sflag:s4] =	ssyncadd.s32 $0xFFFFE000  }
0x80: {  	[tilespmem:s24], [sflag:$0x5] =	stream.indirect.gather [hbm4b:s7+s16], $0x40, s5, s16, $0xb8;
	[tilespmem:$0x1E000] =	vst v63  }
0x81: {  	_ =	swait.ge [sflag:s25], $0x2000  }
0x82: {  	[sflag:s25] =	ssyncset.done $0x0  }
0x83: {  	s8 =	simm.s32 $0x9D80;
	[sflag:s25] =	ssyncadd.s32 $0xFFFFE000  }
0x84: {  	[spmem:s2] =	stream.indirect.scatter.add.f32 [tilespmem:s17], [sflag:$0x6], $0x40, s8, s16, $0xb8;
	[tilespmem:$0x1E000] =	vst v63  }
0x85: {  	_ =	swait.ge [sflag:s26], $0x2000  }
0x86: {  	[sflag:s26] =	ssyncset.done $0x0  }
0x87: {  	s23 =	simm.s32 $0x9E00;
	[sflag:s26] =	ssyncadd.s32 $0xFFFFE000  }
0x88: {  	[spmem:s2] =	stream.indirect.scatter.add.f32 [tilespmem:s18], [sflag:$0x7], $0x40, s23, s16, $0xb8;
	[tilespmem:$0x1E000] =	vst v63  }
0x89: {  	_ =	swait.ge [sflag:s28], $0x2000  }
0x8a: {  	[sflag:s28] =	ssyncset.done $0x0  }
0x8b: {  	[sflag:s28] =	ssyncadd.s32 $0xFFFFE000  }
0x8c: {  	[spmem:s2] =	stream.indirect.scatter.add.f32 [tilespmem:s20], [sflag:$0x8], $0x40, s10, s16, $0xb8;
	[tilespmem:$0x1E000] =	vst v63  }
0x8d: {  	_ =	swait.ge [sflag:s29], $0x2000  }
0x8e: {  	[sflag:s29] =	ssyncset.done $0x0  }
0x8f: {  	[sflag:s29] =	ssyncadd.s32 $0xFFFFE000  }
0x90: {  	[spmem:s2] =	stream.indirect.scatter.add.f32 [tilespmem:s22], [sflag:$0x9], $0x40, s11, s16, $0xb8;
	[tilespmem:$0x1E000] =	vst v63  }
0x91: {  	_ =	swait.ge [sflag:s30], $0x2000  }
0x92: {  	[sflag:s30] =	ssyncset.done $0x0  }
0x93: {  	[sflag:s30] =	ssyncadd.s32 $0xFFFFE000  }
0x94: {  	[spmem:s2] =	stream.indirect.scatter.add.f32 [tilespmem:s24], [sflag:$0xA], $0x40, s19, s16, $0xb8;
	[tilespmem:$0x1E000] =	vst v63  }
0x95: {  	_ =	swait.ge [sflag:s31], $0x2000  }
0x96: {  	[sflag:s31] =	ssyncset.done $0x0  }
0x97: {  	[sflag:s31] =	ssyncadd.s32 $0xFFFFE000  }
0x98: {  	_ =	swait.ge [sflag:s0], $0x2000  }
0x99: {  	[sflag:s0] =	ssyncset.done $0x0  }
0x9a: {  	[sflag:s0] =	ssyncadd.s32 $0xFFFFE000  }
0x9b: {  	_ =	swait.ge [sflag:s1], $0x2000  }
0x9c: {  	[sflag:s1] =	ssyncset.done $0x0  }
0x9d: {  	[sflag:s1] =	ssyncadd.s32 $0xFFFFE000  }
0x9e: {  	_ =	swait.ge [sflag:s12], $0x2000  }
0x9f: {  	[sflag:s12] =	ssyncset.done $0x0  }
0xa0: {  	[sflag:s12] =	ssyncadd.s32 $0xFFFFE000  }
0xa1: {  	_ =	swait.ge [sflag:s4], $0x2000  }
0xa2: {  	[sflag:s4] =	ssyncset.done $0x0  }
0xa3: {  	[sflag:s4] =	ssyncadd.s32 $0xFFFFE000  }
0xa4: {  	[bflag:$0x0] =	sbarrier.arrive $0xFFFF  }
0xa5: {  	s8 =	rddreg [dreg:$0x6]  }
0xa6: {  	[hbm:s8], [sflag:s14] =	dma.local [spmem:s15], $0x1400  }
0xa7: {  	_ =	swait.ge [sflag:s13], $0x1400  }
0xa8: {  	[sflag:s13] =	ssyncset.done $0x0  }
0xa9: {  	[sflag:s13] =	ssyncadd.s32 $0xFFFFEC00  }
0xaa: {  	[spmem:s15], [sflag:s14] =	dma.local [hbm:s6], $0x1400  }
0xab: {  	_ =	swait.ge [sflag:s13], $0x1400  }
0xac: {  	[sflag:s13] =	ssyncset.done $0x0  }
0xad: {  	[sflag:s13] =	ssyncadd.s32 $0xFFFFEC00  }
0xae: {  	s23 =	simm.s32 $0x0;
	[bflag:$0x0] =	sbarrier.arrive $0xFFFF  }
0xaf: {  	[tilespmem:s17], [sflag:$0x1] =	stream.indirect.gather [hbm4b:s9+s16], $0x40, s23, s16, $0xb8;
	[tilespmem:$0x1E000] =	vst v63  }
0xb0: {  	_ = 	snop  }
0xb1: {  	[tilespmem:s18], [sflag:$0x2] =	stream.indirect.gather [hbm4b:s9+s16], $0x40, s16, s16, $0xb8;
	[tilespmem:$0x1E000] =	vst v63  }
0xb2: {  	s8 =	simm.s32 $0x100  }
0xb3: {  	[tilespmem:s20], [sflag:$0x3] =	stream.indirect.gather [hbm4b:s9+s16], $0x40, s8, s16, $0xb8;
	[tilespmem:$0x1E000] =	vst v63  }
0xb4: {  	s23 =	simm.s32 $0x180  }
0xb5: {  	[tilespmem:s22], [sflag:$0x4] =	stream.indirect.gather [hbm4b:s9+s16], $0x40, s23, s16, $0xb8;
	[tilespmem:$0x1E000] =	vst v63  }
0xb6: {  	s8 =	simm.s32 $0x200  }
0xb7: {  	[tilespmem:s24], [sflag:$0x5] =	stream.indirect.gather [hbm4b:s9+s16], $0x40, s8, s16, $0xb8;
	[tilespmem:$0x1E000] =	vst v63  }
0xb8: {  	_ =	swait.ge [sflag:s25], $0x2000  }
0xb9: {  	[sflag:s25] =	ssyncset.done $0x0  }
0xba: {  	s23 =	simm.s32 $0x5000;
	[sflag:s25] =	ssyncadd.s32 $0xFFFFE000  }
0xbb: {  	[spmem:s2] =	stream.indirect.scatter.add.f32 [tilespmem:s17], [sflag:$0x6], $0x40, s23, s16, $0xb8;
	[tilespmem:$0x1E000] =	vst v63  }
0xbc: {  	_ =	swait.ge [sflag:s26], $0x2000  }
0xbd: {  	[sflag:s26] =	ssyncset.done $0x0  }
0xbe: {  	s8 =	simm.s32 $0x5080;
	[sflag:s26] =	ssyncadd.s32 $0xFFFFE000  }
0xbf: {  	[spmem:s2] =	stream.indirect.scatter.add.f32 [tilespmem:s18], [sflag:$0x7], $0x40, s8, s16, $0xb8;
	[tilespmem:$0x1E000] =	vst v63  }
0xc0: {  	_ =	swait.ge [sflag:s28], $0x2000  }
0xc1: {  	[sflag:s28] =	ssyncset.done $0x0  }
0xc2: {  	s23 =	simm.s32 $0x5100;
	[sflag:s28] =	ssyncadd.s32 $0xFFFFE000  }
0xc3: {  	[spmem:s2] =	stream.indirect.scatter.add.f32 [tilespmem:s20], [sflag:$0x8], $0x40, s23, s16, $0xb8;
	[tilespmem:$0x1E000] =	vst v63  }
0xc4: {  	_ =	swait.ge [sflag:s29], $0x2000  }
0xc5: {  	[sflag:s29] =	ssyncset.done $0x0  }
0xc6: {  	s8 =	simm.s32 $0x5180;
	[sflag:s29] =	ssyncadd.s32 $0xFFFFE000  }
0xc7: {  	[spmem:s2] =	stream.indirect.scatter.add.f32 [tilespmem:s22], [sflag:$0x9], $0x40, s8, s16, $0xb8;
	[tilespmem:$0x1E000] =	vst v63  }
0xc8: {  	_ =	swait.ge [sflag:s30], $0x2000  }
0xc9: {  	[sflag:s30] =	ssyncset.done $0x0  }
0xca: {  	s23 =	simm.s32 $0x5200;
	[sflag:s30] =	ssyncadd.s32 $0xFFFFE000  }
0xcb: {  	[spmem:s2] =	stream.indirect.scatter.add.f32 [tilespmem:s24], [sflag:$0xA], $0x40, s23, s16, $0xb8;
	[tilespmem:$0x1E000] =	vst v63  }
0xcc: {  	_ =	swait.ge [sflag:s31], $0x2000  }
0xcd: {  	[sflag:s31] =	ssyncset.done $0x0  }
0xce: {  	s8 =	simm.s32 $0x280;
	[sflag:s31] =	ssyncadd.s32 $0xFFFFE000  }
0xcf: {  	[tilespmem:s17], [sflag:$0x1] =	stream.indirect.gather [hbm4b:s9+s16], $0x40, s8, s16, $0xb8;
	[tilespmem:$0x1E000] =	vst v63  }
0xd0: {  	_ =	swait.ge [sflag:s0], $0x2000  }
0xd1: {  	[sflag:s0] =	ssyncset.done $0x0  }
0xd2: {  	s23 =	simm.s32 $0x300;
	[sflag:s0] =	ssyncadd.s32 $0xFFFFE000  }
0xd3: {  	[tilespmem:s18], [sflag:$0x2] =	stream.indirect.gather [hbm4b:s9+s16], $0x40, s23, s16, $0xb8;
	[tilespmem:$0x1E000] =	vst v63  }
0xd4: {  	_ =	swait.ge [sflag:s1], $0x2000  }
0xd5: {  	[sflag:s1] =	ssyncset.done $0x0  }
0xd6: {  	s8 =	simm.s32 $0x380;
	[sflag:s1] =	ssyncadd.s32 $0xFFFFE000  }
0xd7: {  	[tilespmem:s20], [sflag:$0x3] =	stream.indirect.gather [hbm4b:s9+s16], $0x40, s8, s16, $0xb8;
	[tilespmem:$0x1E000] =	vst v63  }
0xd8: {  	_ =	swait.ge [sflag:s12], $0x2000  }
0xd9: {  	[sflag:s12] =	ssyncset.done $0x0  }
0xda: {  	s23 =	simm.s32 $0x400;
	[sflag:s12] =	ssyncadd.s32 $0xFFFFE000  }
0xdb: {  	[tilespmem:s22], [sflag:$0x4] =	stream.indirect.gather [hbm4b:s9+s16], $0x40, s23, s16, $0xb8;
	[tilespmem:$0x1E000] =	vst v63  }
0xdc: {  	_ =	swait.ge [sflag:s4], $0x2000  }
0xdd: {  	[sflag:s4] =	ssyncset.done $0x0  }
0xde: {  	s5 =	simm.s32 $0x480;
	s23 =	simm.s32 $0xA00;
	[sflag:s4] =	ssyncadd.s32 $0xFFFFE000  }
.LBB2_4:
0xdf: {  	[tilespmem:s24], [sflag:$0x5] =	stream.indirect.gather [hbm4b:s9+s16], $0x40, s5, s16, $0xb8;
	[tilespmem:$0x1E000] =	vst v63  }
0xe0: {  	s5 =	smov.u32 s23  }
0xe1: {  	p0 =	sne.s32 s23, $0x12C00;
	s23 =	sadd.s32 $0xA00, s23;
	_ =	swait.ge [sflag:s25], $0x2000  }
0xe2: {  	s5 =	sshra.s32 s5, $0x2;
	[sflag:s25] =	ssyncset.done $0x0  }
0xe3: {  	s8 =	sadd.s32 $0x5000, s5;
	[sflag:s25] =	ssyncadd.s32 $0xFFFFE000  }
0xe4: {  	[spmem:s2] =	stream.indirect.scatter.add.f32 [tilespmem:s17], [sflag:$0x6], $0x40, s8, s16, $0xb8;
	[tilespmem:$0x1E000] =	vst v63  }
0xe5: {  	_ =	swait.ge [sflag:s26], $0x2000  }
0xe6: {  	[sflag:s26] =	ssyncset.done $0x0  }
0xe7: {  	s8 =	sadd.s32 $0x5080, s5;
	[sflag:s26] =	ssyncadd.s32 $0xFFFFE000  }
0xe8: {  	[spmem:s2] =	stream.indirect.scatter.add.f32 [tilespmem:s18], [sflag:$0x7], $0x40, s8, s16, $0xb8;
	[tilespmem:$0x1E000] =	vst v63  }
0xe9: {  	_ =	swait.ge [sflag:s28], $0x2000  }
0xea: {  	[sflag:s28] =	ssyncset.done $0x0  }
0xeb: {  	s8 =	sadd.s32 $0x5100, s5;
	[sflag:s28] =	ssyncadd.s32 $0xFFFFE000  }
0xec: {  	[spmem:s2] =	stream.indirect.scatter.add.f32 [tilespmem:s20], [sflag:$0x8], $0x40, s8, s16, $0xb8;
	[tilespmem:$0x1E000] =	vst v63  }
0xed: {  	_ =	swait.ge [sflag:s29], $0x2000  }
0xee: {  	[sflag:s29] =	ssyncset.done $0x0  }
0xef: {  	s8 =	sadd.s32 $0x5180, s5;
	[sflag:s29] =	ssyncadd.s32 $0xFFFFE000  }
0xf0: {  	[spmem:s2] =	stream.indirect.scatter.add.f32 [tilespmem:s22], [sflag:$0x9], $0x40, s8, s16, $0xb8;
	[tilespmem:$0x1E000] =	vst v63  }
0xf1: {  	_ =	swait.ge [sflag:s30], $0x2000  }
0xf2: {  	[sflag:s30] =	ssyncset.done $0x0  }
0xf3: {  	s8 =	sadd.s32 $0x5200, s5;
	[sflag:s30] =	ssyncadd.s32 $0xFFFFE000  }
0xf4: {  	[spmem:s2] =	stream.indirect.scatter.add.f32 [tilespmem:s24], [sflag:$0xA], $0x40, s8, s16, $0xb8;
	[tilespmem:$0x1E000] =	vst v63  }
0xf5: {  	_ =	swait.ge [sflag:s31], $0x2000  }
0xf6: {  	[sflag:s31] =	ssyncset.done $0x0  }
0xf7: {  	s8 =	sadd.s32 $0x280, s5;
	[sflag:s31] =	ssyncadd.s32 $0xFFFFE000  }
0xf8: {  	[tilespmem:s17], [sflag:$0x1] =	stream.indirect.gather [hbm4b:s9+s16], $0x40, s8, s16, $0xb8;
	[tilespmem:$0x1E000] =	vst v63  }
0xf9: {  	_ =	swait.ge [sflag:s0], $0x2000  }
0xfa: {  	[sflag:s0] =	ssyncset.done $0x0  }
0xfb: {  	s8 =	sadd.s32 $0x300, s5;
	[sflag:s0] =	ssyncadd.s32 $0xFFFFE000  }
0xfc: {  	[tilespmem:s18], [sflag:$0x2] =	stream.indirect.gather [hbm4b:s9+s16], $0x40, s8, s16, $0xb8;
	[tilespmem:$0x1E000] =	vst v63  }
0xfd: {  	_ =	swait.ge [sflag:s1], $0x2000  }
0xfe: {  	[sflag:s1] =	ssyncset.done $0x0  }
0xff: {  	s8 =	sadd.s32 $0x380, s5;
	[sflag:s1] =	ssyncadd.s32 $0xFFFFE000  }
0x100: {  	[tilespmem:s20], [sflag:$0x3] =	stream.indirect.gather [hbm4b:s9+s16], $0x40, s8, s16, $0xb8;
	[tilespmem:$0x1E000] =	vst v63  }
0x101: {  	_ =	swait.ge [sflag:s12], $0x2000  }
0x102: {  	[sflag:s12] =	ssyncset.done $0x0  }
.Ltmp1:
0x103: {  	s8 =	sadd.s32 $0x400, s5;
	[sflag:s12] =	ssyncadd.s32 $0xFFFFE000;
	(pc) =	sbr.rel @p0 .LBB2_4-.Ltmp1, $4  }
0x104: {  	[tilespmem:s22], [sflag:$0x4] =	stream.indirect.gather [hbm4b:s9+s16], $0x40, s8, s16, $0xb8;
	[tilespmem:$0x1E000] =	vst v63  }
0x105: {  	_ =	swait.ge [sflag:s4], $0x2000  }
0x106: {  	[sflag:s4] =	ssyncset.done $0x0  }
0x107: {  	s5 =	sadd.s32 $0x480, s5;
	[sflag:s4] =	ssyncadd.s32 $0xFFFFE000  }
0x108: {  	[tilespmem:s24], [sflag:$0x5] =	stream.indirect.gather [hbm4b:s9+s16], $0x40, s5, s16, $0xb8;
	[tilespmem:$0x1E000] =	vst v63  }
0x109: {  	_ =	swait.ge [sflag:s25], $0x2000  }
0x10a: {  	[sflag:s25] =	ssyncset.done $0x0  }
0x10b: {  	s8 =	simm.s32 $0x9D80;
	[sflag:s25] =	ssyncadd.s32 $0xFFFFE000  }
0x10c: {  	[spmem:s2] =	stream.indirect.scatter.add.f32 [tilespmem:s17], [sflag:$0x6], $0x40, s8, s16, $0xb8;
	[tilespmem:$0x1E000] =	vst v63  }
0x10d: {  	_ =	swait.ge [sflag:s26], $0x2000  }
0x10e: {  	[sflag:s26] =	ssyncset.done $0x0  }
0x10f: {  	s23 =	simm.s32 $0x9E00;
	[sflag:s26] =	ssyncadd.s32 $0xFFFFE000  }
0x110: {  	[spmem:s2] =	stream.indirect.scatter.add.f32 [tilespmem:s18], [sflag:$0x7], $0x40, s23, s16, $0xb8;
	[tilespmem:$0x1E000] =	vst v63  }
0x111: {  	_ =	swait.ge [sflag:s28], $0x2000  }
0x112: {  	[sflag:s28] =	ssyncset.done $0x0  }
0x113: {  	[sflag:s28] =	ssyncadd.s32 $0xFFFFE000  }
0x114: {  	[spmem:s2] =	stream.indirect.scatter.add.f32 [tilespmem:s20], [sflag:$0x8], $0x40, s10, s16, $0xb8;
	[tilespmem:$0x1E000] =	vst v63  }
0x115: {  	_ =	swait.ge [sflag:s29], $0x2000  }
0x116: {  	[sflag:s29] =	ssyncset.done $0x0  }
0x117: {  	[sflag:s29] =	ssyncadd.s32 $0xFFFFE000  }
0x118: {  	[spmem:s2] =	stream.indirect.scatter.add.f32 [tilespmem:s22], [sflag:$0x9], $0x40, s11, s16, $0xb8;
	[tilespmem:$0x1E000] =	vst v63  }
0x119: {  	_ =	swait.ge [sflag:s30], $0x2000  }
0x11a: {  	[sflag:s30] =	ssyncset.done $0x0  }
0x11b: {  	[sflag:s30] =	ssyncadd.s32 $0xFFFFE000  }
0x11c: {  	[spmem:s2] =	stream.indirect.scatter.add.f32 [tilespmem:s24], [sflag:$0xA], $0x40, s19, s16, $0xb8;
	[tilespmem:$0x1E000] =	vst v63  }
0x11d: {  	_ =	swait.ge [sflag:s31], $0x2000  }
0x11e: {  	[sflag:s31] =	ssyncset.done $0x0  }
0x11f: {  	[sflag:s31] =	ssyncadd.s32 $0xFFFFE000  }
0x120: {  	_ =	swait.ge [sflag:s0], $0x2000  }
0x121: {  	[sflag:s0] =	ssyncset.done $0x0  }
0x122: {  	[sflag:s0] =	ssyncadd.s32 $0xFFFFE000  }
0x123: {  	_ =	swait.ge [sflag:s1], $0x2000  }
0x124: {  	[sflag:s1] =	ssyncset.done $0x0  }
0x125: {  	[sflag:s1] =	ssyncadd.s32 $0xFFFFE000  }
0x126: {  	_ =	swait.ge [sflag:s12], $0x2000  }
0x127: {  	[sflag:s12] =	ssyncset.done $0x0  }
0x128: {  	[sflag:s12] =	ssyncadd.s32 $0xFFFFE000  }
0x129: {  	_ =	swait.ge [sflag:s4], $0x2000  }
0x12a: {  	[sflag:s4] =	ssyncset.done $0x0  }
0x12b: {  	[sflag:s4] =	ssyncadd.s32 $0xFFFFE000  }
0x12c: {  	[bflag:$0x0] =	sbarrier.arrive $0xFFFF  }
0x12d: {  	s8 =	rddreg [dreg:$0x7]  }
0x12e: {  	[hbm:s8], [sflag:s14] =	dma.local [spmem:s15], $0x1400  }
0x12f: {  	_ =	swait.ge [sflag:s13], $0x1400  }
0x130: {  	s21 =	sadd.s32 $0x1, s21;
	s23 =	rddreg [dreg:$0x8]  }
0x131: {  	p0 =	sne.s32 s21, s23  }
.Ltmp2:
0x132: {  	_ = 	snop;
	(pc) =	sbr.rel @p0 .LBB2_1-.Ltmp2, $3  }
0x133: {  	_ =	sdelay $0x1  }
0x134: {  	[sflag:s13] =	ssyncset.done $0x0  }
0x135: {  	[sflag:s13] =	ssyncadd.s32 $0xFFFFEC00  }
0x136: {  	_ =	sfence.sel $0x180000  }
0x137: {  	[bflag:$0x0] =	sbarrier.arrive $0xFFFF  }
0x138: {  	_ =	strace $0x9000004A  }
0x139: {  	s0 =	stileid.u32;
	[bflag:$0x2] =	sbarrier.arrive $0xFFFF  }
0x13a: {  	p0 =	sne.s32 s0, $0x0;
	s0 =	rddreg [dreg:$0x3]  }
0x13b: {  	s0 =	sadd.s32 @!p0 $0x100000, s0  }
0x13c: {  	[sflag:s0] =	ssyncadd.tile.s32 @!p0 $0x1;
	_ =	shalt  }
.Lfunc_end2:
_tile_overlayer_lowered:
.L_overlay_start_2:
0x13d: {  	(tag) =	ssettag $0x2  }
0x13e: {  	s0 =	rddreg [dreg:$0x0];
	s2 =	stileid.u32  }
0x13f: {  	s1 =	rddreg [dreg:$0x1];
	p0 =	sne.s32 s2, $0x0  }
0x140: {  	s3 =	rddreg [dreg:$0x2];
	[bflag:$0x3] =	sbarrier.arrive $0xFFFF;
	s2 =	simm.s32 @!p0 $0x1C0B  }
0x141: {  	[timem:s3], [sflag:s2] =	dma.local @!p0 [hbm:s0], s1  }
0x142: {  	s0 =	simm.s32 @!p0 $0xB  }
0x143: {  	_ =	swait.ge @!p0 [sflag:s0], s1  }
0x144: {  	s1 =	ssub.s32 @!p0 $0x0, s1;
	[sflag:s0] =	ssyncset.done @!p0 $0x0  }
0x145: {  	[sflag:s0] =	ssyncadd.s32 @!p0 s1  }
0x146: {  	[bflag:$0x3] =	sbarrier.arrive $0xFFFF  }
0x147: {  	_ =	shalt  }

</sc_bundles>
